<compile_context>
chip_gen: v7x
topology: tpu7x:2x2x1
jax: 0.10.2.dev20260603
libtpu: 0.0.44.dev20260713+nightly
codegen_flags: <defaults>
</compile_context>

<pallas_src>
import functools

import jax
import jax.numpy as jnp
from jax import lax
from jax.experimental import pallas as pl
from jax.experimental.pallas import tpu as pltpu
from jax.experimental.pallas import tpu_sc as plsc

N = 10000
E = 320000
NC = 2
NS = 16
NW = NC * NS
CHUNK = 100
EPT = E // NW
NCHK = EPT // CHUNK
NBUF = 5
RPS = 632
NPAD = RPS * NS
DEGW = 8

_MESH = plsc.VectorSubcoreMesh(core_axis_name="c", subcore_axis_name="s")
_SC_PARAMS = pltpu.CompilerParams(use_tc_tiling_on_sc=False)



@functools.partial(
    pl.kernel,
    out_type=jax.ShapeDtypeStruct((NC, NPAD, DEGW), jnp.float32),
    mesh=_MESH,
    compiler_params=_SC_PARAMS,
    scratch_types=[
        pltpu.VMEM((NCHK, CHUNK), jnp.int32),
        pltpu.VMEM((CHUNK, DEGW), jnp.float32),
        pltpu.VMEM_SHARED((NPAD, DEGW), jnp.float32),
        pltpu.SemaphoreType.DMA,
    ],
)
def _deg(ei_hbm, ones_hbm, zeros_hbm, out_hbm, dst_v, ones_v, acc_sh, sem):
    c = lax.axis_index("c")
    s = lax.axis_index("s")
    w = c * NS + s
    pltpu.sync_copy(ei_hbm.at[1, w], dst_v)
    pltpu.sync_copy(ones_hbm, ones_v)
    pltpu.sync_copy(zeros_hbm, acc_sh.at[pl.ds(s * RPS, RPS)])
    plsc.subcore_barrier()

    def fire(j, carry):
        pltpu.async_copy(ones_v, acc_sh.at[dst_v.at[j]], sem, add=True)
        return carry

    lax.fori_loop(0, NCHK, fire, 0)

    def drain(j, carry):
        pltpu.make_async_copy(ones_v, acc_sh.at[dst_v.at[0]], sem).wait()
        return carry

    lax.fori_loop(0, NCHK, drain, 0)
    plsc.subcore_barrier()
    pltpu.sync_copy(acc_sh.at[pl.ds(s * RPS, RPS)],
                    out_hbm.at[c, pl.ds(s * RPS, RPS)])


def _make_conv(D):
    @functools.partial(
        pl.kernel,
        out_type=jax.ShapeDtypeStruct((NC, NPAD, D), jnp.float32),
        mesh=_MESH,
        compiler_params=_SC_PARAMS,
        scratch_types=[
            pltpu.VMEM((NCHK, CHUNK), jnp.int32),
            pltpu.VMEM((NCHK, CHUNK), jnp.int32),
            [pltpu.VMEM((CHUNK, D), jnp.float32)] * NBUF,
            pltpu.VMEM_SHARED((NPAD, D), jnp.float32),
            [pltpu.SemaphoreType.DMA] * NBUF,
            [pltpu.SemaphoreType.DMA] * NBUF,
        ],
    )
    def conv(table_hbm, ei_hbm, zeros_hbm, out_hbm,
             src_v, dst_v, rows, acc_sh, gsem, ssem):
        c = lax.axis_index("c")
        s = lax.axis_index("s")
        w = c * NS + s
        pltpu.sync_copy(ei_hbm.at[0, w], src_v)
        pltpu.sync_copy(ei_hbm.at[1, w], dst_v)
        pltpu.sync_copy(zeros_hbm, acc_sh.at[pl.ds(s * RPS, RPS)])
        plsc.subcore_barrier()

        for b in range(NBUF):
            pltpu.async_copy(table_hbm.at[src_v.at[b]], rows[b], gsem[b])

        niter = NCHK // NBUF

        def body(jj, carry):
            j = jj * NBUF
            for b in range(NBUF):
                pltpu.make_async_copy(
                    table_hbm.at[src_v.at[j + b]], rows[b], gsem[b]).wait()
                pltpu.async_copy(
                    rows[b], acc_sh.at[dst_v.at[j + b]], ssem[b], add=True)

            @pl.when(jj + 1 < niter)
            def _():
                for b in range(NBUF):
                    pltpu.make_async_copy(
                        rows[b], acc_sh.at[dst_v.at[j + b]], ssem[b]).wait()
                    pltpu.async_copy(
                        table_hbm.at[src_v.at[j + b + NBUF]], rows[b],
                        gsem[b])

            return carry

        lax.fori_loop(0, niter, body, 0)
        for b in range(NBUF):
            pltpu.make_async_copy(
                rows[b], acc_sh.at[dst_v.at[NCHK - NBUF + b]], ssem[b]).wait()
        plsc.subcore_barrier()
        pltpu.sync_copy(acc_sh.at[pl.ds(s * RPS, RPS)],
                        out_hbm.at[c, pl.ds(s * RPS, RPS)])

    return conv


_conv64 = _make_conv(64)
_conv32 = _make_conv(32)


@functools.partial(
    pl.kernel,
    out_type=jax.ShapeDtypeStruct((E, 32), jnp.float32),
    mesh=_MESH,
    compiler_params=_SC_PARAMS,
    scratch_types=[
        pltpu.VMEM((NCHK, CHUNK), jnp.int32),
        pltpu.VMEM((NCHK, CHUNK), jnp.int32),
        [pltpu.VMEM((CHUNK, 32), jnp.float32)] * 2,
        [pltpu.VMEM((CHUNK, 32), jnp.float32)] * 2,
        [pltpu.VMEM((CHUNK, 32), jnp.float32)] * 2,
        [pltpu.SemaphoreType.DMA] * 2,
        [pltpu.SemaphoreType.DMA] * 2,
        [pltpu.SemaphoreType.DMA] * 2,
    ],
)
def _dec(tab_hbm, eli_hbm, out_hbm,
         ia_v, ib_v, abuf, bbuf, pbuf, gasem, gbsem, wsem):
    c = lax.axis_index("c")
    s = lax.axis_index("s")
    w = c * NS + s
    base = w * EPT
    pltpu.sync_copy(eli_hbm.at[0, w], ia_v)
    pltpu.sync_copy(eli_hbm.at[1, w], ib_v)

    for b in range(2):
        pltpu.async_copy(tab_hbm.at[ia_v.at[b]], abuf[b], gasem[b])
        pltpu.async_copy(tab_hbm.at[ib_v.at[b]], bbuf[b], gbsem[b])

    niter = NCHK // 2

    def body(jj, carry):
        j = jj * 2
        for b in range(2):
            pltpu.make_async_copy(
                tab_hbm.at[ia_v.at[j + b]], abuf[b], gasem[b]).wait()
            pltpu.make_async_copy(
                tab_hbm.at[ib_v.at[j + b]], bbuf[b], gbsem[b]).wait()

            @pl.when(jj > 0)
            def _():
                pltpu.make_async_copy(
                    pbuf[b], out_hbm.at[pl.ds(base, CHUNK)], wsem[b]).wait()

            @plsc.parallel_loop(0, CHUNK, unroll=8)
            def inner(r):
                pbuf[b][r, pl.ds(0, 16)] = (abuf[b][r, pl.ds(0, 16)]
                                            * bbuf[b][r, pl.ds(0, 16)])
                pbuf[b][r, pl.ds(16, 16)] = (abuf[b][r, pl.ds(16, 16)]
                                             * bbuf[b][r, pl.ds(16, 16)])
            pltpu.async_copy(
                pbuf[b], out_hbm.at[pl.ds(base + (j + b) * CHUNK, CHUNK)],
                wsem[b])

            @pl.when(jj + 1 < niter)
            def _():
                pltpu.async_copy(tab_hbm.at[ia_v.at[j + b + 2]], abuf[b],
                                 gasem[b])
                pltpu.async_copy(tab_hbm.at[ib_v.at[j + b + 2]], bbuf[b],
                                 gbsem[b])

        return carry

    lax.fori_loop(0, niter, body, 0)
    for b in range(2):
        pltpu.make_async_copy(
            pbuf[b], out_hbm.at[pl.ds(base, CHUNK)], wsem[b]).wait()



def _pre_body(x_ref, w1, b1, w2, b2, wc1, p0_3, p1_3, hws_o, dinv_o):
    p0, p1 = p0_3.at[0], p1_3.at[0]
    h = jnp.dot(x_ref[...], w1[...], preferred_element_type=jnp.float32)
    h = jnp.maximum(h + b1[...], 0.0)
    h = jnp.dot(h, w2[...], preferred_element_type=jnp.float32)
    h = jnp.maximum(h + b2[...], 0.0)
    hw1 = jnp.dot(h, wc1[...], preferred_element_type=jnp.float32)
    deg8 = 1.0 + p0[...] + p1[...]
    dinv8 = lax.rsqrt(deg8)
    dinv64 = jnp.broadcast_to(dinv8[:, 0:1], (hw1.shape[0], 64))
    dinv_o[...] = dinv64
    hws_o[...] = hw1 * dinv64


def _pre_mlp(x, W1, b1, W2, b2, Wc1, degp):
    blk = 1000
    return pl.pallas_call(
        _pre_body,
        grid=(N // blk,),
        in_specs=[
            pl.BlockSpec((blk, 128), lambda i: (i, 0)),
            pl.BlockSpec((128, 256), lambda i: (0, 0)),
            pl.BlockSpec((1, 256), lambda i: (0, 0)),
            pl.BlockSpec((256, 128), lambda i: (0, 0)),
            pl.BlockSpec((1, 128), lambda i: (0, 0)),
            pl.BlockSpec((128, 64), lambda i: (0, 0)),
            pl.BlockSpec((1, blk, DEGW), lambda i: (0, i, 0)),
            pl.BlockSpec((1, blk, DEGW), lambda i: (1, i, 0)),
        ],
        out_specs=(
            pl.BlockSpec((blk, 64), lambda i: (i, 0)),
            pl.BlockSpec((blk, 64), lambda i: (i, 0)),
        ),
        out_shape=(
            jax.ShapeDtypeStruct((N, 64), jnp.float32),
            jax.ShapeDtypeStruct((N, 64), jnp.float32),
        ),
    )(x, W1, b1, W2, b2, Wc1, degp, degp)


def _mid_body(q0_3, q1_3, hws1, dinv, b1, wc2, emb1_o, hws2_o):
    q0, q1 = q0_3.at[0], q1_3.at[0]
    dv = dinv[...]
    pre = dv * (q0[...] + q1[...] + hws1[...]) + b1[...]
    emb1 = jnp.maximum(pre, 0.0)
    emb1_o[...] = emb1
    hw2 = jnp.dot(emb1, wc2[...], preferred_element_type=jnp.float32)
    hws2_o[...] = hw2 * dv[:, :32]


def _mid(acc, hws1, dinv, b1, Wc2):
    return pl.pallas_call(
        _mid_body,
        grid=(1,),
        in_specs=[
            pl.BlockSpec((1, N, 64), lambda i: (0, 0, 0)),
            pl.BlockSpec((1, N, 64), lambda i: (1, 0, 0)),
            pl.BlockSpec((N, 64), lambda i: (0, 0)),
            pl.BlockSpec((N, 64), lambda i: (0, 0)),
            pl.BlockSpec((1, 64), lambda i: (0, 0)),
            pl.BlockSpec((64, 32), lambda i: (0, 0)),
        ],
        out_specs=(
            pl.BlockSpec((N, 64), lambda i: (0, 0)),
            pl.BlockSpec((N, 32), lambda i: (0, 0)),
        ),
        out_shape=(
            jax.ShapeDtypeStruct((N, 64), jnp.float32),
            jax.ShapeDtypeStruct((N, 32), jnp.float32),
        ),
    )(acc, acc, hws1, dinv, b1, Wc2)


def _post_body(q0_3, q1_3, hws2, dinv, b2, emb2_o):
    q0, q1 = q0_3.at[0], q1_3.at[0]
    dv = dinv[:, :32]
    pre = dv * (q0[...] + q1[...] + hws2[...]) + b2[...]
    emb2_o[...] = jnp.maximum(pre, 0.0)


def _post(acc, hws2, dinv, b2):
    return pl.pallas_call(
        _post_body,
        grid=(1,),
        in_specs=[
            pl.BlockSpec((1, N, 32), lambda i: (0, 0, 0)),
            pl.BlockSpec((1, N, 32), lambda i: (1, 0, 0)),
            pl.BlockSpec((N, 32), lambda i: (0, 0)),
            pl.BlockSpec((N, 64), lambda i: (0, 0)),
            pl.BlockSpec((1, 32), lambda i: (0, 0)),
        ],
        out_specs=pl.BlockSpec((N, 32), lambda i: (0, 0)),
        out_shape=jax.ShapeDtypeStruct((N, 32), jnp.float32),
    )(acc, acc, hws2, dinv, b2)


def _red_body(p_ref, wb_ref, bp_ref, o_ref):
    cst = jnp.sum(bp_ref[...])
    blk4 = p_ref.shape[0] // 128
    p4 = p_ref[...].reshape(blk4, 128)
    d = jnp.dot(p4, wb_ref[...])
    s4 = jnp.concatenate(
        [d[:, 2 * q:2 * q + 1] + d[:, 2 * q + 1:2 * q + 2] for q in range(4)],
        axis=1) + cst
    o_ref[...] = s4[None]


def _red(p1d, wb, bp):
    blk4 = 3200
    nblk = E // (4 * blk4)
    return pl.pallas_call(
        _red_body,
        grid=(nblk,),
        in_specs=[
            pl.BlockSpec((blk4 * 128,), lambda i: (i,)),
            pl.BlockSpec((128, 8), lambda i: (0, 0)),
            pl.BlockSpec((1, 2), lambda i: (0, 0)),
        ],
        out_specs=pl.BlockSpec((1, blk4, 4), lambda i: (i, 0, 0)),
        out_shape=jax.ShapeDtypeStruct((nblk, blk4, 4), jnp.float32),
    )(p1d, wb, bp)



def kernel(x, edge_index, edge_label_index, W_pre1, b_pre1, W_pre2, b_pre2,
           W_conv1, b_conv1, W_conv2, b_conv2, W_post, b_post):
    ei_g = edge_index.reshape(2, NW, NCHK, CHUNK)
    eli_g = edge_label_index.reshape(2, NW, NCHK, CHUNK)

    ones8 = jnp.ones((CHUNK, DEGW), jnp.float32)
    zeros8 = jnp.zeros((RPS, DEGW), jnp.float32)
    zeros64 = jnp.zeros((RPS, 64), jnp.float32)
    zeros32 = jnp.zeros((RPS, 32), jnp.float32)

    degp = _deg(ei_g, ones8, zeros8)

    hws1, dinv = _pre_mlp(x, W_pre1, b_pre1.reshape(1, 256), W_pre2,
                          b_pre2.reshape(1, 128), W_conv1, degp)

    acc1 = _conv64(hws1, ei_g, zeros64)

    emb1, hws2 = _mid(acc1, hws1, dinv,
                      b_conv1.reshape(1, 64), W_conv2)

    acc2 = _conv32(hws2, ei_g, zeros32)

    emb2 = _post(acc2, hws2, dinv, b_conv2.reshape(1, 32))

    prod = _dec(emb2, eli_g)

    wb = jnp.zeros((128, 8), jnp.float32)
    for q in range(4):
        wb = wb.at[32 * q:32 * (q + 1), 2 * q:2 * (q + 1)].set(W_post)
    score = _red(prod.reshape(E * 32), wb,
                 b_post.reshape(1, 2)).reshape(E)

    return (score, emb1, emb2)

# --- scband reference (transcript-rebuilt; emitter-appended) ---
"""Pipeline reference for scband-t3-roland-6442450944064 (READ-ONLY COPY).

The authoritative reference and input builder live on the scoring server;
editing this copy changes nothing except your own understanding.
"""

import jax, jax.numpy as jnp
import numpy as np

N = 10000
D_IN = 128
E = 320000
EL = 320000
H1 = 64
H2 = 32

def _init(key, shape, scale=0.05):
    return jax.random.normal(key, shape, dtype=jnp.float32) * scale

def setup_inputs(seed: int = 0):
    key = jax.random.key(seed)
    ks = jax.random.split(key, 10)
    inp = {}
    inp["x"] = jax.random.normal(ks[0], (N, D_IN), dtype=jnp.float32)
    inp["edge_index"] = jax.random.randint(ks[1], (2, E), 0, N, dtype=jnp.int32)
    inp["edge_label_index"] = jax.random.randint(ks[2], (2, EL), 0, N, dtype=jnp.int32)
    inp["W_pre1"] = _init(ks[3], (D_IN, 256))
    inp["b_pre1"] = jnp.zeros((256,), jnp.float32)
    inp["W_pre2"] = _init(ks[4], (256, 128))
    inp["b_pre2"] = jnp.zeros((128,), jnp.float32)
    inp["W_conv1"] = _init(ks[5], (128, H1))
    inp["b_conv1"] = jnp.zeros((H1,), jnp.float32)
    inp["W_conv2"] = _init(ks[6], (H1, H2))
    inp["b_conv2"] = jnp.zeros((H2,), jnp.float32)
    inp["W_post"] = _init(ks[7], (H2, 2))
    inp["b_post"] = jnp.zeros((2,), jnp.float32)
    return inp

def _gcn_conv(h, src, dst, norm, W, b, n):
    # GCNConv: out = D^{-1/2} (A + I) D^{-1/2} (h W) + b, realized as gather + scatter-add
    hw = h @ W
    msg = hw[src] * norm[:, None]
    out = jnp.zeros((n, W.shape[1]), h.dtype).at[dst].add(msg)
    return out + b

def reference(x, edge_index, edge_label_index, W_pre1, b_pre1, W_pre2, b_pre2, W_conv1, b_conv1, W_conv2, b_conv2, W_post, b_post):
    n = x.shape[0]
    loop = jnp.arange(n, dtype=edge_index.dtype)
    src = jnp.concatenate([edge_index[0], loop])
    dst = jnp.concatenate([edge_index[1], loop])
    deg = jnp.zeros((n,), x.dtype).at[dst].add(1.0)
    dinv = jax.lax.rsqrt(deg)  # deg >= 1 due to self-loops
    norm = dinv[src] * dinv[dst]
    # preprocess MLP (dropout p=0.0 -> identity; isnap=0 -> no temporal update branch)
    h = jax.nn.relu(x @ W_pre1 + b_pre1)
    h = jax.nn.relu(h @ W_pre2 + b_pre2)
    # conv1
    h = jax.nn.relu(_gcn_conv(h, src, dst, norm, W_conv1, b_conv1, n))
    emb1 = h
    # conv2
    h = jax.nn.relu(_gcn_conv(h, src, dst, norm, W_conv2, b_conv2, n))
    emb2 = h
    # link decoder: hadamard of endpoint embeddings + linear head summed over logits
    h_src = h[edge_label_index[0]]
    h_dst = h[edge_label_index[1]]
    h_had = h_src * h_dst
    score = jnp.sum(h_had @ W_post + b_post, axis=-1)
    return (score, emb1, emb2)

if __name__ == "__main__":
    import jax
    _d = setup_inputs()
    print(jax.jit(kernel)(*tuple(_d.values())))

</pallas_src>

<mosaic_0001>
#map = affine_map<(d0, d1) -> (0, 0)>
#map1 = affine_map<(d0, d1) -> (0, 0, 0, 0)>
module attributes {stable_mosaic.version = 14 : i64} {
  func.func @_dec(%arg0: i32, %arg1: i32, %arg2: memref<10000x32xf32, #tpu.memory_space<hbm>>, %arg3: memref<2x32x100x100xi32, #tpu.memory_space<hbm>>, %arg4: memref<320000x32xf32, #tpu.memory_space<hbm>>, %arg5: memref<100x100xi32, #tpu.memory_space<vmem>>, %arg6: memref<100x100xi32, #tpu.memory_space<vmem>>, %arg7: memref<100x32xf32, #tpu.memory_space<vmem>>, %arg8: memref<100x32xf32, #tpu.memory_space<vmem>>, %arg9: memref<100x32xf32, #tpu.memory_space<vmem>>, %arg10: memref<100x32xf32, #tpu.memory_space<vmem>>, %arg11: memref<100x32xf32, #tpu.memory_space<vmem>>, %arg12: memref<100x32xf32, #tpu.memory_space<vmem>>, %arg13: memref<!tpu.dma_semaphore, #tpu.memory_space<semaphore_mem>>, %arg14: memref<!tpu.dma_semaphore, #tpu.memory_space<semaphore_mem>>, %arg15: memref<!tpu.dma_semaphore, #tpu.memory_space<semaphore_mem>>, %arg16: memref<!tpu.dma_semaphore, #tpu.memory_space<semaphore_mem>>, %arg17: memref<!tpu.dma_semaphore, #tpu.memory_space<semaphore_mem>>, %arg18: memref<!tpu.dma_semaphore, #tpu.memory_space<semaphore_mem>>) attributes {dimension_semantics = [#tpu.dimension_semantics<core_parallel>, #tpu.dimension_semantics<subcore_parallel>], iteration_bounds = array<i64: 2, 16>, scalar_prefetch = 0 : i64, scratch_operands = 14 : i64, tpu.core_type = #tpu.core_type<sc_vector_subcore>, window_params = [{transform_indices = #map}, {transform_indices = #map1}, {transform_indices = #map}]} {
    %mul3A = arith.constant 16 : i32
    %mul3A_0 = arith.muli %arg0, %mul3A : i32
    %add3A = arith.addi %mul3A_0, %arg1 : i32
    %mul3A_1 = arith.constant 10000 : i32
    %mul3A_2 = arith.muli %add3A, %mul3A_1 : i32
    %run_scoped3A = arith.constant 0 : i32
    "tpu.region"() ({
      %run_scoped3A_43 = tpu.sem_alloc : memref<!tpu.dma_semaphore, #tpu.memory_space<semaphore_mem>>
      %dma_start3A_44 = arith.constant 0 : i32
      %dma_start3A_45 = arith.constant 0 : i32
      %dma_start3A_46 = tpu.memref_slice %arg3[%run_scoped3A, %add3A, %dma_start3A_44, %dma_start3A_45] : memref<2x32x100x100xi32, #tpu.memory_space<hbm>> -> memref<1x1x100x100xi32, #tpu.memory_space<hbm>>
      %dma_start3A_47 = tpu.memref_squeeze %dma_start3A_46 : memref<1x1x100x100xi32, #tpu.memory_space<hbm>> -> memref<100x100xi32, #tpu.memory_space<hbm>>
      %dma_start3A_48 = arith.constant 0 : i32
      %dma_start3A_49 = arith.constant 0 : i32
      %dma_start3A_50 = tpu.memref_slice %arg3[%run_scoped3A, %add3A, %dma_start3A_48, %dma_start3A_49] : memref<2x32x100x100xi32, #tpu.memory_space<hbm>> -> memref<1x1x100x100xi32, #tpu.memory_space<hbm>>
      %dma_start3A_51 = tpu.memref_squeeze %dma_start3A_50 : memref<1x1x100x100xi32, #tpu.memory_space<hbm>> -> memref<100x100xi32, #tpu.memory_space<hbm>>
      tpu.enqueue_dma source(%dma_start3A_51 : memref<100x100xi32, #tpu.memory_space<hbm>>) target(%arg5 : memref<100x100xi32, #tpu.memory_space<vmem>>) target_semaphore(%run_scoped3A_43 : memref<!tpu.dma_semaphore, #tpu.memory_space<semaphore_mem>>)
      %dma_wait3A_52 = arith.constant 0 : i32
      %dma_wait3A_53 = arith.constant 0 : i32
      %dma_wait3A_54 = tpu.memref_slice %arg3[%run_scoped3A, %add3A, %dma_wait3A_52, %dma_wait3A_53] : memref<2x32x100x100xi32, #tpu.memory_space<hbm>> -> memref<1x1x100x100xi32, #tpu.memory_space<hbm>>
      %dma_wait3A_55 = tpu.memref_squeeze %dma_wait3A_54 : memref<1x1x100x100xi32, #tpu.memory_space<hbm>> -> memref<100x100xi32, #tpu.memory_space<hbm>>
      %dma_wait3A_56 = arith.constant 0 : i32
      %dma_wait3A_57 = arith.constant 0 : i32
      %dma_wait3A_58 = tpu.memref_slice %arg3[%run_scoped3A, %add3A, %dma_wait3A_56, %dma_wait3A_57] : memref<2x32x100x100xi32, #tpu.memory_space<hbm>> -> memref<1x1x100x100xi32, #tpu.memory_space<hbm>>
      %dma_wait3A_59 = tpu.memref_squeeze %dma_wait3A_58 : memref<1x1x100x100xi32, #tpu.memory_space<hbm>> -> memref<100x100xi32, #tpu.memory_space<hbm>>
      tpu.wait_dma2 semaphore(%run_scoped3A_43 : memref<!tpu.dma_semaphore, #tpu.memory_space<semaphore_mem>>) src(%dma_wait3A_59 : memref<100x100xi32, #tpu.memory_space<hbm>>) dst(%arg5 : memref<100x100xi32, #tpu.memory_space<vmem>>)
      tpu.yield
    }) : () -> ()
    %run_scoped3A_3 = arith.constant 1 : i32
    "tpu.region"() ({
      %run_scoped3A_43 = tpu.sem_alloc : memref<!tpu.dma_semaphore, #tpu.memory_space<semaphore_mem>>
      %dma_start3A_44 = arith.constant 0 : i32
      %dma_start3A_45 = arith.constant 0 : i32
      %dma_start3A_46 = tpu.memref_slice %arg3[%run_scoped3A_3, %add3A, %dma_start3A_44, %dma_start3A_45] : memref<2x32x100x100xi32, #tpu.memory_space<hbm>> -> memref<1x1x100x100xi32, #tpu.memory_space<hbm>>
      %dma_start3A_47 = tpu.memref_squeeze %dma_start3A_46 : memref<1x1x100x100xi32, #tpu.memory_space<hbm>> -> memref<100x100xi32, #tpu.memory_space<hbm>>
      %dma_start3A_48 = arith.constant 0 : i32
      %dma_start3A_49 = arith.constant 0 : i32
      %dma_start3A_50 = tpu.memref_slice %arg3[%run_scoped3A_3, %add3A, %dma_start3A_48, %dma_start3A_49] : memref<2x32x100x100xi32, #tpu.memory_space<hbm>> -> memref<1x1x100x100xi32, #tpu.memory_space<hbm>>
      %dma_start3A_51 = tpu.memref_squeeze %dma_start3A_50 : memref<1x1x100x100xi32, #tpu.memory_space<hbm>> -> memref<100x100xi32, #tpu.memory_space<hbm>>
      tpu.enqueue_dma source(%dma_start3A_51 : memref<100x100xi32, #tpu.memory_space<hbm>>) target(%arg6 : memref<100x100xi32, #tpu.memory_space<vmem>>) target_semaphore(%run_scoped3A_43 : memref<!tpu.dma_semaphore, #tpu.memory_space<semaphore_mem>>)
      %dma_wait3A_52 = arith.constant 0 : i32
      %dma_wait3A_53 = arith.constant 0 : i32
      %dma_wait3A_54 = tpu.memref_slice %arg3[%run_scoped3A_3, %add3A, %dma_wait3A_52, %dma_wait3A_53] : memref<2x32x100x100xi32, #tpu.memory_space<hbm>> -> memref<1x1x100x100xi32, #tpu.memory_space<hbm>>
      %dma_wait3A_55 = tpu.memref_squeeze %dma_wait3A_54 : memref<1x1x100x100xi32, #tpu.memory_space<hbm>> -> memref<100x100xi32, #tpu.memory_space<hbm>>
      %dma_wait3A_56 = arith.constant 0 : i32
      %dma_wait3A_57 = arith.constant 0 : i32
      %dma_wait3A_58 = tpu.memref_slice %arg3[%run_scoped3A_3, %add3A, %dma_wait3A_56, %dma_wait3A_57] : memref<2x32x100x100xi32, #tpu.memory_space<hbm>> -> memref<1x1x100x100xi32, #tpu.memory_space<hbm>>
      %dma_wait3A_59 = tpu.memref_squeeze %dma_wait3A_58 : memref<1x1x100x100xi32, #tpu.memory_space<hbm>> -> memref<100x100xi32, #tpu.memory_space<hbm>>
      tpu.wait_dma2 semaphore(%run_scoped3A_43 : memref<!tpu.dma_semaphore, #tpu.memory_space<semaphore_mem>>) src(%dma_wait3A_59 : memref<100x100xi32, #tpu.memory_space<hbm>>) dst(%arg6 : memref<100x100xi32, #tpu.memory_space<vmem>>)
      tpu.yield
    }) : () -> ()
    %dma_start3A = arith.constant 0 : i32
    %dma_start3A_4 = arith.constant 0 : i32
    %dma_start3A_5 = tpu.memref_slice %arg5[%dma_start3A, %dma_start3A_4] : memref<100x100xi32, #tpu.memory_space<vmem>> -> memref<1x100xi32, #tpu.memory_space<vmem>>
    %dma_start3A_6 = tpu.memref_squeeze %dma_start3A_5 : memref<1x100xi32, #tpu.memory_space<vmem>> -> memref<100xi32, #tpu.memory_space<vmem>>
    %dma_start3A_7 = arith.constant 0 : i32
    %dma_start3A_8 = arith.constant 0 : i32
    %dma_start3A_9 = tpu.memref_slice %arg2[%dma_start3A_7, %dma_start3A_8] : memref<10000x32xf32, #tpu.memory_space<hbm>> -> memref<10000x32xf32, #tpu.memory_space<hbm>>
    tpu.enqueue_indirect_dma source(%dma_start3A_9 : memref<10000x32xf32, #tpu.memory_space<hbm>>) target(%arg7 : memref<100x32xf32, #tpu.memory_space<vmem>>) offsets(%dma_start3A_6 : memref<100xi32, #tpu.memory_space<vmem>>) semaphore(%arg13 : memref<!tpu.dma_semaphore, #tpu.memory_space<semaphore_mem>>)
    %dma_start3A_10 = arith.constant 0 : i32
    %dma_start3A_11 = arith.constant 0 : i32
    %dma_start3A_12 = tpu.memref_slice %arg6[%dma_start3A_10, %dma_start3A_11] : memref<100x100xi32, #tpu.memory_space<vmem>> -> memref<1x100xi32, #tpu.memory_space<vmem>>
    %dma_start3A_13 = tpu.memref_squeeze %dma_start3A_12 : memref<1x100xi32, #tpu.memory_space<vmem>> -> memref<100xi32, #tpu.memory_space<vmem>>
    %dma_start3A_14 = arith.constant 0 : i32
    %dma_start3A_15 = arith.constant 0 : i32
    %dma_start3A_16 = tpu.memref_slice %arg2[%dma_start3A_14, %dma_start3A_15] : memref<10000x32xf32, #tpu.memory_space<hbm>> -> memref<10000x32xf32, #tpu.memory_space<hbm>>
    tpu.enqueue_indirect_dma source(%dma_start3A_16 : memref<10000x32xf32, #tpu.memory_space<hbm>>) target(%arg9 : memref<100x32xf32, #tpu.memory_space<vmem>>) offsets(%dma_start3A_13 : memref<100xi32, #tpu.memory_space<vmem>>) semaphore(%arg15 : memref<!tpu.dma_semaphore, #tpu.memory_space<semaphore_mem>>)
    %dma_start3A_17 = arith.constant 1 : i32
    %dma_start3A_18 = arith.constant 0 : i32
    %dma_start3A_19 = tpu.memref_slice %arg5[%dma_start3A_17, %dma_start3A_18] : memref<100x100xi32, #tpu.memory_space<vmem>> -> memref<1x100xi32, #tpu.memory_space<vmem>>
    %dma_start3A_20 = tpu.memref_squeeze %dma_start3A_19 : memref<1x100xi32, #tpu.memory_space<vmem>> -> memref<100xi32, #tpu.memory_space<vmem>>
    %dma_start3A_21 = arith.constant 0 : i32
    %dma_start3A_22 = arith.constant 0 : i32
    %dma_start3A_23 = tpu.memref_slice %arg2[%dma_start3A_21, %dma_start3A_22] : memref<10000x32xf32, #tpu.memory_space<hbm>> -> memref<10000x32xf32, #tpu.memory_space<hbm>>
    tpu.enqueue_indirect_dma source(%dma_start3A_23 : memref<10000x32xf32, #tpu.memory_space<hbm>>) target(%arg8 : memref<100x32xf32, #tpu.memory_space<vmem>>) offsets(%dma_start3A_20 : memref<100xi32, #tpu.memory_space<vmem>>) semaphore(%arg14 : memref<!tpu.dma_semaphore, #tpu.memory_space<semaphore_mem>>)
    %dma_start3A_24 = arith.constant 1 : i32
    %dma_start3A_25 = arith.constant 0 : i32
    %dma_start3A_26 = tpu.memref_slice %arg6[%dma_start3A_24, %dma_start3A_25] : memref<100x100xi32, #tpu.memory_space<vmem>> -> memref<1x100xi32, #tpu.memory_space<vmem>>
    %dma_start3A_27 = tpu.memref_squeeze %dma_start3A_26 : memref<1x100xi32, #tpu.memory_space<vmem>> -> memref<100xi32, #tpu.memory_space<vmem>>
    %dma_start3A_28 = arith.constant 0 : i32
    %dma_start3A_29 = arith.constant 0 : i32
    %dma_start3A_30 = tpu.memref_slice %arg2[%dma_start3A_28, %dma_start3A_29] : memref<10000x32xf32, #tpu.memory_space<hbm>> -> memref<10000x32xf32, #tpu.memory_space<hbm>>
    tpu.enqueue_indirect_dma source(%dma_start3A_30 : memref<10000x32xf32, #tpu.memory_space<hbm>>) target(%arg10 : memref<100x32xf32, #tpu.memory_space<vmem>>) offsets(%dma_start3A_27 : memref<100xi32, #tpu.memory_space<vmem>>) semaphore(%arg16 : memref<!tpu.dma_semaphore, #tpu.memory_space<semaphore_mem>>)
    %scan3A = arith.constant 0 : i32
    %scan3A_31 = arith.constant 0 : i32
    %scan3A_32 = arith.constant 50 : i32
    %scan3A_33 = arith.addi %scan3A_31, %scan3A_32 : i32
    %scan3A_34 = arith.constant 1 : i32
    scf.for %scan3A_43 = %scan3A_31 to %scan3A_33 step %scan3A_34  : i32 {
      %mul3A_44 = arith.constant 2 : i32
      %mul3A_45 = arith.muli %scan3A_43, %mul3A_44 : i32
      %add3A_46 = arith.constant 0 : i32
      %add3A_47 = arith.addi %mul3A_45, %add3A_46 : i32
      %dma_wait3A_48 = arith.constant 0 : i32
      %dma_wait3A_49 = tpu.memref_slice %arg5[%add3A_47, %dma_wait3A_48] : memref<100x100xi32, #tpu.memory_space<vmem>> -> memref<1x100xi32, #tpu.memory_space<vmem>>
      %dma_wait3A_50 = tpu.memref_squeeze %dma_wait3A_49 : memref<1x100xi32, #tpu.memory_space<vmem>> -> memref<100xi32, #tpu.memory_space<vmem>>
      %dma_wait3A_51 = arith.constant 0 : i32
      %dma_wait3A_52 = arith.constant 0 : i32
      %dma_wait3A_53 = tpu.memref_slice %arg2[%dma_wait3A_51, %dma_wait3A_52] : memref<10000x32xf32, #tpu.memory_space<hbm>> -> memref<10000x32xf32, #tpu.memory_space<hbm>>
      tpu.wait_indirect_dma semaphore(%arg13 : memref<!tpu.dma_semaphore, #tpu.memory_space<semaphore_mem>>) src(%dma_wait3A_53 : memref<10000x32xf32, #tpu.memory_space<hbm>>) dst(%arg7 : memref<100x32xf32, #tpu.memory_space<vmem>>)
      %add3A_54 = arith.constant 0 : i32
      %add3A_55 = arith.addi %mul3A_45, %add3A_54 : i32
      %dma_wait3A_56 = arith.constant 0 : i32
      %dma_wait3A_57 = tpu.memref_slice %arg6[%add3A_55, %dma_wait3A_56] : memref<100x100xi32, #tpu.memory_space<vmem>> -> memref<1x100xi32, #tpu.memory_space<vmem>>
      %dma_wait3A_58 = tpu.memref_squeeze %dma_wait3A_57 : memref<1x100xi32, #tpu.memory_space<vmem>> -> memref<100xi32, #tpu.memory_space<vmem>>
      %dma_wait3A_59 = arith.constant 0 : i32
      %dma_wait3A_60 = arith.constant 0 : i32
      %dma_wait3A_61 = tpu.memref_slice %arg2[%dma_wait3A_59, %dma_wait3A_60] : memref<10000x32xf32, #tpu.memory_space<hbm>> -> memref<10000x32xf32, #tpu.memory_space<hbm>>
      tpu.wait_indirect_dma semaphore(%arg15 : memref<!tpu.dma_semaphore, #tpu.memory_space<semaphore_mem>>) src(%dma_wait3A_61 : memref<10000x32xf32, #tpu.memory_space<hbm>>) dst(%arg9 : memref<100x32xf32, #tpu.memory_space<vmem>>)
      %gt3A = arith.constant 0 : i32
      %gt3A_62 = arith.cmpi sgt, %scan3A_43, %gt3A : i32
      %convert_element_type3A = arith.extui %gt3A_62 : i1 to i32
      %cond3A = arith.constant 0 : i32
      %cond3A_63 = arith.cmpi ne, %convert_element_type3A, %cond3A : i32
      scf.if %cond3A_63 {
        %dma_wait3A_121 = arith.constant 0 : i32
        %dma_wait3A_122 = tpu.memref_slice %arg4[%mul3A_2, %dma_wait3A_121] : memref<320000x32xf32, #tpu.memory_space<hbm>> -> memref<100x32xf32, #tpu.memory_space<hbm>>
        %dma_wait3A_123 = arith.constant 0 : i32
        %dma_wait3A_124 = tpu.memref_slice %arg4[%mul3A_2, %dma_wait3A_123] : memref<320000x32xf32, #tpu.memory_space<hbm>> -> memref<100x32xf32, #tpu.memory_space<hbm>>
        tpu.wait_dma2 semaphore(%arg17 : memref<!tpu.dma_semaphore, #tpu.memory_space<semaphore_mem>>) src(%arg11 : memref<100x32xf32, #tpu.memory_space<vmem>>) dst(%dma_wait3A_124 : memref<100x32xf32, #tpu.memory_space<hbm>>)
      } else {
      }
      %parallel_loop3A = arith.constant 0 : i32
      %parallel_loop3A_64 = arith.constant 100 : i32
      %parallel_loop3A_65 = arith.constant 1 : i32
      scf.for %parallel_loop3A_121 = %parallel_loop3A to %parallel_loop3A_64 step %parallel_loop3A_65  : i32 {
        %parallel_loop3A_122 = arith.index_cast %parallel_loop3A_121 : i32 to index
        %parallel_loop3A_123 = arith.constant 0 : index
        %parallel_loop3A_124 = tpu.vector_load %arg7[%parallel_loop3A_122, %parallel_loop3A_123] {strides = array<i32>} : memref<100x32xf32, #tpu.memory_space<vmem>>, vector<1x16xf32>,
        %parallel_loop3A_125 = vector.shape_cast %parallel_loop3A_124 : vector<1x16xf32> to vector<16xf32>
        %parallel_loop3A_126 = arith.index_cast %parallel_loop3A_121 : i32 to index
        %parallel_loop3A_127 = arith.constant 0 : index
        %parallel_loop3A_128 = tpu.vector_load %arg9[%parallel_loop3A_126, %parallel_loop3A_127] {strides = array<i32>} : memref<100x32xf32, #tpu.memory_space<vmem>>, vector<1x16xf32>,
        %parallel_loop3A_129 = vector.shape_cast %parallel_loop3A_128 : vector<1x16xf32> to vector<16xf32>
        %parallel_loop3A_130 = arith.mulf %parallel_loop3A_125, %parallel_loop3A_129 : vector<16xf32>
        %parallel_loop3A_131 = arith.index_cast %parallel_loop3A_121 : i32 to index
        %parallel_loop3A_132 = arith.constant 0 : index
        %parallel_loop3A_133 = tpu.vector_load %arg11[%parallel_loop3A_131, %parallel_loop3A_132] {strides = array<i32>} : memref<100x32xf32, #tpu.memory_space<vmem>>, vector<1x16xf32>,
        %parallel_loop3A_134 = vector.shape_cast %parallel_loop3A_133 : vector<1x16xf32> to vector<16xf32>
        %parallel_loop3A_135 = vector.shape_cast %parallel_loop3A_130 : vector<16xf32> to vector<1x16xf32>
        tpu.vector_store %arg11[%parallel_loop3A_131, %parallel_loop3A_132], %parallel_loop3A_135 {strides = array<i32>} : memref<100x32xf32, #tpu.memory_space<vmem>>, vector<1x16xf32>,
        %parallel_loop3A_136 = arith.index_cast %parallel_loop3A_121 : i32 to index
        %parallel_loop3A_137 = arith.constant 16 : index
        %parallel_loop3A_138 = tpu.vector_load %arg7[%parallel_loop3A_136, %parallel_loop3A_137] {strides = array<i32>} : memref<100x32xf32, #tpu.memory_space<vmem>>, vector<1x16xf32>,
        %parallel_loop3A_139 = vector.shape_cast %parallel_loop3A_138 : vector<1x16xf32> to vector<16xf32>
        %parallel_loop3A_140 = arith.index_cast %parallel_loop3A_121 : i32 to index
        %parallel_loop3A_141 = arith.constant 16 : index
        %parallel_loop3A_142 = tpu.vector_load %arg9[%parallel_loop3A_140, %parallel_loop3A_141] {strides = array<i32>} : memref<100x32xf32, #tpu.memory_space<vmem>>, vector<1x16xf32>,
        %parallel_loop3A_143 = vector.shape_cast %parallel_loop3A_142 : vector<1x16xf32> to vector<16xf32>
        %parallel_loop3A_144 = arith.mulf %parallel_loop3A_139, %parallel_loop3A_143 : vector<16xf32>
        %parallel_loop3A_145 = arith.index_cast %parallel_loop3A_121 : i32 to index
        %parallel_loop3A_146 = arith.constant 16 : index
        %parallel_loop3A_147 = tpu.vector_load %arg11[%parallel_loop3A_145, %parallel_loop3A_146] {strides = array<i32>} : memref<100x32xf32, #tpu.memory_space<vmem>>, vector<1x16xf32>,
        %parallel_loop3A_148 = vector.shape_cast %parallel_loop3A_147 : vector<1x16xf32> to vector<16xf32>
        %parallel_loop3A_149 = vector.shape_cast %parallel_loop3A_144 : vector<16xf32> to vector<1x16xf32>
        tpu.vector_store %arg11[%parallel_loop3A_145, %parallel_loop3A_146], %parallel_loop3A_149 {strides = array<i32>} : memref<100x32xf32, #tpu.memory_space<vmem>>, vector<1x16xf32>,
      } {sc.loop_unroll_factor = 8 : i64, sc.parallel_access}
      %add3A_66 = arith.constant 0 : i32
      %add3A_67 = arith.addi %mul3A_45, %add3A_66 : i32
      %mul3A_68 = arith.constant 100 : i32
      %mul3A_69 = arith.muli %add3A_67, %mul3A_68 : i32
      %add3A_70 = arith.addi %mul3A_2, %mul3A_69 : i32
      %dma_start3A_71 = arith.constant 0 : i32
      %dma_start3A_72 = tpu.memref_slice %arg4[%add3A_70, %dma_start3A_71] : memref<320000x32xf32, #tpu.memory_space<hbm>> -> memref<100x32xf32, #tpu.memory_space<hbm>>
      %dma_start3A_73 = arith.constant 0 : i32
      %dma_start3A_74 = tpu.memref_slice %arg4[%add3A_70, %dma_start3A_73] : memref<320000x32xf32, #tpu.memory_space<hbm>> -> memref<100x32xf32, #tpu.memory_space<hbm>>
      tpu.enqueue_dma source(%arg11 : memref<100x32xf32, #tpu.memory_space<vmem>>) target(%dma_start3A_74 : memref<100x32xf32, #tpu.memory_space<hbm>>) target_semaphore(%arg17 : memref<!tpu.dma_semaphore, #tpu.memory_space<semaphore_mem>>)
      %add3A_75 = arith.constant 1 : i32
      %add3A_76 = arith.addi %scan3A_43, %add3A_75 : i32
      %lt3A = arith.constant 50 : i32
      %lt3A_77 = arith.cmpi slt, %add3A_76, %lt3A : i32
      %convert_element_type3A_78 = arith.extui %lt3A_77 : i1 to i32
      %cond3A_79 = arith.constant 0 : i32
      %cond3A_80 = arith.cmpi ne, %convert_element_type3A_78, %cond3A_79 : i32
      scf.if %cond3A_80 {
        %add3A_121 = arith.constant 0 : i32
        %add3A_122 = arith.addi %mul3A_45, %add3A_121 : i32
        %add3A_123 = arith.constant 2 : i32
        %add3A_124 = arith.addi %add3A_122, %add3A_123 : i32
        %dma_start3A_125 = arith.constant 0 : i32
        %dma_start3A_126 = tpu.memref_slice %arg5[%add3A_124, %dma_start3A_125] : memref<100x100xi32, #tpu.memory_space<vmem>> -> memref<1x100xi32, #tpu.memory_space<vmem>>
        %dma_start3A_127 = tpu.memref_squeeze %dma_start3A_126 : memref<1x100xi32, #tpu.memory_space<vmem>> -> memref<100xi32, #tpu.memory_space<vmem>>
        %dma_start3A_128 = arith.constant 0 : i32
        %dma_start3A_129 = arith.constant 0 : i32
        %dma_start3A_130 = tpu.memref_slice %arg2[%dma_start3A_128, %dma_start3A_129] : memref<10000x32xf32, #tpu.memory_space<hbm>> -> memref<10000x32xf32, #tpu.memory_space<hbm>>
        tpu.enqueue_indirect_dma source(%dma_start3A_130 : memref<10000x32xf32, #tpu.memory_space<hbm>>) target(%arg7 : memref<100x32xf32, #tpu.memory_space<vmem>>) offsets(%dma_start3A_127 : memref<100xi32, #tpu.memory_space<vmem>>) semaphore(%arg13 : memref<!tpu.dma_semaphore, #tpu.memory_space<semaphore_mem>>)
        %add3A_131 = arith.constant 0 : i32
        %add3A_132 = arith.addi %mul3A_45, %add3A_131 : i32
        %add3A_133 = arith.constant 2 : i32
        %add3A_134 = arith.addi %add3A_132, %add3A_133 : i32
        %dma_start3A_135 = arith.constant 0 : i32
        %dma_start3A_136 = tpu.memref_slice %arg6[%add3A_134, %dma_start3A_135] : memref<100x100xi32, #tpu.memory_space<vmem>> -> memref<1x100xi32, #tpu.memory_space<vmem>>
        %dma_start3A_137 = tpu.memref_squeeze %dma_start3A_136 : memref<1x100xi32, #tpu.memory_space<vmem>> -> memref<100xi32, #tpu.memory_space<vmem>>
        %dma_start3A_138 = arith.constant 0 : i32
        %dma_start3A_139 = arith.constant 0 : i32
        %dma_start3A_140 = tpu.memref_slice %arg2[%dma_start3A_138, %dma_start3A_139] : memref<10000x32xf32, #tpu.memory_space<hbm>> -> memref<10000x32xf32, #tpu.memory_space<hbm>>
        tpu.enqueue_indirect_dma source(%dma_start3A_140 : memref<10000x32xf32, #tpu.memory_space<hbm>>) target(%arg9 : memref<100x32xf32, #tpu.memory_space<vmem>>) offsets(%dma_start3A_137 : memref<100xi32, #tpu.memory_space<vmem>>) semaphore(%arg15 : memref<!tpu.dma_semaphore, #tpu.memory_space<semaphore_mem>>)
      } else {
      }
      %add3A_81 = arith.constant 1 : i32
      %add3A_82 = arith.addi %mul3A_45, %add3A_81 : i32
      %dma_wait3A_83 = arith.constant 0 : i32
      %dma_wait3A_84 = tpu.memref_slice %arg5[%add3A_82, %dma_wait3A_83] : memref<100x100xi32, #tpu.memory_space<vmem>> -> memref<1x100xi32, #tpu.memory_space<vmem>>
      %dma_wait3A_85 = tpu.memref_squeeze %dma_wait3A_84 : memref<1x100xi32, #tpu.memory_space<vmem>> -> memref<100xi32, #tpu.memory_space<vmem>>
      %dma_wait3A_86 = arith.constant 0 : i32
      %dma_wait3A_87 = arith.constant 0 : i32
      %dma_wait3A_88 = tpu.memref_slice %arg2[%dma_wait3A_86, %dma_wait3A_87] : memref<10000x32xf32, #tpu.memory_space<hbm>> -> memref<10000x32xf32, #tpu.memory_space<hbm>>
      tpu.wait_indirect_dma semaphore(%arg14 : memref<!tpu.dma_semaphore, #tpu.memory_space<semaphore_mem>>) src(%dma_wait3A_88 : memref<10000x32xf32, #tpu.memory_space<hbm>>) dst(%arg8 : memref<100x32xf32, #tpu.memory_space<vmem>>)
      %add3A_89 = arith.constant 1 : i32
      %add3A_90 = arith.addi %mul3A_45, %add3A_89 : i32
      %dma_wait3A_91 = arith.constant 0 : i32
      %dma_wait3A_92 = tpu.memref_slice %arg6[%add3A_90, %dma_wait3A_91] : memref<100x100xi32, #tpu.memory_space<vmem>> -> memref<1x100xi32, #tpu.memory_space<vmem>>
      %dma_wait3A_93 = tpu.memref_squeeze %dma_wait3A_92 : memref<1x100xi32, #tpu.memory_space<vmem>> -> memref<100xi32, #tpu.memory_space<vmem>>
      %dma_wait3A_94 = arith.constant 0 : i32
      %dma_wait3A_95 = arith.constant 0 : i32
      %dma_wait3A_96 = tpu.memref_slice %arg2[%dma_wait3A_94, %dma_wait3A_95] : memref<10000x32xf32, #tpu.memory_space<hbm>> -> memref<10000x32xf32, #tpu.memory_space<hbm>>
      tpu.wait_indirect_dma semaphore(%arg16 : memref<!tpu.dma_semaphore, #tpu.memory_space<semaphore_mem>>) src(%dma_wait3A_96 : memref<10000x32xf32, #tpu.memory_space<hbm>>) dst(%arg10 : memref<100x32xf32, #tpu.memory_space<vmem>>)
      %gt3A_97 = arith.constant 0 : i32
      %gt3A_98 = arith.cmpi sgt, %scan3A_43, %gt3A_97 : i32
      %convert_element_type3A_99 = arith.extui %gt3A_98 : i1 to i32
      %cond3A_100 = arith.constant 0 : i32
      %cond3A_101 = arith.cmpi ne, %convert_element_type3A_99, %cond3A_100 : i32
      scf.if %cond3A_101 {
        %dma_wait3A_121 = arith.constant 0 : i32
        %dma_wait3A_122 = tpu.memref_slice %arg4[%mul3A_2, %dma_wait3A_121] : memref<320000x32xf32, #tpu.memory_space<hbm>> -> memref<100x32xf32, #tpu.memory_space<hbm>>
        %dma_wait3A_123 = arith.constant 0 : i32
        %dma_wait3A_124 = tpu.memref_slice %arg4[%mul3A_2, %dma_wait3A_123] : memref<320000x32xf32, #tpu.memory_space<hbm>> -> memref<100x32xf32, #tpu.memory_space<hbm>>
        tpu.wait_dma2 semaphore(%arg18 : memref<!tpu.dma_semaphore, #tpu.memory_space<semaphore_mem>>) src(%arg12 : memref<100x32xf32, #tpu.memory_space<vmem>>) dst(%dma_wait3A_124 : memref<100x32xf32, #tpu.memory_space<hbm>>)
      } else {
      }
      %parallel_loop3A_102 = arith.constant 0 : i32
      %parallel_loop3A_103 = arith.constant 100 : i32
      %parallel_loop3A_104 = arith.constant 1 : i32
      scf.for %parallel_loop3A_121 = %parallel_loop3A_102 to %parallel_loop3A_103 step %parallel_loop3A_104  : i32 {
        %parallel_loop3A_122 = arith.index_cast %parallel_loop3A_121 : i32 to index
        %parallel_loop3A_123 = arith.constant 0 : index
        %parallel_loop3A_124 = tpu.vector_load %arg8[%parallel_loop3A_122, %parallel_loop3A_123] {strides = array<i32>} : memref<100x32xf32, #tpu.memory_space<vmem>>, vector<1x16xf32>,
        %parallel_loop3A_125 = vector.shape_cast %parallel_loop3A_124 : vector<1x16xf32> to vector<16xf32>
        %parallel_loop3A_126 = arith.index_cast %parallel_loop3A_121 : i32 to index
        %parallel_loop3A_127 = arith.constant 0 : index
        %parallel_loop3A_128 = tpu.vector_load %arg10[%parallel_loop3A_126, %parallel_loop3A_127] {strides = array<i32>} : memref<100x32xf32, #tpu.memory_space<vmem>>, vector<1x16xf32>,
        %parallel_loop3A_129 = vector.shape_cast %parallel_loop3A_128 : vector<1x16xf32> to vector<16xf32>
        %parallel_loop3A_130 = arith.mulf %parallel_loop3A_125, %parallel_loop3A_129 : vector<16xf32>
        %parallel_loop3A_131 = arith.index_cast %parallel_loop3A_121 : i32 to index
        %parallel_loop3A_132 = arith.constant 0 : index
        %parallel_loop3A_133 = tpu.vector_load %arg12[%parallel_loop3A_131, %parallel_loop3A_132] {strides = array<i32>} : memref<100x32xf32, #tpu.memory_space<vmem>>, vector<1x16xf32>,
        %parallel_loop3A_134 = vector.shape_cast %parallel_loop3A_133 : vector<1x16xf32> to vector<16xf32>
        %parallel_loop3A_135 = vector.shape_cast %parallel_loop3A_130 : vector<16xf32> to vector<1x16xf32>
        tpu.vector_store %arg12[%parallel_loop3A_131, %parallel_loop3A_132], %parallel_loop3A_135 {strides = array<i32>} : memref<100x32xf32, #tpu.memory_space<vmem>>, vector<1x16xf32>,
        %parallel_loop3A_136 = arith.index_cast %parallel_loop3A_121 : i32 to index
        %parallel_loop3A_137 = arith.constant 16 : index
        %parallel_loop3A_138 = tpu.vector_load %arg8[%parallel_loop3A_136, %parallel_loop3A_137] {strides = array<i32>} : memref<100x32xf32, #tpu.memory_space<vmem>>, vector<1x16xf32>,
        %parallel_loop3A_139 = vector.shape_cast %parallel_loop3A_138 : vector<1x16xf32> to vector<16xf32>
        %parallel_loop3A_140 = arith.index_cast %parallel_loop3A_121 : i32 to index
        %parallel_loop3A_141 = arith.constant 16 : index
        %parallel_loop3A_142 = tpu.vector_load %arg10[%parallel_loop3A_140, %parallel_loop3A_141] {strides = array<i32>} : memref<100x32xf32, #tpu.memory_space<vmem>>, vector<1x16xf32>,
        %parallel_loop3A_143 = vector.shape_cast %parallel_loop3A_142 : vector<1x16xf32> to vector<16xf32>
        %parallel_loop3A_144 = arith.mulf %parallel_loop3A_139, %parallel_loop3A_143 : vector<16xf32>
        %parallel_loop3A_145 = arith.index_cast %parallel_loop3A_121 : i32 to index
        %parallel_loop3A_146 = arith.constant 16 : index
        %parallel_loop3A_147 = tpu.vector_load %arg12[%parallel_loop3A_145, %parallel_loop3A_146] {strides = array<i32>} : memref<100x32xf32, #tpu.memory_space<vmem>>, vector<1x16xf32>,
        %parallel_loop3A_148 = vector.shape_cast %parallel_loop3A_147 : vector<1x16xf32> to vector<16xf32>
        %parallel_loop3A_149 = vector.shape_cast %parallel_loop3A_144 : vector<16xf32> to vector<1x16xf32>
        tpu.vector_store %arg12[%parallel_loop3A_145, %parallel_loop3A_146], %parallel_loop3A_149 {strides = array<i32>} : memref<100x32xf32, #tpu.memory_space<vmem>>, vector<1x16xf32>,
      } {sc.loop_unroll_factor = 8 : i64, sc.parallel_access}
      %add3A_105 = arith.constant 1 : i32
      %add3A_106 = arith.addi %mul3A_45, %add3A_105 : i32
      %mul3A_107 = arith.constant 100 : i32
      %mul3A_108 = arith.muli %add3A_106, %mul3A_107 : i32
      %add3A_109 = arith.addi %mul3A_2, %mul3A_108 : i32
      %dma_start3A_110 = arith.constant 0 : i32
      %dma_start3A_111 = tpu.memref_slice %arg4[%add3A_109, %dma_start3A_110] : memref<320000x32xf32, #tpu.memory_space<hbm>> -> memref<100x32xf32, #tpu.memory_space<hbm>>
      %dma_start3A_112 = arith.constant 0 : i32
      %dma_start3A_113 = tpu.memref_slice %arg4[%add3A_109, %dma_start3A_112] : memref<320000x32xf32, #tpu.memory_space<hbm>> -> memref<100x32xf32, #tpu.memory_space<hbm>>
      tpu.enqueue_dma source(%arg12 : memref<100x32xf32, #tpu.memory_space<vmem>>) target(%dma_start3A_113 : memref<100x32xf32, #tpu.memory_space<hbm>>) target_semaphore(%arg18 : memref<!tpu.dma_semaphore, #tpu.memory_space<semaphore_mem>>)
      %add3A_114 = arith.constant 1 : i32
      %add3A_115 = arith.addi %scan3A_43, %add3A_114 : i32
      %lt3A_116 = arith.constant 50 : i32
      %lt3A_117 = arith.cmpi slt, %add3A_115, %lt3A_116 : i32
      %convert_element_type3A_118 = arith.extui %lt3A_117 : i1 to i32
      %cond3A_119 = arith.constant 0 : i32
      %cond3A_120 = arith.cmpi ne, %convert_element_type3A_118, %cond3A_119 : i32
      scf.if %cond3A_120 {
        %add3A_121 = arith.constant 1 : i32
        %add3A_122 = arith.addi %mul3A_45, %add3A_121 : i32
        %add3A_123 = arith.constant 2 : i32
        %add3A_124 = arith.addi %add3A_122, %add3A_123 : i32
        %dma_start3A_125 = arith.constant 0 : i32
        %dma_start3A_126 = tpu.memref_slice %arg5[%add3A_124, %dma_start3A_125] : memref<100x100xi32, #tpu.memory_space<vmem>> -> memref<1x100xi32, #tpu.memory_space<vmem>>
        %dma_start3A_127 = tpu.memref_squeeze %dma_start3A_126 : memref<1x100xi32, #tpu.memory_space<vmem>> -> memref<100xi32, #tpu.memory_space<vmem>>
        %dma_start3A_128 = arith.constant 0 : i32
        %dma_start3A_129 = arith.constant 0 : i32
        %dma_start3A_130 = tpu.memref_slice %arg2[%dma_start3A_128, %dma_start3A_129] : memref<10000x32xf32, #tpu.memory_space<hbm>> -> memref<10000x32xf32, #tpu.memory_space<hbm>>
        tpu.enqueue_indirect_dma source(%dma_start3A_130 : memref<10000x32xf32, #tpu.memory_space<hbm>>) target(%arg8 : memref<100x32xf32, #tpu.memory_space<vmem>>) offsets(%dma_start3A_127 : memref<100xi32, #tpu.memory_space<vmem>>) semaphore(%arg14 : memref<!tpu.dma_semaphore, #tpu.memory_space<semaphore_mem>>)
        %add3A_131 = arith.constant 1 : i32
        %add3A_132 = arith.addi %mul3A_45, %add3A_131 : i32
        %add3A_133 = arith.constant 2 : i32
        %add3A_134 = arith.addi %add3A_132, %add3A_133 : i32
        %dma_start3A_135 = arith.constant 0 : i32
        %dma_start3A_136 = tpu.memref_slice %arg6[%add3A_134, %dma_start3A_135] : memref<100x100xi32, #tpu.memory_space<vmem>> -> memref<1x100xi32, #tpu.memory_space<vmem>>
        %dma_start3A_137 = tpu.memref_squeeze %dma_start3A_136 : memref<1x100xi32, #tpu.memory_space<vmem>> -> memref<100xi32, #tpu.memory_space<vmem>>
        %dma_start3A_138 = arith.constant 0 : i32
        %dma_start3A_139 = arith.constant 0 : i32
        %dma_start3A_140 = tpu.memref_slice %arg2[%dma_start3A_138, %dma_start3A_139] : memref<10000x32xf32, #tpu.memory_space<hbm>> -> memref<10000x32xf32, #tpu.memory_space<hbm>>
        tpu.enqueue_indirect_dma source(%dma_start3A_140 : memref<10000x32xf32, #tpu.memory_space<hbm>>) target(%arg10 : memref<100x32xf32, #tpu.memory_space<vmem>>) offsets(%dma_start3A_137 : memref<100xi32, #tpu.memory_space<vmem>>) semaphore(%arg16 : memref<!tpu.dma_semaphore, #tpu.memory_space<semaphore_mem>>)
      } else {
      }
    }
    %scan3A_35 = arith.constant 50 : i32
    %dma_wait3A = arith.constant 0 : i32
    %dma_wait3A_36 = tpu.memref_slice %arg4[%mul3A_2, %dma_wait3A] : memref<320000x32xf32, #tpu.memory_space<hbm>> -> memref<100x32xf32, #tpu.memory_space<hbm>>
    %dma_wait3A_37 = arith.constant 0 : i32
    %dma_wait3A_38 = tpu.memref_slice %arg4[%mul3A_2, %dma_wait3A_37] : memref<320000x32xf32, #tpu.memory_space<hbm>> -> memref<100x32xf32, #tpu.memory_space<hbm>>
    tpu.wait_dma2 semaphore(%arg17 : memref<!tpu.dma_semaphore, #tpu.memory_space<semaphore_mem>>) src(%arg11 : memref<100x32xf32, #tpu.memory_space<vmem>>) dst(%dma_wait3A_38 : memref<100x32xf32, #tpu.memory_space<hbm>>)
    %dma_wait3A_39 = arith.constant 0 : i32
    %dma_wait3A_40 = tpu.memref_slice %arg4[%mul3A_2, %dma_wait3A_39] : memref<320000x32xf32, #tpu.memory_space<hbm>> -> memref<100x32xf32, #tpu.memory_space<hbm>>
    %dma_wait3A_41 = arith.constant 0 : i32
    %dma_wait3A_42 = tpu.memref_slice %arg4[%mul3A_2, %dma_wait3A_41] : memref<320000x32xf32, #tpu.memory_space<hbm>> -> memref<100x32xf32, #tpu.memory_space<hbm>>
    tpu.wait_dma2 semaphore(%arg18 : memref<!tpu.dma_semaphore, #tpu.memory_space<semaphore_mem>>) src(%arg12 : memref<100x32xf32, #tpu.memory_space<vmem>>) dst(%dma_wait3A_42 : memref<100x32xf32, #tpu.memory_space<hbm>>)
    return
  }
}

#map = affine_map<(d0, d1) -> (0, 0)>
#map1 = affine_map<(d0, d1) -> (0, 0, 0, 0)>
#map2 = affine_map<(d0, d1) -> (0, 0, 0)>
module attributes {stable_mosaic.version = 14 : i64} {
  func.func @conv(%arg0: i32, %arg1: i32, %arg2: memref<10000x64xf32, #tpu.memory_space<hbm>>, %arg3: memref<2x32x100x100xi32, #tpu.memory_space<hbm>>, %arg4: memref<632x64xf32, #tpu.memory_space<hbm>>, %arg5: memref<2x10112x64xf32, #tpu.memory_space<hbm>>, %arg6: memref<100x100xi32, #tpu.memory_space<vmem>>, %arg7: memref<100x100xi32, #tpu.memory_space<vmem>>, %arg8: memref<100x64xf32, #tpu.memory_space<vmem>>, %arg9: memref<100x64xf32, #tpu.memory_space<vmem>>, %arg10: memref<100x64xf32, #tpu.memory_space<vmem>>, %arg11: memref<100x64xf32, #tpu.memory_space<vmem>>, %arg12: memref<100x64xf32, #tpu.memory_space<vmem>>, %arg13: memref<10112x64xf32, #tpu.memory_space<vmem_shared>>, %arg14: memref<!tpu.dma_semaphore, #tpu.memory_space<semaphore_mem>>, %arg15: memref<!tpu.dma_semaphore, #tpu.memory_space<semaphore_mem>>, %arg16: memref<!tpu.dma_semaphore, #tpu.memory_space<semaphore_mem>>, %arg17: memref<!tpu.dma_semaphore, #tpu.memory_space<semaphore_mem>>, %arg18: memref<!tpu.dma_semaphore, #tpu.memory_space<semaphore_mem>>, %arg19: memref<!tpu.dma_semaphore, #tpu.memory_space<semaphore_mem>>, %arg20: memref<!tpu.dma_semaphore, #tpu.memory_space<semaphore_mem>>, %arg21: memref<!tpu.dma_semaphore, #tpu.memory_space<semaphore_mem>>, %arg22: memref<!tpu.dma_semaphore, #tpu.memory_space<semaphore_mem>>, %arg23: memref<!tpu.dma_semaphore, #tpu.memory_space<semaphore_mem>>) attributes {dimension_semantics = [#tpu.dimension_semantics<core_parallel>, #tpu.dimension_semantics<subcore_parallel>], iteration_bounds = array<i64: 2, 16>, scalar_prefetch = 0 : i64, scratch_operands = 18 : i64, tpu.core_type = #tpu.core_type<sc_vector_subcore>, window_params = [{transform_indices = #map}, {transform_indices = #map1}, {transform_indices = #map}, {transform_indices = #map2}]} {
    %mul3A = arith.constant 16 : i32
    %mul3A_0 = arith.muli %arg0, %mul3A : i32
    %add3A = arith.addi %mul3A_0, %arg1 : i32
    %run_scoped3A = arith.constant 0 : i32
    "tpu.region"() ({
      %run_scoped3A_82 = tpu.sem_alloc : memref<!tpu.dma_semaphore, #tpu.memory_space<semaphore_mem>>
      %dma_start3A_83 = arith.constant 0 : i32
      %dma_start3A_84 = arith.constant 0 : i32
      %dma_start3A_85 = tpu.memref_slice %arg3[%run_scoped3A, %add3A, %dma_start3A_83, %dma_start3A_84] : memref<2x32x100x100xi32, #tpu.memory_space<hbm>> -> memref<1x1x100x100xi32, #tpu.memory_space<hbm>>
      %dma_start3A_86 = tpu.memref_squeeze %dma_start3A_85 : memref<1x1x100x100xi32, #tpu.memory_space<hbm>> -> memref<100x100xi32, #tpu.memory_space<hbm>>
      %dma_start3A_87 = arith.constant 0 : i32
      %dma_start3A_88 = arith.constant 0 : i32
      %dma_start3A_89 = tpu.memref_slice %arg3[%run_scoped3A, %add3A, %dma_start3A_87, %dma_start3A_88] : memref<2x32x100x100xi32, #tpu.memory_space<hbm>> -> memref<1x1x100x100xi32, #tpu.memory_space<hbm>>
      %dma_start3A_90 = tpu.memref_squeeze %dma_start3A_89 : memref<1x1x100x100xi32, #tpu.memory_space<hbm>> -> memref<100x100xi32, #tpu.memory_space<hbm>>
      tpu.enqueue_dma source(%dma_start3A_90 : memref<100x100xi32, #tpu.memory_space<hbm>>) target(%arg6 : memref<100x100xi32, #tpu.memory_space<vmem>>) target_semaphore(%run_scoped3A_82 : memref<!tpu.dma_semaphore, #tpu.memory_space<semaphore_mem>>)
      %dma_wait3A_91 = arith.constant 0 : i32
      %dma_wait3A_92 = arith.constant 0 : i32
      %dma_wait3A_93 = tpu.memref_slice %arg3[%run_scoped3A, %add3A, %dma_wait3A_91, %dma_wait3A_92] : memref<2x32x100x100xi32, #tpu.memory_space<hbm>> -> memref<1x1x100x100xi32, #tpu.memory_space<hbm>>
      %dma_wait3A_94 = tpu.memref_squeeze %dma_wait3A_93 : memref<1x1x100x100xi32, #tpu.memory_space<hbm>> -> memref<100x100xi32, #tpu.memory_space<hbm>>
      %dma_wait3A_95 = arith.constant 0 : i32
      %dma_wait3A_96 = arith.constant 0 : i32
      %dma_wait3A_97 = tpu.memref_slice %arg3[%run_scoped3A, %add3A, %dma_wait3A_95, %dma_wait3A_96] : memref<2x32x100x100xi32, #tpu.memory_space<hbm>> -> memref<1x1x100x100xi32, #tpu.memory_space<hbm>>
      %dma_wait3A_98 = tpu.memref_squeeze %dma_wait3A_97 : memref<1x1x100x100xi32, #tpu.memory_space<hbm>> -> memref<100x100xi32, #tpu.memory_space<hbm>>
      tpu.wait_dma2 semaphore(%run_scoped3A_82 : memref<!tpu.dma_semaphore, #tpu.memory_space<semaphore_mem>>) src(%dma_wait3A_98 : memref<100x100xi32, #tpu.memory_space<hbm>>) dst(%arg6 : memref<100x100xi32, #tpu.memory_space<vmem>>)
      tpu.yield
    }) : () -> ()
    %run_scoped3A_1 = arith.constant 1 : i32
    "tpu.region"() ({
      %run_scoped3A_82 = tpu.sem_alloc : memref<!tpu.dma_semaphore, #tpu.memory_space<semaphore_mem>>
      %dma_start3A_83 = arith.constant 0 : i32
      %dma_start3A_84 = arith.constant 0 : i32
      %dma_start3A_85 = tpu.memref_slice %arg3[%run_scoped3A_1, %add3A, %dma_start3A_83, %dma_start3A_84] : memref<2x32x100x100xi32, #tpu.memory_space<hbm>> -> memref<1x1x100x100xi32, #tpu.memory_space<hbm>>
      %dma_start3A_86 = tpu.memref_squeeze %dma_start3A_85 : memref<1x1x100x100xi32, #tpu.memory_space<hbm>> -> memref<100x100xi32, #tpu.memory_space<hbm>>
      %dma_start3A_87 = arith.constant 0 : i32
      %dma_start3A_88 = arith.constant 0 : i32
      %dma_start3A_89 = tpu.memref_slice %arg3[%run_scoped3A_1, %add3A, %dma_start3A_87, %dma_start3A_88] : memref<2x32x100x100xi32, #tpu.memory_space<hbm>> -> memref<1x1x100x100xi32, #tpu.memory_space<hbm>>
      %dma_start3A_90 = tpu.memref_squeeze %dma_start3A_89 : memref<1x1x100x100xi32, #tpu.memory_space<hbm>> -> memref<100x100xi32, #tpu.memory_space<hbm>>
      tpu.enqueue_dma source(%dma_start3A_90 : memref<100x100xi32, #tpu.memory_space<hbm>>) target(%arg7 : memref<100x100xi32, #tpu.memory_space<vmem>>) target_semaphore(%run_scoped3A_82 : memref<!tpu.dma_semaphore, #tpu.memory_space<semaphore_mem>>)
      %dma_wait3A_91 = arith.constant 0 : i32
      %dma_wait3A_92 = arith.constant 0 : i32
      %dma_wait3A_93 = tpu.memref_slice %arg3[%run_scoped3A_1, %add3A, %dma_wait3A_91, %dma_wait3A_92] : memref<2x32x100x100xi32, #tpu.memory_space<hbm>> -> memref<1x1x100x100xi32, #tpu.memory_space<hbm>>
      %dma_wait3A_94 = tpu.memref_squeeze %dma_wait3A_93 : memref<1x1x100x100xi32, #tpu.memory_space<hbm>> -> memref<100x100xi32, #tpu.memory_space<hbm>>
      %dma_wait3A_95 = arith.constant 0 : i32
      %dma_wait3A_96 = arith.constant 0 : i32
      %dma_wait3A_97 = tpu.memref_slice %arg3[%run_scoped3A_1, %add3A, %dma_wait3A_95, %dma_wait3A_96] : memref<2x32x100x100xi32, #tpu.memory_space<hbm>> -> memref<1x1x100x100xi32, #tpu.memory_space<hbm>>
      %dma_wait3A_98 = tpu.memref_squeeze %dma_wait3A_97 : memref<1x1x100x100xi32, #tpu.memory_space<hbm>> -> memref<100x100xi32, #tpu.memory_space<hbm>>
      tpu.wait_dma2 semaphore(%run_scoped3A_82 : memref<!tpu.dma_semaphore, #tpu.memory_space<semaphore_mem>>) src(%dma_wait3A_98 : memref<100x100xi32, #tpu.memory_space<hbm>>) dst(%arg7 : memref<100x100xi32, #tpu.memory_space<vmem>>)
      tpu.yield
    }) : () -> ()
    %mul3A_2 = arith.constant 632 : i32
    %mul3A_3 = arith.muli %arg1, %mul3A_2 : i32
    "tpu.region"() ({
      %run_scoped3A_82 = tpu.sem_alloc : memref<!tpu.dma_semaphore, #tpu.memory_space<semaphore_mem>>
      %dma_start3A_83 = arith.constant 0 : i32
      %dma_start3A_84 = tpu.memref_slice %arg13[%mul3A_3, %dma_start3A_83] : memref<10112x64xf32, #tpu.memory_space<vmem_shared>> -> memref<632x64xf32, #tpu.memory_space<vmem_shared>>
      tpu.enqueue_dma source(%arg4 : memref<632x64xf32, #tpu.memory_space<hbm>>) target(%dma_start3A_84 : memref<632x64xf32, #tpu.memory_space<vmem_shared>>) target_semaphore(%run_scoped3A_82 : memref<!tpu.dma_semaphore, #tpu.memory_space<semaphore_mem>>)
      %dma_wait3A_85 = arith.constant 0 : i32
      %dma_wait3A_86 = tpu.memref_slice %arg13[%mul3A_3, %dma_wait3A_85] : memref<10112x64xf32, #tpu.memory_space<vmem_shared>> -> memref<632x64xf32, #tpu.memory_space<vmem_shared>>
      tpu.wait_dma2 semaphore(%run_scoped3A_82 : memref<!tpu.dma_semaphore, #tpu.memory_space<semaphore_mem>>) src(%arg4 : memref<632x64xf32, #tpu.memory_space<hbm>>) dst(%dma_wait3A_86 : memref<632x64xf32, #tpu.memory_space<vmem_shared>>)
      tpu.yield
    }) : () -> ()
    %barrier3A = arith.constant 0 : index
    tpu.barrier barrier_id(%barrier3A)
    %dma_start3A = arith.constant 0 : i32
    %dma_start3A_4 = arith.constant 0 : i32
    %dma_start3A_5 = tpu.memref_slice %arg6[%dma_start3A, %dma_start3A_4] : memref<100x100xi32, #tpu.memory_space<vmem>> -> memref<1x100xi32, #tpu.memory_space<vmem>>
    %dma_start3A_6 = tpu.memref_squeeze %dma_start3A_5 : memref<1x100xi32, #tpu.memory_space<vmem>> -> memref<100xi32, #tpu.memory_space<vmem>>
    %dma_start3A_7 = arith.constant 0 : i32
    %dma_start3A_8 = arith.constant 0 : i32
    %dma_start3A_9 = tpu.memref_slice %arg2[%dma_start3A_7, %dma_start3A_8] : memref<10000x64xf32, #tpu.memory_space<hbm>> -> memref<10000x64xf32, #tpu.memory_space<hbm>>
    tpu.enqueue_indirect_dma source(%dma_start3A_9 : memref<10000x64xf32, #tpu.memory_space<hbm>>) target(%arg8 : memref<100x64xf32, #tpu.memory_space<vmem>>) offsets(%dma_start3A_6 : memref<100xi32, #tpu.memory_space<vmem>>) semaphore(%arg14 : memref<!tpu.dma_semaphore, #tpu.memory_space<semaphore_mem>>)
    %dma_start3A_10 = arith.constant 1 : i32
    %dma_start3A_11 = arith.constant 0 : i32
    %dma_start3A_12 = tpu.memref_slice %arg6[%dma_start3A_10, %dma_start3A_11] : memref<100x100xi32, #tpu.memory_space<vmem>> -> memref<1x100xi32, #tpu.memory_space<vmem>>
    %dma_start3A_13 = tpu.memref_squeeze %dma_start3A_12 : memref<1x100xi32, #tpu.memory_space<vmem>> -> memref<100xi32, #tpu.memory_space<vmem>>
    %dma_start3A_14 = arith.constant 0 : i32
    %dma_start3A_15 = arith.constant 0 : i32
    %dma_start3A_16 = tpu.memref_slice %arg2[%dma_start3A_14, %dma_start3A_15] : memref<10000x64xf32, #tpu.memory_space<hbm>> -> memref<10000x64xf32, #tpu.memory_space<hbm>>
    tpu.enqueue_indirect_dma source(%dma_start3A_16 : memref<10000x64xf32, #tpu.memory_space<hbm>>) target(%arg9 : memref<100x64xf32, #tpu.memory_space<vmem>>) offsets(%dma_start3A_13 : memref<100xi32, #tpu.memory_space<vmem>>) semaphore(%arg15 : memref<!tpu.dma_semaphore, #tpu.memory_space<semaphore_mem>>)
    %dma_start3A_17 = arith.constant 2 : i32
    %dma_start3A_18 = arith.constant 0 : i32
    %dma_start3A_19 = tpu.memref_slice %arg6[%dma_start3A_17, %dma_start3A_18] : memref<100x100xi32, #tpu.memory_space<vmem>> -> memref<1x100xi32, #tpu.memory_space<vmem>>
    %dma_start3A_20 = tpu.memref_squeeze %dma_start3A_19 : memref<1x100xi32, #tpu.memory_space<vmem>> -> memref<100xi32, #tpu.memory_space<vmem>>
    %dma_start3A_21 = arith.constant 0 : i32
    %dma_start3A_22 = arith.constant 0 : i32
    %dma_start3A_23 = tpu.memref_slice %arg2[%dma_start3A_21, %dma_start3A_22] : memref<10000x64xf32, #tpu.memory_space<hbm>> -> memref<10000x64xf32, #tpu.memory_space<hbm>>
    tpu.enqueue_indirect_dma source(%dma_start3A_23 : memref<10000x64xf32, #tpu.memory_space<hbm>>) target(%arg10 : memref<100x64xf32, #tpu.memory_space<vmem>>) offsets(%dma_start3A_20 : memref<100xi32, #tpu.memory_space<vmem>>) semaphore(%arg16 : memref<!tpu.dma_semaphore, #tpu.memory_space<semaphore_mem>>)
    %dma_start3A_24 = arith.constant 3 : i32
    %dma_start3A_25 = arith.constant 0 : i32
    %dma_start3A_26 = tpu.memref_slice %arg6[%dma_start3A_24, %dma_start3A_25] : memref<100x100xi32, #tpu.memory_space<vmem>> -> memref<1x100xi32, #tpu.memory_space<vmem>>
    %dma_start3A_27 = tpu.memref_squeeze %dma_start3A_26 : memref<1x100xi32, #tpu.memory_space<vmem>> -> memref<100xi32, #tpu.memory_space<vmem>>
    %dma_start3A_28 = arith.constant 0 : i32
    %dma_start3A_29 = arith.constant 0 : i32
    %dma_start3A_30 = tpu.memref_slice %arg2[%dma_start3A_28, %dma_start3A_29] : memref<10000x64xf32, #tpu.memory_space<hbm>> -> memref<10000x64xf32, #tpu.memory_space<hbm>>
    tpu.enqueue_indirect_dma source(%dma_start3A_30 : memref<10000x64xf32, #tpu.memory_space<hbm>>) target(%arg11 : memref<100x64xf32, #tpu.memory_space<vmem>>) offsets(%dma_start3A_27 : memref<100xi32, #tpu.memory_space<vmem>>) semaphore(%arg17 : memref<!tpu.dma_semaphore, #tpu.memory_space<semaphore_mem>>)
    %dma_start3A_31 = arith.constant 4 : i32
    %dma_start3A_32 = arith.constant 0 : i32
    %dma_start3A_33 = tpu.memref_slice %arg6[%dma_start3A_31, %dma_start3A_32] : memref<100x100xi32, #tpu.memory_space<vmem>> -> memref<1x100xi32, #tpu.memory_space<vmem>>
    %dma_start3A_34 = tpu.memref_squeeze %dma_start3A_33 : memref<1x100xi32, #tpu.memory_space<vmem>> -> memref<100xi32, #tpu.memory_space<vmem>>
    %dma_start3A_35 = arith.constant 0 : i32
    %dma_start3A_36 = arith.constant 0 : i32
    %dma_start3A_37 = tpu.memref_slice %arg2[%dma_start3A_35, %dma_start3A_36] : memref<10000x64xf32, #tpu.memory_space<hbm>> -> memref<10000x64xf32, #tpu.memory_space<hbm>>
    tpu.enqueue_indirect_dma source(%dma_start3A_37 : memref<10000x64xf32, #tpu.memory_space<hbm>>) target(%arg12 : memref<100x64xf32, #tpu.memory_space<vmem>>) offsets(%dma_start3A_34 : memref<100xi32, #tpu.memory_space<vmem>>) semaphore(%arg18 : memref<!tpu.dma_semaphore, #tpu.memory_space<semaphore_mem>>)
    %scan3A = arith.constant 0 : i32
    %scan3A_38 = arith.constant 0 : i32
    %scan3A_39 = arith.constant 20 : i32
    %scan3A_40 = arith.addi %scan3A_38, %scan3A_39 : i32
    %scan3A_41 = arith.constant 1 : i32
    scf.for %scan3A_82 = %scan3A_38 to %scan3A_40 step %scan3A_41  : i32 {
      %mul3A_83 = arith.constant 5 : i32
      %mul3A_84 = arith.muli %scan3A_82, %mul3A_83 : i32
      %add3A_85 = arith.constant 0 : i32
      %add3A_86 = arith.addi %mul3A_84, %add3A_85 : i32
      %dma_wait3A_87 = arith.constant 0 : i32
      %dma_wait3A_88 = tpu.memref_slice %arg6[%add3A_86, %dma_wait3A_87] : memref<100x100xi32, #tpu.memory_space<vmem>> -> memref<1x100xi32, #tpu.memory_space<vmem>>
      %dma_wait3A_89 = tpu.memref_squeeze %dma_wait3A_88 : memref<1x100xi32, #tpu.memory_space<vmem>> -> memref<100xi32, #tpu.memory_space<vmem>>
      %dma_wait3A_90 = arith.constant 0 : i32
      %dma_wait3A_91 = arith.constant 0 : i32
      %dma_wait3A_92 = tpu.memref_slice %arg2[%dma_wait3A_90, %dma_wait3A_91] : memref<10000x64xf32, #tpu.memory_space<hbm>> -> memref<10000x64xf32, #tpu.memory_space<hbm>>
      tpu.wait_indirect_dma semaphore(%arg14 : memref<!tpu.dma_semaphore, #tpu.memory_space<semaphore_mem>>) src(%dma_wait3A_92 : memref<10000x64xf32, #tpu.memory_space<hbm>>) dst(%arg8 : memref<100x64xf32, #tpu.memory_space<vmem>>)
      %add3A_93 = arith.constant 0 : i32
      %add3A_94 = arith.addi %mul3A_84, %add3A_93 : i32
      %dma_start3A_95 = arith.constant 0 : i32
      %dma_start3A_96 = tpu.memref_slice %arg7[%add3A_94, %dma_start3A_95] : memref<100x100xi32, #tpu.memory_space<vmem>> -> memref<1x100xi32, #tpu.memory_space<vmem>>
      %dma_start3A_97 = tpu.memref_squeeze %dma_start3A_96 : memref<1x100xi32, #tpu.memory_space<vmem>> -> memref<100xi32, #tpu.memory_space<vmem>>
      %dma_start3A_98 = arith.constant 0 : i32
      %dma_start3A_99 = arith.constant 0 : i32
      %dma_start3A_100 = tpu.memref_slice %arg13[%dma_start3A_98, %dma_start3A_99] : memref<10112x64xf32, #tpu.memory_space<vmem_shared>> -> memref<10112x64xf32, #tpu.memory_space<vmem_shared>>
      tpu.enqueue_indirect_dma source(%arg8 : memref<100x64xf32, #tpu.memory_space<vmem>>) target(%dma_start3A_100 : memref<10112x64xf32, #tpu.memory_space<vmem_shared>>) offsets(%dma_start3A_97 : memref<100xi32, #tpu.memory_space<vmem>>) semaphore(%arg19 : memref<!tpu.dma_semaphore, #tpu.memory_space<semaphore_mem>>) {add = true}
      %add3A_101 = arith.constant 1 : i32
      %add3A_102 = arith.addi %mul3A_84, %add3A_101 : i32
      %dma_wait3A_103 = arith.constant 0 : i32
      %dma_wait3A_104 = tpu.memref_slice %arg6[%add3A_102, %dma_wait3A_103] : memref<100x100xi32, #tpu.memory_space<vmem>> -> memref<1x100xi32, #tpu.memory_space<vmem>>
      %dma_wait3A_105 = tpu.memref_squeeze %dma_wait3A_104 : memref<1x100xi32, #tpu.memory_space<vmem>> -> memref<100xi32, #tpu.memory_space<vmem>>
      %dma_wait3A_106 = arith.constant 0 : i32
      %dma_wait3A_107 = arith.constant 0 : i32
      %dma_wait3A_108 = tpu.memref_slice %arg2[%dma_wait3A_106, %dma_wait3A_107] : memref<10000x64xf32, #tpu.memory_space<hbm>> -> memref<10000x64xf32, #tpu.memory_space<hbm>>
      tpu.wait_indirect_dma semaphore(%arg15 : memref<!tpu.dma_semaphore, #tpu.memory_space<semaphore_mem>>) src(%dma_wait3A_108 : memref<10000x64xf32, #tpu.memory_space<hbm>>) dst(%arg9 : memref<100x64xf32, #tpu.memory_space<vmem>>)
      %add3A_109 = arith.constant 1 : i32
      %add3A_110 = arith.addi %mul3A_84, %add3A_109 : i32
      %dma_start3A_111 = arith.constant 0 : i32
      %dma_start3A_112 = tpu.memref_slice %arg7[%add3A_110, %dma_start3A_111] : memref<100x100xi32, #tpu.memory_space<vmem>> -> memref<1x100xi32, #tpu.memory_space<vmem>>
      %dma_start3A_113 = tpu.memref_squeeze %dma_start3A_112 : memref<1x100xi32, #tpu.memory_space<vmem>> -> memref<100xi32, #tpu.memory_space<vmem>>
      %dma_start3A_114 = arith.constant 0 : i32
      %dma_start3A_115 = arith.constant 0 : i32
      %dma_start3A_116 = tpu.memref_slice %arg13[%dma_start3A_114, %dma_start3A_115] : memref<10112x64xf32, #tpu.memory_space<vmem_shared>> -> memref<10112x64xf32, #tpu.memory_space<vmem_shared>>
      tpu.enqueue_indirect_dma source(%arg9 : memref<100x64xf32, #tpu.memory_space<vmem>>) target(%dma_start3A_116 : memref<10112x64xf32, #tpu.memory_space<vmem_shared>>) offsets(%dma_start3A_113 : memref<100xi32, #tpu.memory_space<vmem>>) semaphore(%arg20 : memref<!tpu.dma_semaphore, #tpu.memory_space<semaphore_mem>>) {add = true}
      %add3A_117 = arith.constant 2 : i32
      %add3A_118 = arith.addi %mul3A_84, %add3A_117 : i32
      %dma_wait3A_119 = arith.constant 0 : i32
      %dma_wait3A_120 = tpu.memref_slice %arg6[%add3A_118, %dma_wait3A_119] : memref<100x100xi32, #tpu.memory_space<vmem>> -> memref<1x100xi32, #tpu.memory_space<vmem>>
      %dma_wait3A_121 = tpu.memref_squeeze %dma_wait3A_120 : memref<1x100xi32, #tpu.memory_space<vmem>> -> memref<100xi32, #tpu.memory_space<vmem>>
      %dma_wait3A_122 = arith.constant 0 : i32
      %dma_wait3A_123 = arith.constant 0 : i32
      %dma_wait3A_124 = tpu.memref_slice %arg2[%dma_wait3A_122, %dma_wait3A_123] : memref<10000x64xf32, #tpu.memory_space<hbm>> -> memref<10000x64xf32, #tpu.memory_space<hbm>>
      tpu.wait_indirect_dma semaphore(%arg16 : memref<!tpu.dma_semaphore, #tpu.memory_space<semaphore_mem>>) src(%dma_wait3A_124 : memref<10000x64xf32, #tpu.memory_space<hbm>>) dst(%arg10 : memref<100x64xf32, #tpu.memory_space<vmem>>)
      %add3A_125 = arith.constant 2 : i32
      %add3A_126 = arith.addi %mul3A_84, %add3A_125 : i32
      %dma_start3A_127 = arith.constant 0 : i32
      %dma_start3A_128 = tpu.memref_slice %arg7[%add3A_126, %dma_start3A_127] : memref<100x100xi32, #tpu.memory_space<vmem>> -> memref<1x100xi32, #tpu.memory_space<vmem>>
      %dma_start3A_129 = tpu.memref_squeeze %dma_start3A_128 : memref<1x100xi32, #tpu.memory_space<vmem>> -> memref<100xi32, #tpu.memory_space<vmem>>
      %dma_start3A_130 = arith.constant 0 : i32
      %dma_start3A_131 = arith.constant 0 : i32
      %dma_start3A_132 = tpu.memref_slice %arg13[%dma_start3A_130, %dma_start3A_131] : memref<10112x64xf32, #tpu.memory_space<vmem_shared>> -> memref<10112x64xf32, #tpu.memory_space<vmem_shared>>
      tpu.enqueue_indirect_dma source(%arg10 : memref<100x64xf32, #tpu.memory_space<vmem>>) target(%dma_start3A_132 : memref<10112x64xf32, #tpu.memory_space<vmem_shared>>) offsets(%dma_start3A_129 : memref<100xi32, #tpu.memory_space<vmem>>) semaphore(%arg21 : memref<!tpu.dma_semaphore, #tpu.memory_space<semaphore_mem>>) {add = true}
      %add3A_133 = arith.constant 3 : i32
      %add3A_134 = arith.addi %mul3A_84, %add3A_133 : i32
      %dma_wait3A_135 = arith.constant 0 : i32
      %dma_wait3A_136 = tpu.memref_slice %arg6[%add3A_134, %dma_wait3A_135] : memref<100x100xi32, #tpu.memory_space<vmem>> -> memref<1x100xi32, #tpu.memory_space<vmem>>
      %dma_wait3A_137 = tpu.memref_squeeze %dma_wait3A_136 : memref<1x100xi32, #tpu.memory_space<vmem>> -> memref<100xi32, #tpu.memory_space<vmem>>
      %dma_wait3A_138 = arith.constant 0 : i32
      %dma_wait3A_139 = arith.constant 0 : i32
      %dma_wait3A_140 = tpu.memref_slice %arg2[%dma_wait3A_138, %dma_wait3A_139] : memref<10000x64xf32, #tpu.memory_space<hbm>> -> memref<10000x64xf32, #tpu.memory_space<hbm>>
      tpu.wait_indirect_dma semaphore(%arg17 : memref<!tpu.dma_semaphore, #tpu.memory_space<semaphore_mem>>) src(%dma_wait3A_140 : memref<10000x64xf32, #tpu.memory_space<hbm>>) dst(%arg11 : memref<100x64xf32, #tpu.memory_space<vmem>>)
      %add3A_141 = arith.constant 3 : i32
      %add3A_142 = arith.addi %mul3A_84, %add3A_141 : i32
      %dma_start3A_143 = arith.constant 0 : i32
      %dma_start3A_144 = tpu.memref_slice %arg7[%add3A_142, %dma_start3A_143] : memref<100x100xi32, #tpu.memory_space<vmem>> -> memref<1x100xi32, #tpu.memory_space<vmem>>
      %dma_start3A_145 = tpu.memref_squeeze %dma_start3A_144 : memref<1x100xi32, #tpu.memory_space<vmem>> -> memref<100xi32, #tpu.memory_space<vmem>>
      %dma_start3A_146 = arith.constant 0 : i32
      %dma_start3A_147 = arith.constant 0 : i32
      %dma_start3A_148 = tpu.memref_slice %arg13[%dma_start3A_146, %dma_start3A_147] : memref<10112x64xf32, #tpu.memory_space<vmem_shared>> -> memref<10112x64xf32, #tpu.memory_space<vmem_shared>>
      tpu.enqueue_indirect_dma source(%arg11 : memref<100x64xf32, #tpu.memory_space<vmem>>) target(%dma_start3A_148 : memref<10112x64xf32, #tpu.memory_space<vmem_shared>>) offsets(%dma_start3A_145 : memref<100xi32, #tpu.memory_space<vmem>>) semaphore(%arg22 : memref<!tpu.dma_semaphore, #tpu.memory_space<semaphore_mem>>) {add = true}
      %add3A_149 = arith.constant 4 : i32
      %add3A_150 = arith.addi %mul3A_84, %add3A_149 : i32
      %dma_wait3A_151 = arith.constant 0 : i32
      %dma_wait3A_152 = tpu.memref_slice %arg6[%add3A_150, %dma_wait3A_151] : memref<100x100xi32, #tpu.memory_space<vmem>> -> memref<1x100xi32, #tpu.memory_space<vmem>>
      %dma_wait3A_153 = tpu.memref_squeeze %dma_wait3A_152 : memref<1x100xi32, #tpu.memory_space<vmem>> -> memref<100xi32, #tpu.memory_space<vmem>>
      %dma_wait3A_154 = arith.constant 0 : i32
      %dma_wait3A_155 = arith.constant 0 : i32
      %dma_wait3A_156 = tpu.memref_slice %arg2[%dma_wait3A_154, %dma_wait3A_155] : memref<10000x64xf32, #tpu.memory_space<hbm>> -> memref<10000x64xf32, #tpu.memory_space<hbm>>
      tpu.wait_indirect_dma semaphore(%arg18 : memref<!tpu.dma_semaphore, #tpu.memory_space<semaphore_mem>>) src(%dma_wait3A_156 : memref<10000x64xf32, #tpu.memory_space<hbm>>) dst(%arg12 : memref<100x64xf32, #tpu.memory_space<vmem>>)
      %add3A_157 = arith.constant 4 : i32
      %add3A_158 = arith.addi %mul3A_84, %add3A_157 : i32
      %dma_start3A_159 = arith.constant 0 : i32
      %dma_start3A_160 = tpu.memref_slice %arg7[%add3A_158, %dma_start3A_159] : memref<100x100xi32, #tpu.memory_space<vmem>> -> memref<1x100xi32, #tpu.memory_space<vmem>>
      %dma_start3A_161 = tpu.memref_squeeze %dma_start3A_160 : memref<1x100xi32, #tpu.memory_space<vmem>> -> memref<100xi32, #tpu.memory_space<vmem>>
      %dma_start3A_162 = arith.constant 0 : i32
      %dma_start3A_163 = arith.constant 0 : i32
      %dma_start3A_164 = tpu.memref_slice %arg13[%dma_start3A_162, %dma_start3A_163] : memref<10112x64xf32, #tpu.memory_space<vmem_shared>> -> memref<10112x64xf32, #tpu.memory_space<vmem_shared>>
      tpu.enqueue_indirect_dma source(%arg12 : memref<100x64xf32, #tpu.memory_space<vmem>>) target(%dma_start3A_164 : memref<10112x64xf32, #tpu.memory_space<vmem_shared>>) offsets(%dma_start3A_161 : memref<100xi32, #tpu.memory_space<vmem>>) semaphore(%arg23 : memref<!tpu.dma_semaphore, #tpu.memory_space<semaphore_mem>>) {add = true}
      %add3A_165 = arith.constant 1 : i32
      %add3A_166 = arith.addi %scan3A_82, %add3A_165 : i32
      %lt3A = arith.constant 20 : i32
      %lt3A_167 = arith.cmpi slt, %add3A_166, %lt3A : i32
      %convert_element_type3A = arith.extui %lt3A_167 : i1 to i32
      %cond3A = arith.constant 0 : i32
      %cond3A_168 = arith.cmpi ne, %convert_element_type3A, %cond3A : i32
      scf.if %cond3A_168 {
        %add3A_169 = arith.constant 0 : i32
        %add3A_170 = arith.addi %mul3A_84, %add3A_169 : i32
        %dma_wait3A_171 = arith.constant 0 : i32
        %dma_wait3A_172 = tpu.memref_slice %arg7[%add3A_170, %dma_wait3A_171] : memref<100x100xi32, #tpu.memory_space<vmem>> -> memref<1x100xi32, #tpu.memory_space<vmem>>
        %dma_wait3A_173 = tpu.memref_squeeze %dma_wait3A_172 : memref<1x100xi32, #tpu.memory_space<vmem>> -> memref<100xi32, #tpu.memory_space<vmem>>
        %dma_wait3A_174 = arith.constant 0 : i32
        %dma_wait3A_175 = arith.constant 0 : i32
        %dma_wait3A_176 = tpu.memref_slice %arg13[%dma_wait3A_174, %dma_wait3A_175] : memref<10112x64xf32, #tpu.memory_space<vmem_shared>> -> memref<10112x64xf32, #tpu.memory_space<vmem_shared>>
        tpu.wait_indirect_dma semaphore(%arg19 : memref<!tpu.dma_semaphore, #tpu.memory_space<semaphore_mem>>) src(%arg8 : memref<100x64xf32, #tpu.memory_space<vmem>>) dst(%dma_wait3A_176 : memref<10112x64xf32, #tpu.memory_space<vmem_shared>>)
        %add3A_177 = arith.constant 0 : i32
        %add3A_178 = arith.addi %mul3A_84, %add3A_177 : i32
        %add3A_179 = arith.constant 5 : i32
        %add3A_180 = arith.addi %add3A_178, %add3A_179 : i32
        %dma_start3A_181 = arith.constant 0 : i32
        %dma_start3A_182 = tpu.memref_slice %arg6[%add3A_180, %dma_start3A_181] : memref<100x100xi32, #tpu.memory_space<vmem>> -> memref<1x100xi32, #tpu.memory_space<vmem>>
        %dma_start3A_183 = tpu.memref_squeeze %dma_start3A_182 : memref<1x100xi32, #tpu.memory_space<vmem>> -> memref<100xi32, #tpu.memory_space<vmem>>
        %dma_start3A_184 = arith.constant 0 : i32
        %dma_start3A_185 = arith.constant 0 : i32
        %dma_start3A_186 = tpu.memref_slice %arg2[%dma_start3A_184, %dma_start3A_185] : memref<10000x64xf32, #tpu.memory_space<hbm>> -> memref<10000x64xf32, #tpu.memory_space<hbm>>
        tpu.enqueue_indirect_dma source(%dma_start3A_186 : memref<10000x64xf32, #tpu.memory_space<hbm>>) target(%arg8 : memref<100x64xf32, #tpu.memory_space<vmem>>) offsets(%dma_start3A_183 : memref<100xi32, #tpu.memory_space<vmem>>) semaphore(%arg14 : memref<!tpu.dma_semaphore, #tpu.memory_space<semaphore_mem>>)
        %add3A_187 = arith.constant 1 : i32
        %add3A_188 = arith.addi %mul3A_84, %add3A_187 : i32
        %dma_wait3A_189 = arith.constant 0 : i32
        %dma_wait3A_190 = tpu.memref_slice %arg7[%add3A_188, %dma_wait3A_189] : memref<100x100xi32, #tpu.memory_space<vmem>> -> memref<1x100xi32, #tpu.memory_space<vmem>>
        %dma_wait3A_191 = tpu.memref_squeeze %dma_wait3A_190 : memref<1x100xi32, #tpu.memory_space<vmem>> -> memref<100xi32, #tpu.memory_space<vmem>>
        %dma_wait3A_192 = arith.constant 0 : i32
        %dma_wait3A_193 = arith.constant 0 : i32
        %dma_wait3A_194 = tpu.memref_slice %arg13[%dma_wait3A_192, %dma_wait3A_193] : memref<10112x64xf32, #tpu.memory_space<vmem_shared>> -> memref<10112x64xf32, #tpu.memory_space<vmem_shared>>
        tpu.wait_indirect_dma semaphore(%arg20 : memref<!tpu.dma_semaphore, #tpu.memory_space<semaphore_mem>>) src(%arg9 : memref<100x64xf32, #tpu.memory_space<vmem>>) dst(%dma_wait3A_194 : memref<10112x64xf32, #tpu.memory_space<vmem_shared>>)
        %add3A_195 = arith.constant 1 : i32
        %add3A_196 = arith.addi %mul3A_84, %add3A_195 : i32
        %add3A_197 = arith.constant 5 : i32
        %add3A_198 = arith.addi %add3A_196, %add3A_197 : i32
        %dma_start3A_199 = arith.constant 0 : i32
        %dma_start3A_200 = tpu.memref_slice %arg6[%add3A_198, %dma_start3A_199] : memref<100x100xi32, #tpu.memory_space<vmem>> -> memref<1x100xi32, #tpu.memory_space<vmem>>
        %dma_start3A_201 = tpu.memref_squeeze %dma_start3A_200 : memref<1x100xi32, #tpu.memory_space<vmem>> -> memref<100xi32, #tpu.memory_space<vmem>>
        %dma_start3A_202 = arith.constant 0 : i32
        %dma_start3A_203 = arith.constant 0 : i32
        %dma_start3A_204 = tpu.memref_slice %arg2[%dma_start3A_202, %dma_start3A_203] : memref<10000x64xf32, #tpu.memory_space<hbm>> -> memref<10000x64xf32, #tpu.memory_space<hbm>>
        tpu.enqueue_indirect_dma source(%dma_start3A_204 : memref<10000x64xf32, #tpu.memory_space<hbm>>) target(%arg9 : memref<100x64xf32, #tpu.memory_space<vmem>>) offsets(%dma_start3A_201 : memref<100xi32, #tpu.memory_space<vmem>>) semaphore(%arg15 : memref<!tpu.dma_semaphore, #tpu.memory_space<semaphore_mem>>)
        %add3A_205 = arith.constant 2 : i32
        %add3A_206 = arith.addi %mul3A_84, %add3A_205 : i32
        %dma_wait3A_207 = arith.constant 0 : i32
        %dma_wait3A_208 = tpu.memref_slice %arg7[%add3A_206, %dma_wait3A_207] : memref<100x100xi32, #tpu.memory_space<vmem>> -> memref<1x100xi32, #tpu.memory_space<vmem>>
        %dma_wait3A_209 = tpu.memref_squeeze %dma_wait3A_208 : memref<1x100xi32, #tpu.memory_space<vmem>> -> memref<100xi32, #tpu.memory_space<vmem>>
        %dma_wait3A_210 = arith.constant 0 : i32
        %dma_wait3A_211 = arith.constant 0 : i32
        %dma_wait3A_212 = tpu.memref_slice %arg13[%dma_wait3A_210, %dma_wait3A_211] : memref<10112x64xf32, #tpu.memory_space<vmem_shared>> -> memref<10112x64xf32, #tpu.memory_space<vmem_shared>>
        tpu.wait_indirect_dma semaphore(%arg21 : memref<!tpu.dma_semaphore, #tpu.memory_space<semaphore_mem>>) src(%arg10 : memref<100x64xf32, #tpu.memory_space<vmem>>) dst(%dma_wait3A_212 : memref<10112x64xf32, #tpu.memory_space<vmem_shared>>)
        %add3A_213 = arith.constant 2 : i32
        %add3A_214 = arith.addi %mul3A_84, %add3A_213 : i32
        %add3A_215 = arith.constant 5 : i32
        %add3A_216 = arith.addi %add3A_214, %add3A_215 : i32
        %dma_start3A_217 = arith.constant 0 : i32
        %dma_start3A_218 = tpu.memref_slice %arg6[%add3A_216, %dma_start3A_217] : memref<100x100xi32, #tpu.memory_space<vmem>> -> memref<1x100xi32, #tpu.memory_space<vmem>>
        %dma_start3A_219 = tpu.memref_squeeze %dma_start3A_218 : memref<1x100xi32, #tpu.memory_space<vmem>> -> memref<100xi32, #tpu.memory_space<vmem>>
        %dma_start3A_220 = arith.constant 0 : i32
        %dma_start3A_221 = arith.constant 0 : i32
        %dma_start3A_222 = tpu.memref_slice %arg2[%dma_start3A_220, %dma_start3A_221] : memref<10000x64xf32, #tpu.memory_space<hbm>> -> memref<10000x64xf32, #tpu.memory_space<hbm>>
        tpu.enqueue_indirect_dma source(%dma_start3A_222 : memref<10000x64xf32, #tpu.memory_space<hbm>>) target(%arg10 : memref<100x64xf32, #tpu.memory_space<vmem>>) offsets(%dma_start3A_219 : memref<100xi32, #tpu.memory_space<vmem>>) semaphore(%arg16 : memref<!tpu.dma_semaphore, #tpu.memory_space<semaphore_mem>>)
        %add3A_223 = arith.constant 3 : i32
        %add3A_224 = arith.addi %mul3A_84, %add3A_223 : i32
        %dma_wait3A_225 = arith.constant 0 : i32
        %dma_wait3A_226 = tpu.memref_slice %arg7[%add3A_224, %dma_wait3A_225] : memref<100x100xi32, #tpu.memory_space<vmem>> -> memref<1x100xi32, #tpu.memory_space<vmem>>
        %dma_wait3A_227 = tpu.memref_squeeze %dma_wait3A_226 : memref<1x100xi32, #tpu.memory_space<vmem>> -> memref<100xi32, #tpu.memory_space<vmem>>
        %dma_wait3A_228 = arith.constant 0 : i32
        %dma_wait3A_229 = arith.constant 0 : i32
        %dma_wait3A_230 = tpu.memref_slice %arg13[%dma_wait3A_228, %dma_wait3A_229] : memref<10112x64xf32, #tpu.memory_space<vmem_shared>> -> memref<10112x64xf32, #tpu.memory_space<vmem_shared>>
        tpu.wait_indirect_dma semaphore(%arg22 : memref<!tpu.dma_semaphore, #tpu.memory_space<semaphore_mem>>) src(%arg11 : memref<100x64xf32, #tpu.memory_space<vmem>>) dst(%dma_wait3A_230 : memref<10112x64xf32, #tpu.memory_space<vmem_shared>>)
        %add3A_231 = arith.constant 3 : i32
        %add3A_232 = arith.addi %mul3A_84, %add3A_231 : i32
        %add3A_233 = arith.constant 5 : i32
        %add3A_234 = arith.addi %add3A_232, %add3A_233 : i32
        %dma_start3A_235 = arith.constant 0 : i32
        %dma_start3A_236 = tpu.memref_slice %arg6[%add3A_234, %dma_start3A_235] : memref<100x100xi32, #tpu.memory_space<vmem>> -> memref<1x100xi32, #tpu.memory_space<vmem>>
        %dma_start3A_237 = tpu.memref_squeeze %dma_start3A_236 : memref<1x100xi32, #tpu.memory_space<vmem>> -> memref<100xi32, #tpu.memory_space<vmem>>
        %dma_start3A_238 = arith.constant 0 : i32
        %dma_start3A_239 = arith.constant 0 : i32
        %dma_start3A_240 = tpu.memref_slice %arg2[%dma_start3A_238, %dma_start3A_239] : memref<10000x64xf32, #tpu.memory_space<hbm>> -> memref<10000x64xf32, #tpu.memory_space<hbm>>
        tpu.enqueue_indirect_dma source(%dma_start3A_240 : memref<10000x64xf32, #tpu.memory_space<hbm>>) target(%arg11 : memref<100x64xf32, #tpu.memory_space<vmem>>) offsets(%dma_start3A_237 : memref<100xi32, #tpu.memory_space<vmem>>) semaphore(%arg17 : memref<!tpu.dma_semaphore, #tpu.memory_space<semaphore_mem>>)
        %add3A_241 = arith.constant 4 : i32
        %add3A_242 = arith.addi %mul3A_84, %add3A_241 : i32
        %dma_wait3A_243 = arith.constant 0 : i32
        %dma_wait3A_244 = tpu.memref_slice %arg7[%add3A_242, %dma_wait3A_243] : memref<100x100xi32, #tpu.memory_space<vmem>> -> memref<1x100xi32, #tpu.memory_space<vmem>>
        %dma_wait3A_245 = tpu.memref_squeeze %dma_wait3A_244 : memref<1x100xi32, #tpu.memory_space<vmem>> -> memref<100xi32, #tpu.memory_space<vmem>>
        %dma_wait3A_246 = arith.constant 0 : i32
        %dma_wait3A_247 = arith.constant 0 : i32
        %dma_wait3A_248 = tpu.memref_slice %arg13[%dma_wait3A_246, %dma_wait3A_247] : memref<10112x64xf32, #tpu.memory_space<vmem_shared>> -> memref<10112x64xf32, #tpu.memory_space<vmem_shared>>
        tpu.wait_indirect_dma semaphore(%arg23 : memref<!tpu.dma_semaphore, #tpu.memory_space<semaphore_mem>>) src(%arg12 : memref<100x64xf32, #tpu.memory_space<vmem>>) dst(%dma_wait3A_248 : memref<10112x64xf32, #tpu.memory_space<vmem_shared>>)
        %add3A_249 = arith.constant 4 : i32
        %add3A_250 = arith.addi %mul3A_84, %add3A_249 : i32
        %add3A_251 = arith.constant 5 : i32
        %add3A_252 = arith.addi %add3A_250, %add3A_251 : i32
        %dma_start3A_253 = arith.constant 0 : i32
        %dma_start3A_254 = tpu.memref_slice %arg6[%add3A_252, %dma_start3A_253] : memref<100x100xi32, #tpu.memory_space<vmem>> -> memref<1x100xi32, #tpu.memory_space<vmem>>
        %dma_start3A_255 = tpu.memref_squeeze %dma_start3A_254 : memref<1x100xi32, #tpu.memory_space<vmem>> -> memref<100xi32, #tpu.memory_space<vmem>>
        %dma_start3A_256 = arith.constant 0 : i32
        %dma_start3A_257 = arith.constant 0 : i32
        %dma_start3A_258 = tpu.memref_slice %arg2[%dma_start3A_256, %dma_start3A_257] : memref<10000x64xf32, #tpu.memory_space<hbm>> -> memref<10000x64xf32, #tpu.memory_space<hbm>>
        tpu.enqueue_indirect_dma source(%dma_start3A_258 : memref<10000x64xf32, #tpu.memory_space<hbm>>) target(%arg12 : memref<100x64xf32, #tpu.memory_space<vmem>>) offsets(%dma_start3A_255 : memref<100xi32, #tpu.memory_space<vmem>>) semaphore(%arg18 : memref<!tpu.dma_semaphore, #tpu.memory_space<semaphore_mem>>)
      } else {
      }
    }
    %scan3A_42 = arith.constant 20 : i32
    %dma_wait3A = arith.constant 95 : i32
    %dma_wait3A_43 = arith.constant 0 : i32
    %dma_wait3A_44 = tpu.memref_slice %arg7[%dma_wait3A, %dma_wait3A_43] : memref<100x100xi32, #tpu.memory_space<vmem>> -> memref<1x100xi32, #tpu.memory_space<vmem>>
    %dma_wait3A_45 = tpu.memref_squeeze %dma_wait3A_44 : memref<1x100xi32, #tpu.memory_space<vmem>> -> memref<100xi32, #tpu.memory_space<vmem>>
    %dma_wait3A_46 = arith.constant 0 : i32
    %dma_wait3A_47 = arith.constant 0 : i32
    %dma_wait3A_48 = tpu.memref_slice %arg13[%dma_wait3A_46, %dma_wait3A_47] : memref<10112x64xf32, #tpu.memory_space<vmem_shared>> -> memref<10112x64xf32, #tpu.memory_space<vmem_shared>>
    tpu.wait_indirect_dma semaphore(%arg19 : memref<!tpu.dma_semaphore, #tpu.memory_space<semaphore_mem>>) src(%arg8 : memref<100x64xf32, #tpu.memory_space<vmem>>) dst(%dma_wait3A_48 : memref<10112x64xf32, #tpu.memory_space<vmem_shared>>)
    %dma_wait3A_49 = arith.constant 96 : i32
    %dma_wait3A_50 = arith.constant 0 : i32
    %dma_wait3A_51 = tpu.memref_slice %arg7[%dma_wait3A_49, %dma_wait3A_50] : memref<100x100xi32, #tpu.memory_space<vmem>> -> memref<1x100xi32, #tpu.memory_space<vmem>>
    %dma_wait3A_52 = tpu.memref_squeeze %dma_wait3A_51 : memref<1x100xi32, #tpu.memory_space<vmem>> -> memref<100xi32, #tpu.memory_space<vmem>>
    %dma_wait3A_53 = arith.constant 0 : i32
    %dma_wait3A_54 = arith.constant 0 : i32
    %dma_wait3A_55 = tpu.memref_slice %arg13[%dma_wait3A_53, %dma_wait3A_54] : memref<10112x64xf32, #tpu.memory_space<vmem_shared>> -> memref<10112x64xf32, #tpu.memory_space<vmem_shared>>
    tpu.wait_indirect_dma semaphore(%arg20 : memref<!tpu.dma_semaphore, #tpu.memory_space<semaphore_mem>>) src(%arg9 : memref<100x64xf32, #tpu.memory_space<vmem>>) dst(%dma_wait3A_55 : memref<10112x64xf32, #tpu.memory_space<vmem_shared>>)
    %dma_wait3A_56 = arith.constant 97 : i32
    %dma_wait3A_57 = arith.constant 0 : i32
    %dma_wait3A_58 = tpu.memref_slice %arg7[%dma_wait3A_56, %dma_wait3A_57] : memref<100x100xi32, #tpu.memory_space<vmem>> -> memref<1x100xi32, #tpu.memory_space<vmem>>
    %dma_wait3A_59 = tpu.memref_squeeze %dma_wait3A_58 : memref<1x100xi32, #tpu.memory_space<vmem>> -> memref<100xi32, #tpu.memory_space<vmem>>
    %dma_wait3A_60 = arith.constant 0 : i32
    %dma_wait3A_61 = arith.constant 0 : i32
    %dma_wait3A_62 = tpu.memref_slice %arg13[%dma_wait3A_60, %dma_wait3A_61] : memref<10112x64xf32, #tpu.memory_space<vmem_shared>> -> memref<10112x64xf32, #tpu.memory_space<vmem_shared>>
    tpu.wait_indirect_dma semaphore(%arg21 : memref<!tpu.dma_semaphore, #tpu.memory_space<semaphore_mem>>) src(%arg10 : memref<100x64xf32, #tpu.memory_space<vmem>>) dst(%dma_wait3A_62 : memref<10112x64xf32, #tpu.memory_space<vmem_shared>>)
    %dma_wait3A_63 = arith.constant 98 : i32
    %dma_wait3A_64 = arith.constant 0 : i32
    %dma_wait3A_65 = tpu.memref_slice %arg7[%dma_wait3A_63, %dma_wait3A_64] : memref<100x100xi32, #tpu.memory_space<vmem>> -> memref<1x100xi32, #tpu.memory_space<vmem>>
    %dma_wait3A_66 = tpu.memref_squeeze %dma_wait3A_65 : memref<1x100xi32, #tpu.memory_space<vmem>> -> memref<100xi32, #tpu.memory_space<vmem>>
    %dma_wait3A_67 = arith.constant 0 : i32
    %dma_wait3A_68 = arith.constant 0 : i32
    %dma_wait3A_69 = tpu.memref_slice %arg13[%dma_wait3A_67, %dma_wait3A_68] : memref<10112x64xf32, #tpu.memory_space<vmem_shared>> -> memref<10112x64xf32, #tpu.memory_space<vmem_shared>>
    tpu.wait_indirect_dma semaphore(%arg22 : memref<!tpu.dma_semaphore, #tpu.memory_space<semaphore_mem>>) src(%arg11 : memref<100x64xf32, #tpu.memory_space<vmem>>) dst(%dma_wait3A_69 : memref<10112x64xf32, #tpu.memory_space<vmem_shared>>)
    %dma_wait3A_70 = arith.constant 99 : i32
    %dma_wait3A_71 = arith.constant 0 : i32
    %dma_wait3A_72 = tpu.memref_slice %arg7[%dma_wait3A_70, %dma_wait3A_71] : memref<100x100xi32, #tpu.memory_space<vmem>> -> memref<1x100xi32, #tpu.memory_space<vmem>>
    %dma_wait3A_73 = tpu.memref_squeeze %dma_wait3A_72 : memref<1x100xi32, #tpu.memory_space<vmem>> -> memref<100xi32, #tpu.memory_space<vmem>>
    %dma_wait3A_74 = arith.constant 0 : i32
    %dma_wait3A_75 = arith.constant 0 : i32
    %dma_wait3A_76 = tpu.memref_slice %arg13[%dma_wait3A_74, %dma_wait3A_75] : memref<10112x64xf32, #tpu.memory_space<vmem_shared>> -> memref<10112x64xf32, #tpu.memory_space<vmem_shared>>
    tpu.wait_indirect_dma semaphore(%arg23 : memref<!tpu.dma_semaphore, #tpu.memory_space<semaphore_mem>>) src(%arg12 : memref<100x64xf32, #tpu.memory_space<vmem>>) dst(%dma_wait3A_76 : memref<10112x64xf32, #tpu.memory_space<vmem_shared>>)
    %barrier3A_77 = arith.constant 0 : index
    tpu.barrier barrier_id(%barrier3A_77)
    %mul3A_78 = arith.constant 632 : i32
    %mul3A_79 = arith.muli %arg1, %mul3A_78 : i32
    %mul3A_80 = arith.constant 632 : i32
    %mul3A_81 = arith.muli %arg1, %mul3A_80 : i32
    "tpu.region"() ({
      %run_scoped3A_82 = tpu.sem_alloc : memref<!tpu.dma_semaphore, #tpu.memory_space<semaphore_mem>>
      %dma_start3A_83 = arith.constant 0 : i32
      %dma_start3A_84 = tpu.memref_slice %arg5[%arg0, %mul3A_81, %dma_start3A_83] : memref<2x10112x64xf32, #tpu.memory_space<hbm>> -> memref<1x632x64xf32, #tpu.memory_space<hbm>>
      %dma_start3A_85 = tpu.memref_squeeze %dma_start3A_84 : memref<1x632x64xf32, #tpu.memory_space<hbm>> -> memref<632x64xf32, #tpu.memory_space<hbm>>
      %dma_start3A_86 = arith.constant 0 : i32
      %dma_start3A_87 = tpu.memref_slice %arg13[%mul3A_79, %dma_start3A_86] : memref<10112x64xf32, #tpu.memory_space<vmem_shared>> -> memref<632x64xf32, #tpu.memory_space<vmem_shared>>
      tpu.enqueue_dma source(%dma_start3A_87 : memref<632x64xf32, #tpu.memory_space<vmem_shared>>) target(%dma_start3A_85 : memref<632x64xf32, #tpu.memory_space<hbm>>) target_semaphore(%run_scoped3A_82 : memref<!tpu.dma_semaphore, #tpu.memory_space<semaphore_mem>>)
      %dma_wait3A_88 = arith.constant 0 : i32
      %dma_wait3A_89 = tpu.memref_slice %arg5[%arg0, %mul3A_81, %dma_wait3A_88] : memref<2x10112x64xf32, #tpu.memory_space<hbm>> -> memref<1x632x64xf32, #tpu.memory_space<hbm>>
      %dma_wait3A_90 = tpu.memref_squeeze %dma_wait3A_89 : memref<1x632x64xf32, #tpu.memory_space<hbm>> -> memref<632x64xf32, #tpu.memory_space<hbm>>
      %dma_wait3A_91 = arith.constant 0 : i32
      %dma_wait3A_92 = tpu.memref_slice %arg13[%mul3A_79, %dma_wait3A_91] : memref<10112x64xf32, #tpu.memory_space<vmem_shared>> -> memref<632x64xf32, #tpu.memory_space<vmem_shared>>
      tpu.wait_dma2 semaphore(%run_scoped3A_82 : memref<!tpu.dma_semaphore, #tpu.memory_space<semaphore_mem>>) src(%dma_wait3A_92 : memref<632x64xf32, #tpu.memory_space<vmem_shared>>) dst(%dma_wait3A_90 : memref<632x64xf32, #tpu.memory_space<hbm>>)
      tpu.yield
    }) : () -> ()
    return
  }
}

#map = affine_map<(d0, d1) -> (0, 0, 0, 0)>
#map1 = affine_map<(d0, d1) -> (0, 0)>
#map2 = affine_map<(d0, d1) -> (0, 0, 0)>
module attributes {stable_mosaic.version = 14 : i64} {
  func.func @_deg(%arg0: i32, %arg1: i32, %arg2: memref<2x32x100x100xi32, #tpu.memory_space<hbm>>, %arg3: memref<100x8xf32, #tpu.memory_space<hbm>>, %arg4: memref<632x8xf32, #tpu.memory_space<hbm>>, %arg5: memref<2x10112x8xf32, #tpu.memory_space<hbm>>, %arg6: memref<100x100xi32, #tpu.memory_space<vmem>>, %arg7: memref<100x8xf32, #tpu.memory_space<vmem>>, %arg8: memref<10112x8xf32, #tpu.memory_space<vmem_shared>>, %arg9: memref<!tpu.dma_semaphore, #tpu.memory_space<semaphore_mem>>) attributes {dimension_semantics = [#tpu.dimension_semantics<core_parallel>, #tpu.dimension_semantics<subcore_parallel>], iteration_bounds = array<i64: 2, 16>, scalar_prefetch = 0 : i64, scratch_operands = 4 : i64, tpu.core_type = #tpu.core_type<sc_vector_subcore>, window_params = [{transform_indices = #map}, {transform_indices = #map1}, {transform_indices = #map1}, {transform_indices = #map2}]} {
    %mul3A = arith.constant 16 : i32
    %mul3A_0 = arith.muli %arg0, %mul3A : i32
    %add3A = arith.addi %mul3A_0, %arg1 : i32
    %run_scoped3A = arith.constant 1 : i32
    "tpu.region"() ({
      %run_scoped3A_19 = tpu.sem_alloc : memref<!tpu.dma_semaphore, #tpu.memory_space<semaphore_mem>>
      %dma_start3A = arith.constant 0 : i32
      %dma_start3A_20 = arith.constant 0 : i32
      %dma_start3A_21 = tpu.memref_slice %arg2[%run_scoped3A, %add3A, %dma_start3A, %dma_start3A_20] : memref<2x32x100x100xi32, #tpu.memory_space<hbm>> -> memref<1x1x100x100xi32, #tpu.memory_space<hbm>>
      %dma_start3A_22 = tpu.memref_squeeze %dma_start3A_21 : memref<1x1x100x100xi32, #tpu.memory_space<hbm>> -> memref<100x100xi32, #tpu.memory_space<hbm>>
      %dma_start3A_23 = arith.constant 0 : i32
      %dma_start3A_24 = arith.constant 0 : i32
      %dma_start3A_25 = tpu.memref_slice %arg2[%run_scoped3A, %add3A, %dma_start3A_23, %dma_start3A_24] : memref<2x32x100x100xi32, #tpu.memory_space<hbm>> -> memref<1x1x100x100xi32, #tpu.memory_space<hbm>>
      %dma_start3A_26 = tpu.memref_squeeze %dma_start3A_25 : memref<1x1x100x100xi32, #tpu.memory_space<hbm>> -> memref<100x100xi32, #tpu.memory_space<hbm>>
      tpu.enqueue_dma source(%dma_start3A_26 : memref<100x100xi32, #tpu.memory_space<hbm>>) target(%arg6 : memref<100x100xi32, #tpu.memory_space<vmem>>) target_semaphore(%run_scoped3A_19 : memref<!tpu.dma_semaphore, #tpu.memory_space<semaphore_mem>>)
      %dma_wait3A = arith.constant 0 : i32
      %dma_wait3A_27 = arith.constant 0 : i32
      %dma_wait3A_28 = tpu.memref_slice %arg2[%run_scoped3A, %add3A, %dma_wait3A, %dma_wait3A_27] : memref<2x32x100x100xi32, #tpu.memory_space<hbm>> -> memref<1x1x100x100xi32, #tpu.memory_space<hbm>>
      %dma_wait3A_29 = tpu.memref_squeeze %dma_wait3A_28 : memref<1x1x100x100xi32, #tpu.memory_space<hbm>> -> memref<100x100xi32, #tpu.memory_space<hbm>>
      %dma_wait3A_30 = arith.constant 0 : i32
      %dma_wait3A_31 = arith.constant 0 : i32
      %dma_wait3A_32 = tpu.memref_slice %arg2[%run_scoped3A, %add3A, %dma_wait3A_30, %dma_wait3A_31] : memref<2x32x100x100xi32, #tpu.memory_space<hbm>> -> memref<1x1x100x100xi32, #tpu.memory_space<hbm>>
      %dma_wait3A_33 = tpu.memref_squeeze %dma_wait3A_32 : memref<1x1x100x100xi32, #tpu.memory_space<hbm>> -> memref<100x100xi32, #tpu.memory_space<hbm>>
      tpu.wait_dma2 semaphore(%run_scoped3A_19 : memref<!tpu.dma_semaphore, #tpu.memory_space<semaphore_mem>>) src(%dma_wait3A_33 : memref<100x100xi32, #tpu.memory_space<hbm>>) dst(%arg6 : memref<100x100xi32, #tpu.memory_space<vmem>>)
      tpu.yield
    }) : () -> ()
    "tpu.region"() ({
      %run_scoped3A_19 = tpu.sem_alloc : memref<!tpu.dma_semaphore, #tpu.memory_space<semaphore_mem>>
      tpu.enqueue_dma source(%arg3 : memref<100x8xf32, #tpu.memory_space<hbm>>) target(%arg7 : memref<100x8xf32, #tpu.memory_space<vmem>>) target_semaphore(%run_scoped3A_19 : memref<!tpu.dma_semaphore, #tpu.memory_space<semaphore_mem>>)
      tpu.wait_dma2 semaphore(%run_scoped3A_19 : memref<!tpu.dma_semaphore, #tpu.memory_space<semaphore_mem>>) src(%arg3 : memref<100x8xf32, #tpu.memory_space<hbm>>) dst(%arg7 : memref<100x8xf32, #tpu.memory_space<vmem>>)
      tpu.yield
    }) : () -> ()
    %mul3A_1 = arith.constant 632 : i32
    %mul3A_2 = arith.muli %arg1, %mul3A_1 : i32
    "tpu.region"() ({
      %run_scoped3A_19 = tpu.sem_alloc : memref<!tpu.dma_semaphore, #tpu.memory_space<semaphore_mem>>
      %dma_start3A = arith.constant 0 : i32
      %dma_start3A_20 = tpu.memref_slice %arg8[%mul3A_2, %dma_start3A] : memref<10112x8xf32, #tpu.memory_space<vmem_shared>> -> memref<632x8xf32, #tpu.memory_space<vmem_shared>>
      tpu.enqueue_dma source(%arg4 : memref<632x8xf32, #tpu.memory_space<hbm>>) target(%dma_start3A_20 : memref<632x8xf32, #tpu.memory_space<vmem_shared>>) target_semaphore(%run_scoped3A_19 : memref<!tpu.dma_semaphore, #tpu.memory_space<semaphore_mem>>)
      %dma_wait3A = arith.constant 0 : i32
      %dma_wait3A_21 = tpu.memref_slice %arg8[%mul3A_2, %dma_wait3A] : memref<10112x8xf32, #tpu.memory_space<vmem_shared>> -> memref<632x8xf32, #tpu.memory_space<vmem_shared>>
      tpu.wait_dma2 semaphore(%run_scoped3A_19 : memref<!tpu.dma_semaphore, #tpu.memory_space<semaphore_mem>>) src(%arg4 : memref<632x8xf32, #tpu.memory_space<hbm>>) dst(%dma_wait3A_21 : memref<632x8xf32, #tpu.memory_space<vmem_shared>>)
      tpu.yield
    }) : () -> ()
    %barrier3A = arith.constant 0 : index
    tpu.barrier barrier_id(%barrier3A)
    %scan3A = arith.constant 0 : i32
    %scan3A_3 = arith.constant 0 : i32
    %scan3A_4 = arith.constant 100 : i32
    %scan3A_5 = arith.addi %scan3A_3, %scan3A_4 : i32
    %scan3A_6 = arith.constant 1 : i32
    scf.for %scan3A_19 = %scan3A_3 to %scan3A_5 step %scan3A_6  : i32 {
      %dma_start3A = arith.constant 0 : i32
      %dma_start3A_20 = tpu.memref_slice %arg6[%scan3A_19, %dma_start3A] : memref<100x100xi32, #tpu.memory_space<vmem>> -> memref<1x100xi32, #tpu.memory_space<vmem>>
      %dma_start3A_21 = tpu.memref_squeeze %dma_start3A_20 : memref<1x100xi32, #tpu.memory_space<vmem>> -> memref<100xi32, #tpu.memory_space<vmem>>
      %dma_start3A_22 = arith.constant 0 : i32
      %dma_start3A_23 = arith.constant 0 : i32
      %dma_start3A_24 = tpu.memref_slice %arg8[%dma_start3A_22, %dma_start3A_23] : memref<10112x8xf32, #tpu.memory_space<vmem_shared>> -> memref<10112x8xf32, #tpu.memory_space<vmem_shared>>
      tpu.enqueue_indirect_dma source(%arg7 : memref<100x8xf32, #tpu.memory_space<vmem>>) target(%dma_start3A_24 : memref<10112x8xf32, #tpu.memory_space<vmem_shared>>) offsets(%dma_start3A_21 : memref<100xi32, #tpu.memory_space<vmem>>) semaphore(%arg9 : memref<!tpu.dma_semaphore, #tpu.memory_space<semaphore_mem>>) {add = true}
    }
    %scan3A_7 = arith.constant 100 : i32
    %scan3A_8 = arith.constant 0 : i32
    %scan3A_9 = arith.constant 0 : i32
    %scan3A_10 = arith.constant 100 : i32
    %scan3A_11 = arith.addi %scan3A_9, %scan3A_10 : i32
    %scan3A_12 = arith.constant 1 : i32
    scf.for %scan3A_19 = %scan3A_9 to %scan3A_11 step %scan3A_12  : i32 {
      %dma_wait3A = arith.constant 0 : i32
      %dma_wait3A_20 = arith.constant 0 : i32
      %dma_wait3A_21 = tpu.memref_slice %arg6[%dma_wait3A, %dma_wait3A_20] : memref<100x100xi32, #tpu.memory_space<vmem>> -> memref<1x100xi32, #tpu.memory_space<vmem>>
      %dma_wait3A_22 = tpu.memref_squeeze %dma_wait3A_21 : memref<1x100xi32, #tpu.memory_space<vmem>> -> memref<100xi32, #tpu.memory_space<vmem>>
      %dma_wait3A_23 = arith.constant 0 : i32
      %dma_wait3A_24 = arith.constant 0 : i32
      %dma_wait3A_25 = tpu.memref_slice %arg8[%dma_wait3A_23, %dma_wait3A_24] : memref<10112x8xf32, #tpu.memory_space<vmem_shared>> -> memref<10112x8xf32, #tpu.memory_space<vmem_shared>>
      tpu.wait_indirect_dma semaphore(%arg9 : memref<!tpu.dma_semaphore, #tpu.memory_space<semaphore_mem>>) src(%arg7 : memref<100x8xf32, #tpu.memory_space<vmem>>) dst(%dma_wait3A_25 : memref<10112x8xf32, #tpu.memory_space<vmem_shared>>)
    }
    %scan3A_13 = arith.constant 100 : i32
    %barrier3A_14 = arith.constant 0 : index
    tpu.barrier barrier_id(%barrier3A_14)
    %mul3A_15 = arith.constant 632 : i32
    %mul3A_16 = arith.muli %arg1, %mul3A_15 : i32
    %mul3A_17 = arith.constant 632 : i32
    %mul3A_18 = arith.muli %arg1, %mul3A_17 : i32
    "tpu.region"() ({
      %run_scoped3A_19 = tpu.sem_alloc : memref<!tpu.dma_semaphore, #tpu.memory_space<semaphore_mem>>
      %dma_start3A = arith.constant 0 : i32
      %dma_start3A_20 = tpu.memref_slice %arg5[%arg0, %mul3A_18, %dma_start3A] : memref<2x10112x8xf32, #tpu.memory_space<hbm>> -> memref<1x632x8xf32, #tpu.memory_space<hbm>>
      %dma_start3A_21 = tpu.memref_squeeze %dma_start3A_20 : memref<1x632x8xf32, #tpu.memory_space<hbm>> -> memref<632x8xf32, #tpu.memory_space<hbm>>
      %dma_start3A_22 = arith.constant 0 : i32
      %dma_start3A_23 = tpu.memref_slice %arg8[%mul3A_16, %dma_start3A_22] : memref<10112x8xf32, #tpu.memory_space<vmem_shared>> -> memref<632x8xf32, #tpu.memory_space<vmem_shared>>
      tpu.enqueue_dma source(%dma_start3A_23 : memref<632x8xf32, #tpu.memory_space<vmem_shared>>) target(%dma_start3A_21 : memref<632x8xf32, #tpu.memory_space<hbm>>) target_semaphore(%run_scoped3A_19 : memref<!tpu.dma_semaphore, #tpu.memory_space<semaphore_mem>>)
      %dma_wait3A = arith.constant 0 : i32
      %dma_wait3A_24 = tpu.memref_slice %arg5[%arg0, %mul3A_18, %dma_wait3A] : memref<2x10112x8xf32, #tpu.memory_space<hbm>> -> memref<1x632x8xf32, #tpu.memory_space<hbm>>
      %dma_wait3A_25 = tpu.memref_squeeze %dma_wait3A_24 : memref<1x632x8xf32, #tpu.memory_space<hbm>> -> memref<632x8xf32, #tpu.memory_space<hbm>>
      %dma_wait3A_26 = arith.constant 0 : i32
      %dma_wait3A_27 = tpu.memref_slice %arg8[%mul3A_16, %dma_wait3A_26] : memref<10112x8xf32, #tpu.memory_space<vmem_shared>> -> memref<632x8xf32, #tpu.memory_space<vmem_shared>>
      tpu.wait_dma2 semaphore(%run_scoped3A_19 : memref<!tpu.dma_semaphore, #tpu.memory_space<semaphore_mem>>) src(%dma_wait3A_27 : memref<632x8xf32, #tpu.memory_space<vmem_shared>>) dst(%dma_wait3A_25 : memref<632x8xf32, #tpu.memory_space<hbm>>)
      tpu.yield
    }) : () -> ()
    return
  }
}

#map = affine_map<(d0, d1) -> (0, 0)>
#map1 = affine_map<(d0, d1) -> (0, 0, 0, 0)>
#map2 = affine_map<(d0, d1) -> (0, 0, 0)>
module attributes {stable_mosaic.version = 14 : i64} {
  func.func @conv(%arg0: i32, %arg1: i32, %arg2: memref<10000x32xf32, #tpu.memory_space<hbm>>, %arg3: memref<2x32x100x100xi32, #tpu.memory_space<hbm>>, %arg4: memref<632x32xf32, #tpu.memory_space<hbm>>, %arg5: memref<2x10112x32xf32, #tpu.memory_space<hbm>>, %arg6: memref<100x100xi32, #tpu.memory_space<vmem>>, %arg7: memref<100x100xi32, #tpu.memory_space<vmem>>, %arg8: memref<100x32xf32, #tpu.memory_space<vmem>>, %arg9: memref<100x32xf32, #tpu.memory_space<vmem>>, %arg10: memref<100x32xf32, #tpu.memory_space<vmem>>, %arg11: memref<100x32xf32, #tpu.memory_space<vmem>>, %arg12: memref<100x32xf32, #tpu.memory_space<vmem>>, %arg13: memref<10112x32xf32, #tpu.memory_space<vmem_shared>>, %arg14: memref<!tpu.dma_semaphore, #tpu.memory_space<semaphore_mem>>, %arg15: memref<!tpu.dma_semaphore, #tpu.memory_space<semaphore_mem>>, %arg16: memref<!tpu.dma_semaphore, #tpu.memory_space<semaphore_mem>>, %arg17: memref<!tpu.dma_semaphore, #tpu.memory_space<semaphore_mem>>, %arg18: memref<!tpu.dma_semaphore, #tpu.memory_space<semaphore_mem>>, %arg19: memref<!tpu.dma_semaphore, #tpu.memory_space<semaphore_mem>>, %arg20: memref<!tpu.dma_semaphore, #tpu.memory_space<semaphore_mem>>, %arg21: memref<!tpu.dma_semaphore, #tpu.memory_space<semaphore_mem>>, %arg22: memref<!tpu.dma_semaphore, #tpu.memory_space<semaphore_mem>>, %arg23: memref<!tpu.dma_semaphore, #tpu.memory_space<semaphore_mem>>) attributes {dimension_semantics = [#tpu.dimension_semantics<core_parallel>, #tpu.dimension_semantics<subcore_parallel>], iteration_bounds = array<i64: 2, 16>, scalar_prefetch = 0 : i64, scratch_operands = 18 : i64, tpu.core_type = #tpu.core_type<sc_vector_subcore>, window_params = [{transform_indices = #map}, {transform_indices = #map1}, {transform_indices = #map}, {transform_indices = #map2}]} {
    %mul3A = arith.constant 16 : i32
    %mul3A_0 = arith.muli %arg0, %mul3A : i32
    %add3A = arith.addi %mul3A_0, %arg1 : i32
    %run_scoped3A = arith.constant 0 : i32
    "tpu.region"() ({
      %run_scoped3A_82 = tpu.sem_alloc : memref<!tpu.dma_semaphore, #tpu.memory_space<semaphore_mem>>
      %dma_start3A_83 = arith.constant 0 : i32
      %dma_start3A_84 = arith.constant 0 : i32
      %dma_start3A_85 = tpu.memref_slice %arg3[%run_scoped3A, %add3A, %dma_start3A_83, %dma_start3A_84] : memref<2x32x100x100xi32, #tpu.memory_space<hbm>> -> memref<1x1x100x100xi32, #tpu.memory_space<hbm>>
      %dma_start3A_86 = tpu.memref_squeeze %dma_start3A_85 : memref<1x1x100x100xi32, #tpu.memory_space<hbm>> -> memref<100x100xi32, #tpu.memory_space<hbm>>
      %dma_start3A_87 = arith.constant 0 : i32
      %dma_start3A_88 = arith.constant 0 : i32
      %dma_start3A_89 = tpu.memref_slice %arg3[%run_scoped3A, %add3A, %dma_start3A_87, %dma_start3A_88] : memref<2x32x100x100xi32, #tpu.memory_space<hbm>> -> memref<1x1x100x100xi32, #tpu.memory_space<hbm>>
      %dma_start3A_90 = tpu.memref_squeeze %dma_start3A_89 : memref<1x1x100x100xi32, #tpu.memory_space<hbm>> -> memref<100x100xi32, #tpu.memory_space<hbm>>
      tpu.enqueue_dma source(%dma_start3A_90 : memref<100x100xi32, #tpu.memory_space<hbm>>) target(%arg6 : memref<100x100xi32, #tpu.memory_space<vmem>>) target_semaphore(%run_scoped3A_82 : memref<!tpu.dma_semaphore, #tpu.memory_space<semaphore_mem>>)
      %dma_wait3A_91 = arith.constant 0 : i32
      %dma_wait3A_92 = arith.constant 0 : i32
      %dma_wait3A_93 = tpu.memref_slice %arg3[%run_scoped3A, %add3A, %dma_wait3A_91, %dma_wait3A_92] : memref<2x32x100x100xi32, #tpu.memory_space<hbm>> -> memref<1x1x100x100xi32, #tpu.memory_space<hbm>>
      %dma_wait3A_94 = tpu.memref_squeeze %dma_wait3A_93 : memref<1x1x100x100xi32, #tpu.memory_space<hbm>> -> memref<100x100xi32, #tpu.memory_space<hbm>>
      %dma_wait3A_95 = arith.constant 0 : i32
      %dma_wait3A_96 = arith.constant 0 : i32
      %dma_wait3A_97 = tpu.memref_slice %arg3[%run_scoped3A, %add3A, %dma_wait3A_95, %dma_wait3A_96] : memref<2x32x100x100xi32, #tpu.memory_space<hbm>> -> memref<1x1x100x100xi32, #tpu.memory_space<hbm>>
      %dma_wait3A_98 = tpu.memref_squeeze %dma_wait3A_97 : memref<1x1x100x100xi32, #tpu.memory_space<hbm>> -> memref<100x100xi32, #tpu.memory_space<hbm>>
      tpu.wait_dma2 semaphore(%run_scoped3A_82 : memref<!tpu.dma_semaphore, #tpu.memory_space<semaphore_mem>>) src(%dma_wait3A_98 : memref<100x100xi32, #tpu.memory_space<hbm>>) dst(%arg6 : memref<100x100xi32, #tpu.memory_space<vmem>>)
      tpu.yield
    }) : () -> ()
    %run_scoped3A_1 = arith.constant 1 : i32
    "tpu.region"() ({
      %run_scoped3A_82 = tpu.sem_alloc : memref<!tpu.dma_semaphore, #tpu.memory_space<semaphore_mem>>
      %dma_start3A_83 = arith.constant 0 : i32
      %dma_start3A_84 = arith.constant 0 : i32
      %dma_start3A_85 = tpu.memref_slice %arg3[%run_scoped3A_1, %add3A, %dma_start3A_83, %dma_start3A_84] : memref<2x32x100x100xi32, #tpu.memory_space<hbm>> -> memref<1x1x100x100xi32, #tpu.memory_space<hbm>>
      %dma_start3A_86 = tpu.memref_squeeze %dma_start3A_85 : memref<1x1x100x100xi32, #tpu.memory_space<hbm>> -> memref<100x100xi32, #tpu.memory_space<hbm>>
      %dma_start3A_87 = arith.constant 0 : i32
      %dma_start3A_88 = arith.constant 0 : i32
      %dma_start3A_89 = tpu.memref_slice %arg3[%run_scoped3A_1, %add3A, %dma_start3A_87, %dma_start3A_88] : memref<2x32x100x100xi32, #tpu.memory_space<hbm>> -> memref<1x1x100x100xi32, #tpu.memory_space<hbm>>
      %dma_start3A_90 = tpu.memref_squeeze %dma_start3A_89 : memref<1x1x100x100xi32, #tpu.memory_space<hbm>> -> memref<100x100xi32, #tpu.memory_space<hbm>>
      tpu.enqueue_dma source(%dma_start3A_90 : memref<100x100xi32, #tpu.memory_space<hbm>>) target(%arg7 : memref<100x100xi32, #tpu.memory_space<vmem>>) target_semaphore(%run_scoped3A_82 : memref<!tpu.dma_semaphore, #tpu.memory_space<semaphore_mem>>)
      %dma_wait3A_91 = arith.constant 0 : i32
      %dma_wait3A_92 = arith.constant 0 : i32
      %dma_wait3A_93 = tpu.memref_slice %arg3[%run_scoped3A_1, %add3A, %dma_wait3A_91, %dma_wait3A_92] : memref<2x32x100x100xi32, #tpu.memory_space<hbm>> -> memref<1x1x100x100xi32, #tpu.memory_space<hbm>>
      %dma_wait3A_94 = tpu.memref_squeeze %dma_wait3A_93 : memref<1x1x100x100xi32, #tpu.memory_space<hbm>> -> memref<100x100xi32, #tpu.memory_space<hbm>>
      %dma_wait3A_95 = arith.constant 0 : i32
      %dma_wait3A_96 = arith.constant 0 : i32
      %dma_wait3A_97 = tpu.memref_slice %arg3[%run_scoped3A_1, %add3A, %dma_wait3A_95, %dma_wait3A_96] : memref<2x32x100x100xi32, #tpu.memory_space<hbm>> -> memref<1x1x100x100xi32, #tpu.memory_space<hbm>>
      %dma_wait3A_98 = tpu.memref_squeeze %dma_wait3A_97 : memref<1x1x100x100xi32, #tpu.memory_space<hbm>> -> memref<100x100xi32, #tpu.memory_space<hbm>>
      tpu.wait_dma2 semaphore(%run_scoped3A_82 : memref<!tpu.dma_semaphore, #tpu.memory_space<semaphore_mem>>) src(%dma_wait3A_98 : memref<100x100xi32, #tpu.memory_space<hbm>>) dst(%arg7 : memref<100x100xi32, #tpu.memory_space<vmem>>)
      tpu.yield
    }) : () -> ()
    %mul3A_2 = arith.constant 632 : i32
    %mul3A_3 = arith.muli %arg1, %mul3A_2 : i32
    "tpu.region"() ({
      %run_scoped3A_82 = tpu.sem_alloc : memref<!tpu.dma_semaphore, #tpu.memory_space<semaphore_mem>>
      %dma_start3A_83 = arith.constant 0 : i32
      %dma_start3A_84 = tpu.memref_slice %arg13[%mul3A_3, %dma_start3A_83] : memref<10112x32xf32, #tpu.memory_space<vmem_shared>> -> memref<632x32xf32, #tpu.memory_space<vmem_shared>>
      tpu.enqueue_dma source(%arg4 : memref<632x32xf32, #tpu.memory_space<hbm>>) target(%dma_start3A_84 : memref<632x32xf32, #tpu.memory_space<vmem_shared>>) target_semaphore(%run_scoped3A_82 : memref<!tpu.dma_semaphore, #tpu.memory_space<semaphore_mem>>)
      %dma_wait3A_85 = arith.constant 0 : i32
      %dma_wait3A_86 = tpu.memref_slice %arg13[%mul3A_3, %dma_wait3A_85] : memref<10112x32xf32, #tpu.memory_space<vmem_shared>> -> memref<632x32xf32, #tpu.memory_space<vmem_shared>>
      tpu.wait_dma2 semaphore(%run_scoped3A_82 : memref<!tpu.dma_semaphore, #tpu.memory_space<semaphore_mem>>) src(%arg4 : memref<632x32xf32, #tpu.memory_space<hbm>>) dst(%dma_wait3A_86 : memref<632x32xf32, #tpu.memory_space<vmem_shared>>)
      tpu.yield
    }) : () -> ()
    %barrier3A = arith.constant 0 : index
    tpu.barrier barrier_id(%barrier3A)
    %dma_start3A = arith.constant 0 : i32
    %dma_start3A_4 = arith.constant 0 : i32
    %dma_start3A_5 = tpu.memref_slice %arg6[%dma_start3A, %dma_start3A_4] : memref<100x100xi32, #tpu.memory_space<vmem>> -> memref<1x100xi32, #tpu.memory_space<vmem>>
    %dma_start3A_6 = tpu.memref_squeeze %dma_start3A_5 : memref<1x100xi32, #tpu.memory_space<vmem>> -> memref<100xi32, #tpu.memory_space<vmem>>
    %dma_start3A_7 = arith.constant 0 : i32
    %dma_start3A_8 = arith.constant 0 : i32
    %dma_start3A_9 = tpu.memref_slice %arg2[%dma_start3A_7, %dma_start3A_8] : memref<10000x32xf32, #tpu.memory_space<hbm>> -> memref<10000x32xf32, #tpu.memory_space<hbm>>
    tpu.enqueue_indirect_dma source(%dma_start3A_9 : memref<10000x32xf32, #tpu.memory_space<hbm>>) target(%arg8 : memref<100x32xf32, #tpu.memory_space<vmem>>) offsets(%dma_start3A_6 : memref<100xi32, #tpu.memory_space<vmem>>) semaphore(%arg14 : memref<!tpu.dma_semaphore, #tpu.memory_space<semaphore_mem>>)
    %dma_start3A_10 = arith.constant 1 : i32
    %dma_start3A_11 = arith.constant 0 : i32
    %dma_start3A_12 = tpu.memref_slice %arg6[%dma_start3A_10, %dma_start3A_11] : memref<100x100xi32, #tpu.memory_space<vmem>> -> memref<1x100xi32, #tpu.memory_space<vmem>>
    %dma_start3A_13 = tpu.memref_squeeze %dma_start3A_12 : memref<1x100xi32, #tpu.memory_space<vmem>> -> memref<100xi32, #tpu.memory_space<vmem>>
    %dma_start3A_14 = arith.constant 0 : i32
    %dma_start3A_15 = arith.constant 0 : i32
    %dma_start3A_16 = tpu.memref_slice %arg2[%dma_start3A_14, %dma_start3A_15] : memref<10000x32xf32, #tpu.memory_space<hbm>> -> memref<10000x32xf32, #tpu.memory_space<hbm>>
    tpu.enqueue_indirect_dma source(%dma_start3A_16 : memref<10000x32xf32, #tpu.memory_space<hbm>>) target(%arg9 : memref<100x32xf32, #tpu.memory_space<vmem>>) offsets(%dma_start3A_13 : memref<100xi32, #tpu.memory_space<vmem>>) semaphore(%arg15 : memref<!tpu.dma_semaphore, #tpu.memory_space<semaphore_mem>>)
    %dma_start3A_17 = arith.constant 2 : i32
    %dma_start3A_18 = arith.constant 0 : i32
    %dma_start3A_19 = tpu.memref_slice %arg6[%dma_start3A_17, %dma_start3A_18] : memref<100x100xi32, #tpu.memory_space<vmem>> -> memref<1x100xi32, #tpu.memory_space<vmem>>
    %dma_start3A_20 = tpu.memref_squeeze %dma_start3A_19 : memref<1x100xi32, #tpu.memory_space<vmem>> -> memref<100xi32, #tpu.memory_space<vmem>>
    %dma_start3A_21 = arith.constant 0 : i32
    %dma_start3A_22 = arith.constant 0 : i32
    %dma_start3A_23 = tpu.memref_slice %arg2[%dma_start3A_21, %dma_start3A_22] : memref<10000x32xf32, #tpu.memory_space<hbm>> -> memref<10000x32xf32, #tpu.memory_space<hbm>>
    tpu.enqueue_indirect_dma source(%dma_start3A_23 : memref<10000x32xf32, #tpu.memory_space<hbm>>) target(%arg10 : memref<100x32xf32, #tpu.memory_space<vmem>>) offsets(%dma_start3A_20 : memref<100xi32, #tpu.memory_space<vmem>>) semaphore(%arg16 : memref<!tpu.dma_semaphore, #tpu.memory_space<semaphore_mem>>)
    %dma_start3A_24 = arith.constant 3 : i32
    %dma_start3A_25 = arith.constant 0 : i32
    %dma_start3A_26 = tpu.memref_slice %arg6[%dma_start3A_24, %dma_start3A_25] : memref<100x100xi32, #tpu.memory_space<vmem>> -> memref<1x100xi32, #tpu.memory_space<vmem>>
    %dma_start3A_27 = tpu.memref_squeeze %dma_start3A_26 : memref<1x100xi32, #tpu.memory_space<vmem>> -> memref<100xi32, #tpu.memory_space<vmem>>
    %dma_start3A_28 = arith.constant 0 : i32
    %dma_start3A_29 = arith.constant 0 : i32
    %dma_start3A_30 = tpu.memref_slice %arg2[%dma_start3A_28, %dma_start3A_29] : memref<10000x32xf32, #tpu.memory_space<hbm>> -> memref<10000x32xf32, #tpu.memory_space<hbm>>
    tpu.enqueue_indirect_dma source(%dma_start3A_30 : memref<10000x32xf32, #tpu.memory_space<hbm>>) target(%arg11 : memref<100x32xf32, #tpu.memory_space<vmem>>) offsets(%dma_start3A_27 : memref<100xi32, #tpu.memory_space<vmem>>) semaphore(%arg17 : memref<!tpu.dma_semaphore, #tpu.memory_space<semaphore_mem>>)
    %dma_start3A_31 = arith.constant 4 : i32
    %dma_start3A_32 = arith.constant 0 : i32
    %dma_start3A_33 = tpu.memref_slice %arg6[%dma_start3A_31, %dma_start3A_32] : memref<100x100xi32, #tpu.memory_space<vmem>> -> memref<1x100xi32, #tpu.memory_space<vmem>>
    %dma_start3A_34 = tpu.memref_squeeze %dma_start3A_33 : memref<1x100xi32, #tpu.memory_space<vmem>> -> memref<100xi32, #tpu.memory_space<vmem>>
    %dma_start3A_35 = arith.constant 0 : i32
    %dma_start3A_36 = arith.constant 0 : i32
    %dma_start3A_37 = tpu.memref_slice %arg2[%dma_start3A_35, %dma_start3A_36] : memref<10000x32xf32, #tpu.memory_space<hbm>> -> memref<10000x32xf32, #tpu.memory_space<hbm>>
    tpu.enqueue_indirect_dma source(%dma_start3A_37 : memref<10000x32xf32, #tpu.memory_space<hbm>>) target(%arg12 : memref<100x32xf32, #tpu.memory_space<vmem>>) offsets(%dma_start3A_34 : memref<100xi32, #tpu.memory_space<vmem>>) semaphore(%arg18 : memref<!tpu.dma_semaphore, #tpu.memory_space<semaphore_mem>>)
    %scan3A = arith.constant 0 : i32
    %scan3A_38 = arith.constant 0 : i32
    %scan3A_39 = arith.constant 20 : i32
    %scan3A_40 = arith.addi %scan3A_38, %scan3A_39 : i32
    %scan3A_41 = arith.constant 1 : i32
    scf.for %scan3A_82 = %scan3A_38 to %scan3A_40 step %scan3A_41  : i32 {
      %mul3A_83 = arith.constant 5 : i32
      %mul3A_84 = arith.muli %scan3A_82, %mul3A_83 : i32
      %add3A_85 = arith.constant 0 : i32
      %add3A_86 = arith.addi %mul3A_84, %add3A_85 : i32
      %dma_wait3A_87 = arith.constant 0 : i32
      %dma_wait3A_88 = tpu.memref_slice %arg6[%add3A_86, %dma_wait3A_87] : memref<100x100xi32, #tpu.memory_space<vmem>> -> memref<1x100xi32, #tpu.memory_space<vmem>>
      %dma_wait3A_89 = tpu.memref_squeeze %dma_wait3A_88 : memref<1x100xi32, #tpu.memory_space<vmem>> -> memref<100xi32, #tpu.memory_space<vmem>>
      %dma_wait3A_90 = arith.constant 0 : i32
      %dma_wait3A_91 = arith.constant 0 : i32
      %dma_wait3A_92 = tpu.memref_slice %arg2[%dma_wait3A_90, %dma_wait3A_91] : memref<10000x32xf32, #tpu.memory_space<hbm>> -> memref<10000x32xf32, #tpu.memory_space<hbm>>
      tpu.wait_indirect_dma semaphore(%arg14 : memref<!tpu.dma_semaphore, #tpu.memory_space<semaphore_mem>>) src(%dma_wait3A_92 : memref<10000x32xf32, #tpu.memory_space<hbm>>) dst(%arg8 : memref<100x32xf32, #tpu.memory_space<vmem>>)
      %add3A_93 = arith.constant 0 : i32
      %add3A_94 = arith.addi %mul3A_84, %add3A_93 : i32
      %dma_start3A_95 = arith.constant 0 : i32
      %dma_start3A_96 = tpu.memref_slice %arg7[%add3A_94, %dma_start3A_95] : memref<100x100xi32, #tpu.memory_space<vmem>> -> memref<1x100xi32, #tpu.memory_space<vmem>>
      %dma_start3A_97 = tpu.memref_squeeze %dma_start3A_96 : memref<1x100xi32, #tpu.memory_space<vmem>> -> memref<100xi32, #tpu.memory_space<vmem>>
      %dma_start3A_98 = arith.constant 0 : i32
      %dma_start3A_99 = arith.constant 0 : i32
      %dma_start3A_100 = tpu.memref_slice %arg13[%dma_start3A_98, %dma_start3A_99] : memref<10112x32xf32, #tpu.memory_space<vmem_shared>> -> memref<10112x32xf32, #tpu.memory_space<vmem_shared>>
      tpu.enqueue_indirect_dma source(%arg8 : memref<100x32xf32, #tpu.memory_space<vmem>>) target(%dma_start3A_100 : memref<10112x32xf32, #tpu.memory_space<vmem_shared>>) offsets(%dma_start3A_97 : memref<100xi32, #tpu.memory_space<vmem>>) semaphore(%arg19 : memref<!tpu.dma_semaphore, #tpu.memory_space<semaphore_mem>>) {add = true}
      %add3A_101 = arith.constant 1 : i32
      %add3A_102 = arith.addi %mul3A_84, %add3A_101 : i32
      %dma_wait3A_103 = arith.constant 0 : i32
      %dma_wait3A_104 = tpu.memref_slice %arg6[%add3A_102, %dma_wait3A_103] : memref<100x100xi32, #tpu.memory_space<vmem>> -> memref<1x100xi32, #tpu.memory_space<vmem>>
      %dma_wait3A_105 = tpu.memref_squeeze %dma_wait3A_104 : memref<1x100xi32, #tpu.memory_space<vmem>> -> memref<100xi32, #tpu.memory_space<vmem>>
      %dma_wait3A_106 = arith.constant 0 : i32
      %dma_wait3A_107 = arith.constant 0 : i32
      %dma_wait3A_108 = tpu.memref_slice %arg2[%dma_wait3A_106, %dma_wait3A_107] : memref<10000x32xf32, #tpu.memory_space<hbm>> -> memref<10000x32xf32, #tpu.memory_space<hbm>>
      tpu.wait_indirect_dma semaphore(%arg15 : memref<!tpu.dma_semaphore, #tpu.memory_space<semaphore_mem>>) src(%dma_wait3A_108 : memref<10000x32xf32, #tpu.memory_space<hbm>>) dst(%arg9 : memref<100x32xf32, #tpu.memory_space<vmem>>)
      %add3A_109 = arith.constant 1 : i32
      %add3A_110 = arith.addi %mul3A_84, %add3A_109 : i32
      %dma_start3A_111 = arith.constant 0 : i32
      %dma_start3A_112 = tpu.memref_slice %arg7[%add3A_110, %dma_start3A_111] : memref<100x100xi32, #tpu.memory_space<vmem>> -> memref<1x100xi32, #tpu.memory_space<vmem>>
      %dma_start3A_113 = tpu.memref_squeeze %dma_start3A_112 : memref<1x100xi32, #tpu.memory_space<vmem>> -> memref<100xi32, #tpu.memory_space<vmem>>
      %dma_start3A_114 = arith.constant 0 : i32
      %dma_start3A_115 = arith.constant 0 : i32
      %dma_start3A_116 = tpu.memref_slice %arg13[%dma_start3A_114, %dma_start3A_115] : memref<10112x32xf32, #tpu.memory_space<vmem_shared>> -> memref<10112x32xf32, #tpu.memory_space<vmem_shared>>
      tpu.enqueue_indirect_dma source(%arg9 : memref<100x32xf32, #tpu.memory_space<vmem>>) target(%dma_start3A_116 : memref<10112x32xf32, #tpu.memory_space<vmem_shared>>) offsets(%dma_start3A_113 : memref<100xi32, #tpu.memory_space<vmem>>) semaphore(%arg20 : memref<!tpu.dma_semaphore, #tpu.memory_space<semaphore_mem>>) {add = true}
      %add3A_117 = arith.constant 2 : i32
      %add3A_118 = arith.addi %mul3A_84, %add3A_117 : i32
      %dma_wait3A_119 = arith.constant 0 : i32
      %dma_wait3A_120 = tpu.memref_slice %arg6[%add3A_118, %dma_wait3A_119] : memref<100x100xi32, #tpu.memory_space<vmem>> -> memref<1x100xi32, #tpu.memory_space<vmem>>
      %dma_wait3A_121 = tpu.memref_squeeze %dma_wait3A_120 : memref<1x100xi32, #tpu.memory_space<vmem>> -> memref<100xi32, #tpu.memory_space<vmem>>
      %dma_wait3A_122 = arith.constant 0 : i32
      %dma_wait3A_123 = arith.constant 0 : i32
      %dma_wait3A_124 = tpu.memref_slice %arg2[%dma_wait3A_122, %dma_wait3A_123] : memref<10000x32xf32, #tpu.memory_space<hbm>> -> memref<10000x32xf32, #tpu.memory_space<hbm>>
      tpu.wait_indirect_dma semaphore(%arg16 : memref<!tpu.dma_semaphore, #tpu.memory_space<semaphore_mem>>) src(%dma_wait3A_124 : memref<10000x32xf32, #tpu.memory_space<hbm>>) dst(%arg10 : memref<100x32xf32, #tpu.memory_space<vmem>>)
      %add3A_125 = arith.constant 2 : i32
      %add3A_126 = arith.addi %mul3A_84, %add3A_125 : i32
      %dma_start3A_127 = arith.constant 0 : i32
      %dma_start3A_128 = tpu.memref_slice %arg7[%add3A_126, %dma_start3A_127] : memref<100x100xi32, #tpu.memory_space<vmem>> -> memref<1x100xi32, #tpu.memory_space<vmem>>
      %dma_start3A_129 = tpu.memref_squeeze %dma_start3A_128 : memref<1x100xi32, #tpu.memory_space<vmem>> -> memref<100xi32, #tpu.memory_space<vmem>>
      %dma_start3A_130 = arith.constant 0 : i32
      %dma_start3A_131 = arith.constant 0 : i32
      %dma_start3A_132 = tpu.memref_slice %arg13[%dma_start3A_130, %dma_start3A_131] : memref<10112x32xf32, #tpu.memory_space<vmem_shared>> -> memref<10112x32xf32, #tpu.memory_space<vmem_shared>>
      tpu.enqueue_indirect_dma source(%arg10 : memref<100x32xf32, #tpu.memory_space<vmem>>) target(%dma_start3A_132 : memref<10112x32xf32, #tpu.memory_space<vmem_shared>>) offsets(%dma_start3A_129 : memref<100xi32, #tpu.memory_space<vmem>>) semaphore(%arg21 : memref<!tpu.dma_semaphore, #tpu.memory_space<semaphore_mem>>) {add = true}
      %add3A_133 = arith.constant 3 : i32
      %add3A_134 = arith.addi %mul3A_84, %add3A_133 : i32
      %dma_wait3A_135 = arith.constant 0 : i32
      %dma_wait3A_136 = tpu.memref_slice %arg6[%add3A_134, %dma_wait3A_135] : memref<100x100xi32, #tpu.memory_space<vmem>> -> memref<1x100xi32, #tpu.memory_space<vmem>>
      %dma_wait3A_137 = tpu.memref_squeeze %dma_wait3A_136 : memref<1x100xi32, #tpu.memory_space<vmem>> -> memref<100xi32, #tpu.memory_space<vmem>>
      %dma_wait3A_138 = arith.constant 0 : i32
      %dma_wait3A_139 = arith.constant 0 : i32
      %dma_wait3A_140 = tpu.memref_slice %arg2[%dma_wait3A_138, %dma_wait3A_139] : memref<10000x32xf32, #tpu.memory_space<hbm>> -> memref<10000x32xf32, #tpu.memory_space<hbm>>
      tpu.wait_indirect_dma semaphore(%arg17 : memref<!tpu.dma_semaphore, #tpu.memory_space<semaphore_mem>>) src(%dma_wait3A_140 : memref<10000x32xf32, #tpu.memory_space<hbm>>) dst(%arg11 : memref<100x32xf32, #tpu.memory_space<vmem>>)
      %add3A_141 = arith.constant 3 : i32
      %add3A_142 = arith.addi %mul3A_84, %add3A_141 : i32
      %dma_start3A_143 = arith.constant 0 : i32
      %dma_start3A_144 = tpu.memref_slice %arg7[%add3A_142, %dma_start3A_143] : memref<100x100xi32, #tpu.memory_space<vmem>> -> memref<1x100xi32, #tpu.memory_space<vmem>>
      %dma_start3A_145 = tpu.memref_squeeze %dma_start3A_144 : memref<1x100xi32, #tpu.memory_space<vmem>> -> memref<100xi32, #tpu.memory_space<vmem>>
      %dma_start3A_146 = arith.constant 0 : i32
      %dma_start3A_147 = arith.constant 0 : i32
      %dma_start3A_148 = tpu.memref_slice %arg13[%dma_start3A_146, %dma_start3A_147] : memref<10112x32xf32, #tpu.memory_space<vmem_shared>> -> memref<10112x32xf32, #tpu.memory_space<vmem_shared>>
      tpu.enqueue_indirect_dma source(%arg11 : memref<100x32xf32, #tpu.memory_space<vmem>>) target(%dma_start3A_148 : memref<10112x32xf32, #tpu.memory_space<vmem_shared>>) offsets(%dma_start3A_145 : memref<100xi32, #tpu.memory_space<vmem>>) semaphore(%arg22 : memref<!tpu.dma_semaphore, #tpu.memory_space<semaphore_mem>>) {add = true}
      %add3A_149 = arith.constant 4 : i32
      %add3A_150 = arith.addi %mul3A_84, %add3A_149 : i32
      %dma_wait3A_151 = arith.constant 0 : i32
      %dma_wait3A_152 = tpu.memref_slice %arg6[%add3A_150, %dma_wait3A_151] : memref<100x100xi32, #tpu.memory_space<vmem>> -> memref<1x100xi32, #tpu.memory_space<vmem>>
      %dma_wait3A_153 = tpu.memref_squeeze %dma_wait3A_152 : memref<1x100xi32, #tpu.memory_space<vmem>> -> memref<100xi32, #tpu.memory_space<vmem>>
      %dma_wait3A_154 = arith.constant 0 : i32
      %dma_wait3A_155 = arith.constant 0 : i32
      %dma_wait3A_156 = tpu.memref_slice %arg2[%dma_wait3A_154, %dma_wait3A_155] : memref<10000x32xf32, #tpu.memory_space<hbm>> -> memref<10000x32xf32, #tpu.memory_space<hbm>>
      tpu.wait_indirect_dma semaphore(%arg18 : memref<!tpu.dma_semaphore, #tpu.memory_space<semaphore_mem>>) src(%dma_wait3A_156 : memref<10000x32xf32, #tpu.memory_space<hbm>>) dst(%arg12 : memref<100x32xf32, #tpu.memory_space<vmem>>)
      %add3A_157 = arith.constant 4 : i32
      %add3A_158 = arith.addi %mul3A_84, %add3A_157 : i32
      %dma_start3A_159 = arith.constant 0 : i32
      %dma_start3A_160 = tpu.memref_slice %arg7[%add3A_158, %dma_start3A_159] : memref<100x100xi32, #tpu.memory_space<vmem>> -> memref<1x100xi32, #tpu.memory_space<vmem>>
      %dma_start3A_161 = tpu.memref_squeeze %dma_start3A_160 : memref<1x100xi32, #tpu.memory_space<vmem>> -> memref<100xi32, #tpu.memory_space<vmem>>
      %dma_start3A_162 = arith.constant 0 : i32
      %dma_start3A_163 = arith.constant 0 : i32
      %dma_start3A_164 = tpu.memref_slice %arg13[%dma_start3A_162, %dma_start3A_163] : memref<10112x32xf32, #tpu.memory_space<vmem_shared>> -> memref<10112x32xf32, #tpu.memory_space<vmem_shared>>
      tpu.enqueue_indirect_dma source(%arg12 : memref<100x32xf32, #tpu.memory_space<vmem>>) target(%dma_start3A_164 : memref<10112x32xf32, #tpu.memory_space<vmem_shared>>) offsets(%dma_start3A_161 : memref<100xi32, #tpu.memory_space<vmem>>) semaphore(%arg23 : memref<!tpu.dma_semaphore, #tpu.memory_space<semaphore_mem>>) {add = true}
      %add3A_165 = arith.constant 1 : i32
      %add3A_166 = arith.addi %scan3A_82, %add3A_165 : i32
      %lt3A = arith.constant 20 : i32
      %lt3A_167 = arith.cmpi slt, %add3A_166, %lt3A : i32
      %convert_element_type3A = arith.extui %lt3A_167 : i1 to i32
      %cond3A = arith.constant 0 : i32
      %cond3A_168 = arith.cmpi ne, %convert_element_type3A, %cond3A : i32
      scf.if %cond3A_168 {
        %add3A_169 = arith.constant 0 : i32
        %add3A_170 = arith.addi %mul3A_84, %add3A_169 : i32
        %dma_wait3A_171 = arith.constant 0 : i32
        %dma_wait3A_172 = tpu.memref_slice %arg7[%add3A_170, %dma_wait3A_171] : memref<100x100xi32, #tpu.memory_space<vmem>> -> memref<1x100xi32, #tpu.memory_space<vmem>>
        %dma_wait3A_173 = tpu.memref_squeeze %dma_wait3A_172 : memref<1x100xi32, #tpu.memory_space<vmem>> -> memref<100xi32, #tpu.memory_space<vmem>>
        %dma_wait3A_174 = arith.constant 0 : i32
        %dma_wait3A_175 = arith.constant 0 : i32
        %dma_wait3A_176 = tpu.memref_slice %arg13[%dma_wait3A_174, %dma_wait3A_175] : memref<10112x32xf32, #tpu.memory_space<vmem_shared>> -> memref<10112x32xf32, #tpu.memory_space<vmem_shared>>
        tpu.wait_indirect_dma semaphore(%arg19 : memref<!tpu.dma_semaphore, #tpu.memory_space<semaphore_mem>>) src(%arg8 : memref<100x32xf32, #tpu.memory_space<vmem>>) dst(%dma_wait3A_176 : memref<10112x32xf32, #tpu.memory_space<vmem_shared>>)
        %add3A_177 = arith.constant 0 : i32
        %add3A_178 = arith.addi %mul3A_84, %add3A_177 : i32
        %add3A_179 = arith.constant 5 : i32
        %add3A_180 = arith.addi %add3A_178, %add3A_179 : i32
        %dma_start3A_181 = arith.constant 0 : i32
        %dma_start3A_182 = tpu.memref_slice %arg6[%add3A_180, %dma_start3A_181] : memref<100x100xi32, #tpu.memory_space<vmem>> -> memref<1x100xi32, #tpu.memory_space<vmem>>
        %dma_start3A_183 = tpu.memref_squeeze %dma_start3A_182 : memref<1x100xi32, #tpu.memory_space<vmem>> -> memref<100xi32, #tpu.memory_space<vmem>>
        %dma_start3A_184 = arith.constant 0 : i32
        %dma_start3A_185 = arith.constant 0 : i32
        %dma_start3A_186 = tpu.memref_slice %arg2[%dma_start3A_184, %dma_start3A_185] : memref<10000x32xf32, #tpu.memory_space<hbm>> -> memref<10000x32xf32, #tpu.memory_space<hbm>>
        tpu.enqueue_indirect_dma source(%dma_start3A_186 : memref<10000x32xf32, #tpu.memory_space<hbm>>) target(%arg8 : memref<100x32xf32, #tpu.memory_space<vmem>>) offsets(%dma_start3A_183 : memref<100xi32, #tpu.memory_space<vmem>>) semaphore(%arg14 : memref<!tpu.dma_semaphore, #tpu.memory_space<semaphore_mem>>)
        %add3A_187 = arith.constant 1 : i32
        %add3A_188 = arith.addi %mul3A_84, %add3A_187 : i32
        %dma_wait3A_189 = arith.constant 0 : i32
        %dma_wait3A_190 = tpu.memref_slice %arg7[%add3A_188, %dma_wait3A_189] : memref<100x100xi32, #tpu.memory_space<vmem>> -> memref<1x100xi32, #tpu.memory_space<vmem>>
        %dma_wait3A_191 = tpu.memref_squeeze %dma_wait3A_190 : memref<1x100xi32, #tpu.memory_space<vmem>> -> memref<100xi32, #tpu.memory_space<vmem>>
        %dma_wait3A_192 = arith.constant 0 : i32
        %dma_wait3A_193 = arith.constant 0 : i32
        %dma_wait3A_194 = tpu.memref_slice %arg13[%dma_wait3A_192, %dma_wait3A_193] : memref<10112x32xf32, #tpu.memory_space<vmem_shared>> -> memref<10112x32xf32, #tpu.memory_space<vmem_shared>>
        tpu.wait_indirect_dma semaphore(%arg20 : memref<!tpu.dma_semaphore, #tpu.memory_space<semaphore_mem>>) src(%arg9 : memref<100x32xf32, #tpu.memory_space<vmem>>) dst(%dma_wait3A_194 : memref<10112x32xf32, #tpu.memory_space<vmem_shared>>)
        %add3A_195 = arith.constant 1 : i32
        %add3A_196 = arith.addi %mul3A_84, %add3A_195 : i32
        %add3A_197 = arith.constant 5 : i32
        %add3A_198 = arith.addi %add3A_196, %add3A_197 : i32
        %dma_start3A_199 = arith.constant 0 : i32
        %dma_start3A_200 = tpu.memref_slice %arg6[%add3A_198, %dma_start3A_199] : memref<100x100xi32, #tpu.memory_space<vmem>> -> memref<1x100xi32, #tpu.memory_space<vmem>>
        %dma_start3A_201 = tpu.memref_squeeze %dma_start3A_200 : memref<1x100xi32, #tpu.memory_space<vmem>> -> memref<100xi32, #tpu.memory_space<vmem>>
        %dma_start3A_202 = arith.constant 0 : i32
        %dma_start3A_203 = arith.constant 0 : i32
        %dma_start3A_204 = tpu.memref_slice %arg2[%dma_start3A_202, %dma_start3A_203] : memref<10000x32xf32, #tpu.memory_space<hbm>> -> memref<10000x32xf32, #tpu.memory_space<hbm>>
        tpu.enqueue_indirect_dma source(%dma_start3A_204 : memref<10000x32xf32, #tpu.memory_space<hbm>>) target(%arg9 : memref<100x32xf32, #tpu.memory_space<vmem>>) offsets(%dma_start3A_201 : memref<100xi32, #tpu.memory_space<vmem>>) semaphore(%arg15 : memref<!tpu.dma_semaphore, #tpu.memory_space<semaphore_mem>>)
        %add3A_205 = arith.constant 2 : i32
        %add3A_206 = arith.addi %mul3A_84, %add3A_205 : i32
        %dma_wait3A_207 = arith.constant 0 : i32
        %dma_wait3A_208 = tpu.memref_slice %arg7[%add3A_206, %dma_wait3A_207] : memref<100x100xi32, #tpu.memory_space<vmem>> -> memref<1x100xi32, #tpu.memory_space<vmem>>
        %dma_wait3A_209 = tpu.memref_squeeze %dma_wait3A_208 : memref<1x100xi32, #tpu.memory_space<vmem>> -> memref<100xi32, #tpu.memory_space<vmem>>
        %dma_wait3A_210 = arith.constant 0 : i32
        %dma_wait3A_211 = arith.constant 0 : i32
        %dma_wait3A_212 = tpu.memref_slice %arg13[%dma_wait3A_210, %dma_wait3A_211] : memref<10112x32xf32, #tpu.memory_space<vmem_shared>> -> memref<10112x32xf32, #tpu.memory_space<vmem_shared>>
        tpu.wait_indirect_dma semaphore(%arg21 : memref<!tpu.dma_semaphore, #tpu.memory_space<semaphore_mem>>) src(%arg10 : memref<100x32xf32, #tpu.memory_space<vmem>>) dst(%dma_wait3A_212 : memref<10112x32xf32, #tpu.memory_space<vmem_shared>>)
        %add3A_213 = arith.constant 2 : i32
        %add3A_214 = arith.addi %mul3A_84, %add3A_213 : i32
        %add3A_215 = arith.constant 5 : i32
        %add3A_216 = arith.addi %add3A_214, %add3A_215 : i32
        %dma_start3A_217 = arith.constant 0 : i32
        %dma_start3A_218 = tpu.memref_slice %arg6[%add3A_216, %dma_start3A_217] : memref<100x100xi32, #tpu.memory_space<vmem>> -> memref<1x100xi32, #tpu.memory_space<vmem>>
        %dma_start3A_219 = tpu.memref_squeeze %dma_start3A_218 : memref<1x100xi32, #tpu.memory_space<vmem>> -> memref<100xi32, #tpu.memory_space<vmem>>
        %dma_start3A_220 = arith.constant 0 : i32
        %dma_start3A_221 = arith.constant 0 : i32
        %dma_start3A_222 = tpu.memref_slice %arg2[%dma_start3A_220, %dma_start3A_221] : memref<10000x32xf32, #tpu.memory_space<hbm>> -> memref<10000x32xf32, #tpu.memory_space<hbm>>
        tpu.enqueue_indirect_dma source(%dma_start3A_222 : memref<10000x32xf32, #tpu.memory_space<hbm>>) target(%arg10 : memref<100x32xf32, #tpu.memory_space<vmem>>) offsets(%dma_start3A_219 : memref<100xi32, #tpu.memory_space<vmem>>) semaphore(%arg16 : memref<!tpu.dma_semaphore, #tpu.memory_space<semaphore_mem>>)
        %add3A_223 = arith.constant 3 : i32
        %add3A_224 = arith.addi %mul3A_84, %add3A_223 : i32
        %dma_wait3A_225 = arith.constant 0 : i32
        %dma_wait3A_226 = tpu.memref_slice %arg7[%add3A_224, %dma_wait3A_225] : memref<100x100xi32, #tpu.memory_space<vmem>> -> memref<1x100xi32, #tpu.memory_space<vmem>>
        %dma_wait3A_227 = tpu.memref_squeeze %dma_wait3A_226 : memref<1x100xi32, #tpu.memory_space<vmem>> -> memref<100xi32, #tpu.memory_space<vmem>>
        %dma_wait3A_228 = arith.constant 0 : i32
        %dma_wait3A_229 = arith.constant 0 : i32
        %dma_wait3A_230 = tpu.memref_slice %arg13[%dma_wait3A_228, %dma_wait3A_229] : memref<10112x32xf32, #tpu.memory_space<vmem_shared>> -> memref<10112x32xf32, #tpu.memory_space<vmem_shared>>
        tpu.wait_indirect_dma semaphore(%arg22 : memref<!tpu.dma_semaphore, #tpu.memory_space<semaphore_mem>>) src(%arg11 : memref<100x32xf32, #tpu.memory_space<vmem>>) dst(%dma_wait3A_230 : memref<10112x32xf32, #tpu.memory_space<vmem_shared>>)
        %add3A_231 = arith.constant 3 : i32
        %add3A_232 = arith.addi %mul3A_84, %add3A_231 : i32
        %add3A_233 = arith.constant 5 : i32
        %add3A_234 = arith.addi %add3A_232, %add3A_233 : i32
        %dma_start3A_235 = arith.constant 0 : i32
        %dma_start3A_236 = tpu.memref_slice %arg6[%add3A_234, %dma_start3A_235] : memref<100x100xi32, #tpu.memory_space<vmem>> -> memref<1x100xi32, #tpu.memory_space<vmem>>
        %dma_start3A_237 = tpu.memref_squeeze %dma_start3A_236 : memref<1x100xi32, #tpu.memory_space<vmem>> -> memref<100xi32, #tpu.memory_space<vmem>>
        %dma_start3A_238 = arith.constant 0 : i32
        %dma_start3A_239 = arith.constant 0 : i32
        %dma_start3A_240 = tpu.memref_slice %arg2[%dma_start3A_238, %dma_start3A_239] : memref<10000x32xf32, #tpu.memory_space<hbm>> -> memref<10000x32xf32, #tpu.memory_space<hbm>>
        tpu.enqueue_indirect_dma source(%dma_start3A_240 : memref<10000x32xf32, #tpu.memory_space<hbm>>) target(%arg11 : memref<100x32xf32, #tpu.memory_space<vmem>>) offsets(%dma_start3A_237 : memref<100xi32, #tpu.memory_space<vmem>>) semaphore(%arg17 : memref<!tpu.dma_semaphore, #tpu.memory_space<semaphore_mem>>)
        %add3A_241 = arith.constant 4 : i32
        %add3A_242 = arith.addi %mul3A_84, %add3A_241 : i32
        %dma_wait3A_243 = arith.constant 0 : i32
        %dma_wait3A_244 = tpu.memref_slice %arg7[%add3A_242, %dma_wait3A_243] : memref<100x100xi32, #tpu.memory_space<vmem>> -> memref<1x100xi32, #tpu.memory_space<vmem>>
        %dma_wait3A_245 = tpu.memref_squeeze %dma_wait3A_244 : memref<1x100xi32, #tpu.memory_space<vmem>> -> memref<100xi32, #tpu.memory_space<vmem>>
        %dma_wait3A_246 = arith.constant 0 : i32
        %dma_wait3A_247 = arith.constant 0 : i32
        %dma_wait3A_248 = tpu.memref_slice %arg13[%dma_wait3A_246, %dma_wait3A_247] : memref<10112x32xf32, #tpu.memory_space<vmem_shared>> -> memref<10112x32xf32, #tpu.memory_space<vmem_shared>>
        tpu.wait_indirect_dma semaphore(%arg23 : memref<!tpu.dma_semaphore, #tpu.memory_space<semaphore_mem>>) src(%arg12 : memref<100x32xf32, #tpu.memory_space<vmem>>) dst(%dma_wait3A_248 : memref<10112x32xf32, #tpu.memory_space<vmem_shared>>)
        %add3A_249 = arith.constant 4 : i32
        %add3A_250 = arith.addi %mul3A_84, %add3A_249 : i32
        %add3A_251 = arith.constant 5 : i32
        %add3A_252 = arith.addi %add3A_250, %add3A_251 : i32
        %dma_start3A_253 = arith.constant 0 : i32
        %dma_start3A_254 = tpu.memref_slice %arg6[%add3A_252, %dma_start3A_253] : memref<100x100xi32, #tpu.memory_space<vmem>> -> memref<1x100xi32, #tpu.memory_space<vmem>>
        %dma_start3A_255 = tpu.memref_squeeze %dma_start3A_254 : memref<1x100xi32, #tpu.memory_space<vmem>> -> memref<100xi32, #tpu.memory_space<vmem>>
        %dma_start3A_256 = arith.constant 0 : i32
        %dma_start3A_257 = arith.constant 0 : i32
        %dma_start3A_258 = tpu.memref_slice %arg2[%dma_start3A_256, %dma_start3A_257] : memref<10000x32xf32, #tpu.memory_space<hbm>> -> memref<10000x32xf32, #tpu.memory_space<hbm>>
        tpu.enqueue_indirect_dma source(%dma_start3A_258 : memref<10000x32xf32, #tpu.memory_space<hbm>>) target(%arg12 : memref<100x32xf32, #tpu.memory_space<vmem>>) offsets(%dma_start3A_255 : memref<100xi32, #tpu.memory_space<vmem>>) semaphore(%arg18 : memref<!tpu.dma_semaphore, #tpu.memory_space<semaphore_mem>>)
      } else {
      }
    }
    %scan3A_42 = arith.constant 20 : i32
    %dma_wait3A = arith.constant 95 : i32
    %dma_wait3A_43 = arith.constant 0 : i32
    %dma_wait3A_44 = tpu.memref_slice %arg7[%dma_wait3A, %dma_wait3A_43] : memref<100x100xi32, #tpu.memory_space<vmem>> -> memref<1x100xi32, #tpu.memory_space<vmem>>
    %dma_wait3A_45 = tpu.memref_squeeze %dma_wait3A_44 : memref<1x100xi32, #tpu.memory_space<vmem>> -> memref<100xi32, #tpu.memory_space<vmem>>
    %dma_wait3A_46 = arith.constant 0 : i32
    %dma_wait3A_47 = arith.constant 0 : i32
    %dma_wait3A_48 = tpu.memref_slice %arg13[%dma_wait3A_46, %dma_wait3A_47] : memref<10112x32xf32, #tpu.memory_space<vmem_shared>> -> memref<10112x32xf32, #tpu.memory_space<vmem_shared>>
    tpu.wait_indirect_dma semaphore(%arg19 : memref<!tpu.dma_semaphore, #tpu.memory_space<semaphore_mem>>) src(%arg8 : memref<100x32xf32, #tpu.memory_space<vmem>>) dst(%dma_wait3A_48 : memref<10112x32xf32, #tpu.memory_space<vmem_shared>>)
    %dma_wait3A_49 = arith.constant 96 : i32
    %dma_wait3A_50 = arith.constant 0 : i32
    %dma_wait3A_51 = tpu.memref_slice %arg7[%dma_wait3A_49, %dma_wait3A_50] : memref<100x100xi32, #tpu.memory_space<vmem>> -> memref<1x100xi32, #tpu.memory_space<vmem>>
    %dma_wait3A_52 = tpu.memref_squeeze %dma_wait3A_51 : memref<1x100xi32, #tpu.memory_space<vmem>> -> memref<100xi32, #tpu.memory_space<vmem>>
    %dma_wait3A_53 = arith.constant 0 : i32
    %dma_wait3A_54 = arith.constant 0 : i32
    %dma_wait3A_55 = tpu.memref_slice %arg13[%dma_wait3A_53, %dma_wait3A_54] : memref<10112x32xf32, #tpu.memory_space<vmem_shared>> -> memref<10112x32xf32, #tpu.memory_space<vmem_shared>>
    tpu.wait_indirect_dma semaphore(%arg20 : memref<!tpu.dma_semaphore, #tpu.memory_space<semaphore_mem>>) src(%arg9 : memref<100x32xf32, #tpu.memory_space<vmem>>) dst(%dma_wait3A_55 : memref<10112x32xf32, #tpu.memory_space<vmem_shared>>)
    %dma_wait3A_56 = arith.constant 97 : i32
    %dma_wait3A_57 = arith.constant 0 : i32
    %dma_wait3A_58 = tpu.memref_slice %arg7[%dma_wait3A_56, %dma_wait3A_57] : memref<100x100xi32, #tpu.memory_space<vmem>> -> memref<1x100xi32, #tpu.memory_space<vmem>>
    %dma_wait3A_59 = tpu.memref_squeeze %dma_wait3A_58 : memref<1x100xi32, #tpu.memory_space<vmem>> -> memref<100xi32, #tpu.memory_space<vmem>>
    %dma_wait3A_60 = arith.constant 0 : i32
    %dma_wait3A_61 = arith.constant 0 : i32
    %dma_wait3A_62 = tpu.memref_slice %arg13[%dma_wait3A_60, %dma_wait3A_61] : memref<10112x32xf32, #tpu.memory_space<vmem_shared>> -> memref<10112x32xf32, #tpu.memory_space<vmem_shared>>
    tpu.wait_indirect_dma semaphore(%arg21 : memref<!tpu.dma_semaphore, #tpu.memory_space<semaphore_mem>>) src(%arg10 : memref<100x32xf32, #tpu.memory_space<vmem>>) dst(%dma_wait3A_62 : memref<10112x32xf32, #tpu.memory_space<vmem_shared>>)
    %dma_wait3A_63 = arith.constant 98 : i32
    %dma_wait3A_64 = arith.constant 0 : i32
    %dma_wait3A_65 = tpu.memref_slice %arg7[%dma_wait3A_63, %dma_wait3A_64] : memref<100x100xi32, #tpu.memory_space<vmem>> -> memref<1x100xi32, #tpu.memory_space<vmem>>
    %dma_wait3A_66 = tpu.memref_squeeze %dma_wait3A_65 : memref<1x100xi32, #tpu.memory_space<vmem>> -> memref<100xi32, #tpu.memory_space<vmem>>
    %dma_wait3A_67 = arith.constant 0 : i32
    %dma_wait3A_68 = arith.constant 0 : i32
    %dma_wait3A_69 = tpu.memref_slice %arg13[%dma_wait3A_67, %dma_wait3A_68] : memref<10112x32xf32, #tpu.memory_space<vmem_shared>> -> memref<10112x32xf32, #tpu.memory_space<vmem_shared>>
    tpu.wait_indirect_dma semaphore(%arg22 : memref<!tpu.dma_semaphore, #tpu.memory_space<semaphore_mem>>) src(%arg11 : memref<100x32xf32, #tpu.memory_space<vmem>>) dst(%dma_wait3A_69 : memref<10112x32xf32, #tpu.memory_space<vmem_shared>>)
    %dma_wait3A_70 = arith.constant 99 : i32
    %dma_wait3A_71 = arith.constant 0 : i32
    %dma_wait3A_72 = tpu.memref_slice %arg7[%dma_wait3A_70, %dma_wait3A_71] : memref<100x100xi32, #tpu.memory_space<vmem>> -> memref<1x100xi32, #tpu.memory_space<vmem>>
    %dma_wait3A_73 = tpu.memref_squeeze %dma_wait3A_72 : memref<1x100xi32, #tpu.memory_space<vmem>> -> memref<100xi32, #tpu.memory_space<vmem>>
    %dma_wait3A_74 = arith.constant 0 : i32
    %dma_wait3A_75 = arith.constant 0 : i32
    %dma_wait3A_76 = tpu.memref_slice %arg13[%dma_wait3A_74, %dma_wait3A_75] : memref<10112x32xf32, #tpu.memory_space<vmem_shared>> -> memref<10112x32xf32, #tpu.memory_space<vmem_shared>>
    tpu.wait_indirect_dma semaphore(%arg23 : memref<!tpu.dma_semaphore, #tpu.memory_space<semaphore_mem>>) src(%arg12 : memref<100x32xf32, #tpu.memory_space<vmem>>) dst(%dma_wait3A_76 : memref<10112x32xf32, #tpu.memory_space<vmem_shared>>)
    %barrier3A_77 = arith.constant 0 : index
    tpu.barrier barrier_id(%barrier3A_77)
    %mul3A_78 = arith.constant 632 : i32
    %mul3A_79 = arith.muli %arg1, %mul3A_78 : i32
    %mul3A_80 = arith.constant 632 : i32
    %mul3A_81 = arith.muli %arg1, %mul3A_80 : i32
    "tpu.region"() ({
      %run_scoped3A_82 = tpu.sem_alloc : memref<!tpu.dma_semaphore, #tpu.memory_space<semaphore_mem>>
      %dma_start3A_83 = arith.constant 0 : i32
      %dma_start3A_84 = tpu.memref_slice %arg5[%arg0, %mul3A_81, %dma_start3A_83] : memref<2x10112x32xf32, #tpu.memory_space<hbm>> -> memref<1x632x32xf32, #tpu.memory_space<hbm>>
      %dma_start3A_85 = tpu.memref_squeeze %dma_start3A_84 : memref<1x632x32xf32, #tpu.memory_space<hbm>> -> memref<632x32xf32, #tpu.memory_space<hbm>>
      %dma_start3A_86 = arith.constant 0 : i32
      %dma_start3A_87 = tpu.memref_slice %arg13[%mul3A_79, %dma_start3A_86] : memref<10112x32xf32, #tpu.memory_space<vmem_shared>> -> memref<632x32xf32, #tpu.memory_space<vmem_shared>>
      tpu.enqueue_dma source(%dma_start3A_87 : memref<632x32xf32, #tpu.memory_space<vmem_shared>>) target(%dma_start3A_85 : memref<632x32xf32, #tpu.memory_space<hbm>>) target_semaphore(%run_scoped3A_82 : memref<!tpu.dma_semaphore, #tpu.memory_space<semaphore_mem>>)
      %dma_wait3A_88 = arith.constant 0 : i32
      %dma_wait3A_89 = tpu.memref_slice %arg5[%arg0, %mul3A_81, %dma_wait3A_88] : memref<2x10112x32xf32, #tpu.memory_space<hbm>> -> memref<1x632x32xf32, #tpu.memory_space<hbm>>
      %dma_wait3A_90 = tpu.memref_squeeze %dma_wait3A_89 : memref<1x632x32xf32, #tpu.memory_space<hbm>> -> memref<632x32xf32, #tpu.memory_space<hbm>>
      %dma_wait3A_91 = arith.constant 0 : i32
      %dma_wait3A_92 = tpu.memref_slice %arg13[%mul3A_79, %dma_wait3A_91] : memref<10112x32xf32, #tpu.memory_space<vmem_shared>> -> memref<632x32xf32, #tpu.memory_space<vmem_shared>>
      tpu.wait_dma2 semaphore(%run_scoped3A_82 : memref<!tpu.dma_semaphore, #tpu.memory_space<semaphore_mem>>) src(%dma_wait3A_92 : memref<632x32xf32, #tpu.memory_space<vmem_shared>>) dst(%dma_wait3A_90 : memref<632x32xf32, #tpu.memory_space<hbm>>)
      tpu.yield
    }) : () -> ()
    return
  }
}

module attributes {stable_mosaic.version = 14 : i64} {
  func.func @_pre_body(%arg0: i32, %arg1: memref<1000x128xf32, #tpu.memory_space<vmem>>, %arg2: memref<128x256xf32, #tpu.memory_space<vmem>>, %arg3: memref<1x256xf32, #tpu.memory_space<vmem>>, %arg4: memref<256x128xf32, #tpu.memory_space<vmem>>, %arg5: memref<1x128xf32, #tpu.memory_space<vmem>>, %arg6: memref<128x64xf32, #tpu.memory_space<vmem>>, %arg7: memref<1x1000x8xf32, #tpu.memory_space<vmem>>, %arg8: memref<1x1000x8xf32, #tpu.memory_space<vmem>>, %arg9: memref<1000x64xf32, #tpu.memory_space<vmem>>, %arg10: memref<1000x64xf32, #tpu.memory_space<vmem>>) attributes {dimension_semantics = [#tpu.dimension_semantics<arbitrary>], iteration_bounds = array<i64: 10>, scalar_prefetch = 0 : i64, scratch_operands = 0 : i64, tpu.core_type = #tpu.core_type<tc>, window_params = [{transform_indices = @transform_0, window_bounds = array<i64: 1000, 128>}, {pipeline_mode = #tpu.pipeline_mode<synchronous>, transform_indices = @transform_1, window_bounds = array<i64: 128, 256>}, {pipeline_mode = #tpu.pipeline_mode<synchronous>, transform_indices = @transform_2, window_bounds = array<i64: 1, 256>}, {pipeline_mode = #tpu.pipeline_mode<synchronous>, transform_indices = @transform_3, window_bounds = array<i64: 256, 128>}, {pipeline_mode = #tpu.pipeline_mode<synchronous>, transform_indices = @transform_4, window_bounds = array<i64: 1, 128>}, {pipeline_mode = #tpu.pipeline_mode<synchronous>, transform_indices = @transform_5, window_bounds = array<i64: 128, 64>}, {transform_indices = @transform_6, window_bounds = array<i64: 1, 1000, 8>}, {transform_indices = @transform_7, window_bounds = array<i64: 1, 1000, 8>}, {transform_indices = @transform_8, window_bounds = array<i64: 1000, 64>}, {transform_indices = @transform_9, window_bounds = array<i64: 1000, 64>}]} {
    %get3A = arith.constant 0 : index
    %get3A_0 = arith.constant 0 : index
    %get3A_1 = vector.load %arg1[%get3A, %get3A_0] : memref<1000x128xf32, #tpu.memory_space<vmem>>, vector<1000x128xf32>
    %get3A_2 = arith.constant 0 : index
    %get3A_3 = arith.constant 0 : index
    %get3A_4 = vector.load %arg2[%get3A_2, %get3A_3] : memref<128x256xf32, #tpu.memory_space<vmem>>, vector<128x256xf32>
    %dot_general3A = arith.constant dense<0.000000e+00> : vector<1000x256xf32>
    %dot_general3A_5 = tpu.matmul %get3A_1, %get3A_4, %dot_general3A {dimension_numbers = #tpu.dot_dimension_numbers<[1], [0], [0], [1], [0, 0, 1, 1], [], []>, transpose_lhs_hint = false} : vector<1000x128xf32>, vector<128x256xf32>, vector<1000x256xf32> -> vector<1000x256xf32>
    %get3A_6 = arith.constant 0 : index
    %get3A_7 = arith.constant 0 : index
    %get3A_8 = vector.load %arg3[%get3A_6, %get3A_7] : memref<1x256xf32, #tpu.memory_space<vmem>>, vector<1x256xf32>
    %add3A = vector.broadcast %get3A_8 : vector<1x256xf32> to vector<1000x256xf32>
    %add3A_9 = arith.addf %dot_general3A_5, %add3A : vector<1000x256xf32>
    %max3A = arith.constant 0.000000e+00 : f32
    %max3A_10 = vector.broadcast %max3A : f32 to vector<1000x256xf32>
    %max3A_11 = arith.maximumf %add3A_9, %max3A_10 : vector<1000x256xf32>
    %get3A_12 = arith.constant 0 : index
    %get3A_13 = arith.constant 0 : index
    %get3A_14 = vector.load %arg4[%get3A_12, %get3A_13] : memref<256x128xf32, #tpu.memory_space<vmem>>, vector<256x128xf32>
    %dot_general3A_15 = arith.constant dense<0.000000e+00> : vector<1000x128xf32>
    %dot_general3A_16 = tpu.matmul %max3A_11, %get3A_14, %dot_general3A_15 {dimension_numbers = #tpu.dot_dimension_numbers<[1], [0], [0], [1], [0, 0, 1, 1], [], []>, transpose_lhs_hint = false} : vector<1000x256xf32>, vector<256x128xf32>, vector<1000x128xf32> -> vector<1000x128xf32>
    %get3A_17 = arith.constant 0 : index
    %get3A_18 = arith.constant 0 : index
    %get3A_19 = vector.load %arg5[%get3A_17, %get3A_18] : memref<1x128xf32, #tpu.memory_space<vmem>>, vector<1x128xf32>
    %add3A_20 = vector.broadcast %get3A_19 : vector<1x128xf32> to vector<1000x128xf32>
    %add3A_21 = arith.addf %dot_general3A_16, %add3A_20 : vector<1000x128xf32>
    %max3A_22 = arith.constant 0.000000e+00 : f32
    %max3A_23 = vector.broadcast %max3A_22 : f32 to vector<1000x128xf32>
    %max3A_24 = arith.maximumf %add3A_21, %max3A_23 : vector<1000x128xf32>
    %get3A_25 = arith.constant 0 : index
    %get3A_26 = arith.constant 0 : index
    %get3A_27 = vector.load %arg6[%get3A_25, %get3A_26] : memref<128x64xf32, #tpu.memory_space<vmem>>, vector<128x64xf32>
    %dot_general3A_28 = arith.constant dense<0.000000e+00> : vector<1000x64xf32>
    %dot_general3A_29 = tpu.matmul %max3A_24, %get3A_27, %dot_general3A_28 {dimension_numbers = #tpu.dot_dimension_numbers<[1], [0], [0], [1], [0, 0, 1, 1], [], []>, transpose_lhs_hint = false} : vector<1000x128xf32>, vector<128x64xf32>, vector<1000x64xf32> -> vector<1000x64xf32>
    %get3A_30 = arith.constant 0 : index
    %get3A_31 = arith.constant 0 : index
    %get3A_32 = arith.constant 0 : index
    %get3A_33 = vector.load %arg7[%get3A_30, %get3A_31, %get3A_32] : memref<1x1000x8xf32, #tpu.memory_space<vmem>>, vector<1x1000x8xf32>
    %get3A_34 = vector.shape_cast %get3A_33 : vector<1x1000x8xf32> to vector<1000x8xf32>
    %add3A_35 = arith.constant 1.000000e+00 : f32
    %add3A_36 = vector.broadcast %add3A_35 : f32 to vector<1000x8xf32>
    %add3A_37 = arith.addf %add3A_36, %get3A_34 : vector<1000x8xf32>
    %get3A_38 = arith.constant 0 : index
    %get3A_39 = arith.constant 0 : index
    %get3A_40 = arith.constant 0 : index
    %get3A_41 = vector.load %arg8[%get3A_38, %get3A_39, %get3A_40] : memref<1x1000x8xf32, #tpu.memory_space<vmem>>, vector<1x1000x8xf32>
    %get3A_42 = vector.shape_cast %get3A_41 : vector<1x1000x8xf32> to vector<1000x8xf32>
    %add3A_43 = arith.addf %add3A_37, %get3A_42 : vector<1000x8xf32>
    %rsqrt3A = math.rsqrt %add3A_43 : vector<1000x8xf32>
    %slice3A = vector.extract_strided_slice %rsqrt3A {offsets = [0, 0], sizes = [1000, 1], strides = [1, 1]} : vector<1000x8xf32> to vector<1000x1xf32>
    %broadcast_in_dim3A = vector.shape_cast %slice3A : vector<1000x1xf32> to vector<1000x1xf32>
    %broadcast_in_dim3A_44 = vector.broadcast %broadcast_in_dim3A : vector<1000x1xf32> to vector<1000x64xf32>
    %swap3A = arith.constant 0 : index
    %swap3A_45 = arith.constant 0 : index
    %swap3A_46 = vector.load %arg10[%swap3A, %swap3A_45] : memref<1000x64xf32, #tpu.memory_space<vmem>>, vector<1000x64xf32>
    tpu.vector_store %arg10[%swap3A, %swap3A_45], %broadcast_in_dim3A_44 {strides = array<i32>} : memref<1000x64xf32, #tpu.memory_space<vmem>>, vector<1000x64xf32>,
    %mul3A = arith.mulf %dot_general3A_29, %broadcast_in_dim3A_44 : vector<1000x64xf32>
    %swap3A_47 = arith.constant 0 : index
    %swap3A_48 = arith.constant 0 : index
    %swap3A_49 = vector.load %arg9[%swap3A_47, %swap3A_48] : memref<1000x64xf32, #tpu.memory_space<vmem>>, vector<1000x64xf32>
    tpu.vector_store %arg9[%swap3A_47, %swap3A_48], %mul3A {strides = array<i32>} : memref<1000x64xf32, #tpu.memory_space<vmem>>, vector<1000x64xf32>,
    return
  }
  func.func @transform_0(%arg0: i32) -> (i32, i32) {
    %c0_i32 = arith.constant 0 : i32
    %c0_i32_0 = arith.constant 0 : i32
    return %arg0, %c0_i32 : i32, i32
  }
  func.func @transform_1(%arg0: i32) -> (i32, i32) {
    %c0_i32 = arith.constant 0 : i32
    %c0_i32_0 = arith.constant 0 : i32
    %c0_i32_1 = arith.constant 0 : i32
    return %c0_i32, %c0_i32_0 : i32, i32
  }
  func.func @transform_2(%arg0: i32) -> (i32, i32) {
    %c0_i32 = arith.constant 0 : i32
    %c0_i32_0 = arith.constant 0 : i32
    %c0_i32_1 = arith.constant 0 : i32
    return %c0_i32, %c0_i32_0 : i32, i32
  }
  func.func @transform_3(%arg0: i32) -> (i32, i32) {
    %c0_i32 = arith.constant 0 : i32
    %c0_i32_0 = arith.constant 0 : i32
    %c0_i32_1 = arith.constant 0 : i32
    return %c0_i32, %c0_i32_0 : i32, i32
  }
  func.func @transform_4(%arg0: i32) -> (i32, i32) {
    %c0_i32 = arith.constant 0 : i32
    %c0_i32_0 = arith.constant 0 : i32
    %c0_i32_1 = arith.constant 0 : i32
    return %c0_i32, %c0_i32_0 : i32, i32
  }
  func.func @transform_5(%arg0: i32) -> (i32, i32) {
    %c0_i32 = arith.constant 0 : i32
    %c0_i32_0 = arith.constant 0 : i32
    %c0_i32_1 = arith.constant 0 : i32
    return %c0_i32, %c0_i32_0 : i32, i32
  }
  func.func @transform_6(%arg0: i32) -> (i32, i32, i32) {
    %c0_i32 = arith.constant 0 : i32
    %c0_i32_0 = arith.constant 0 : i32
    %c0_i32_1 = arith.constant 0 : i32
    return %c0_i32, %arg0, %c0_i32_0 : i32, i32, i32
  }
  func.func @transform_7(%arg0: i32) -> (i32, i32, i32) {
    %c1_i32 = arith.constant 1 : i32
    %c0_i32 = arith.constant 0 : i32
    %c0_i32_0 = arith.constant 0 : i32
    return %c1_i32, %arg0, %c0_i32 : i32, i32, i32
  }
  func.func @transform_8(%arg0: i32) -> (i32, i32) {
    %c0_i32 = arith.constant 0 : i32
    %c0_i32_0 = arith.constant 0 : i32
    return %arg0, %c0_i32 : i32, i32
  }
  func.func @transform_9(%arg0: i32) -> (i32, i32) {
    %c0_i32 = arith.constant 0 : i32
    %c0_i32_0 = arith.constant 0 : i32
    return %arg0, %c0_i32 : i32, i32
  }
}

module attributes {stable_mosaic.version = 14 : i64} {
  func.func @_mid_body(%arg0: i32, %arg1: memref<1x10000x64xf32, #tpu.memory_space<vmem>>, %arg2: memref<1x10000x64xf32, #tpu.memory_space<vmem>>, %arg3: memref<10000x64xf32, #tpu.memory_space<vmem>>, %arg4: memref<10000x64xf32, #tpu.memory_space<vmem>>, %arg5: memref<1x64xf32, #tpu.memory_space<vmem>>, %arg6: memref<64x32xf32, #tpu.memory_space<vmem>>, %arg7: memref<10000x64xf32, #tpu.memory_space<vmem>>, %arg8: memref<10000x32xf32, #tpu.memory_space<vmem>>) attributes {dimension_semantics = [#tpu.dimension_semantics<arbitrary>], iteration_bounds = array<i64: 1>, scalar_prefetch = 0 : i64, scratch_operands = 0 : i64, tpu.core_type = #tpu.core_type<tc>, window_params = [{transform_indices = @transform_0, window_bounds = array<i64: 1, 10000, 64>}, {transform_indices = @transform_1, window_bounds = array<i64: 1, 10000, 64>}, {pipeline_mode = #tpu.pipeline_mode<synchronous>, transform_indices = @transform_2, window_bounds = array<i64: 10000, 64>}, {pipeline_mode = #tpu.pipeline_mode<synchronous>, transform_indices = @transform_3, window_bounds = array<i64: 10000, 64>}, {pipeline_mode = #tpu.pipeline_mode<synchronous>, transform_indices = @transform_4, window_bounds = array<i64: 1, 64>}, {pipeline_mode = #tpu.pipeline_mode<synchronous>, transform_indices = @transform_5, window_bounds = array<i64: 64, 32>}, {pipeline_mode = #tpu.pipeline_mode<synchronous>, transform_indices = @transform_6, window_bounds = array<i64: 10000, 64>}, {pipeline_mode = #tpu.pipeline_mode<synchronous>, transform_indices = @transform_7, window_bounds = array<i64: 10000, 32>}]} {
    %get3A = arith.constant 0 : index
    %get3A_0 = arith.constant 0 : index
    %get3A_1 = vector.load %arg4[%get3A, %get3A_0] : memref<10000x64xf32, #tpu.memory_space<vmem>>, vector<10000x64xf32>
    %get3A_2 = arith.constant 0 : index
    %get3A_3 = arith.constant 0 : index
    %get3A_4 = arith.constant 0 : index
    %get3A_5 = vector.load %arg1[%get3A_2, %get3A_3, %get3A_4] : memref<1x10000x64xf32, #tpu.memory_space<vmem>>, vector<1x10000x64xf32>
    %get3A_6 = vector.shape_cast %get3A_5 : vector<1x10000x64xf32> to vector<10000x64xf32>
    %get3A_7 = arith.constant 0 : index
    %get3A_8 = arith.constant 0 : index
    %get3A_9 = arith.constant 0 : index
    %get3A_10 = vector.load %arg2[%get3A_7, %get3A_8, %get3A_9] : memref<1x10000x64xf32, #tpu.memory_space<vmem>>, vector<1x10000x64xf32>
    %get3A_11 = vector.shape_cast %get3A_10 : vector<1x10000x64xf32> to vector<10000x64xf32>
    %add3A = arith.addf %get3A_6, %get3A_11 : vector<10000x64xf32>
    %get3A_12 = arith.constant 0 : index
    %get3A_13 = arith.constant 0 : index
    %get3A_14 = vector.load %arg3[%get3A_12, %get3A_13] : memref<10000x64xf32, #tpu.memory_space<vmem>>, vector<10000x64xf32>
    %add3A_15 = arith.addf %add3A, %get3A_14 : vector<10000x64xf32>
    %mul3A = arith.mulf %get3A_1, %add3A_15 : vector<10000x64xf32>
    %get3A_16 = arith.constant 0 : index
    %get3A_17 = arith.constant 0 : index
    %get3A_18 = vector.load %arg5[%get3A_16, %get3A_17] : memref<1x64xf32, #tpu.memory_space<vmem>>, vector<1x64xf32>
    %add3A_19 = vector.broadcast %get3A_18 : vector<1x64xf32> to vector<10000x64xf32>
    %add3A_20 = arith.addf %mul3A, %add3A_19 : vector<10000x64xf32>
    %max3A = arith.constant 0.000000e+00 : f32
    %max3A_21 = vector.broadcast %max3A : f32 to vector<10000x64xf32>
    %max3A_22 = arith.maximumf %add3A_20, %max3A_21 : vector<10000x64xf32>
    %swap3A = arith.constant 0 : index
    %swap3A_23 = arith.constant 0 : index
    %swap3A_24 = vector.load %arg7[%swap3A, %swap3A_23] : memref<10000x64xf32, #tpu.memory_space<vmem>>, vector<10000x64xf32>
    tpu.vector_store %arg7[%swap3A, %swap3A_23], %max3A_22 {strides = array<i32>} : memref<10000x64xf32, #tpu.memory_space<vmem>>, vector<10000x64xf32>,
    %get3A_25 = arith.constant 0 : index
    %get3A_26 = arith.constant 0 : index
    %get3A_27 = vector.load %arg6[%get3A_25, %get3A_26] : memref<64x32xf32, #tpu.memory_space<vmem>>, vector<64x32xf32>
    %dot_general3A = arith.constant dense<0.000000e+00> : vector<10000x32xf32>
    %dot_general3A_28 = tpu.matmul %max3A_22, %get3A_27, %dot_general3A {dimension_numbers = #tpu.dot_dimension_numbers<[1], [0], [0], [1], [0, 0, 1, 1], [], []>, transpose_lhs_hint = false} : vector<10000x64xf32>, vector<64x32xf32>, vector<10000x32xf32> -> vector<10000x32xf32>
    %slice3A = vector.extract_strided_slice %get3A_1 {offsets = [0, 0], sizes = [10000, 32], strides = [1, 1]} : vector<10000x64xf32> to vector<10000x32xf32>
    %mul3A_29 = arith.mulf %dot_general3A_28, %slice3A : vector<10000x32xf32>
    %swap3A_30 = arith.constant 0 : index
    %swap3A_31 = arith.constant 0 : index
    %swap3A_32 = vector.load %arg8[%swap3A_30, %swap3A_31] : memref<10000x32xf32, #tpu.memory_space<vmem>>, vector<10000x32xf32>
    tpu.vector_store %arg8[%swap3A_30, %swap3A_31], %mul3A_29 {strides = array<i32>} : memref<10000x32xf32, #tpu.memory_space<vmem>>, vector<10000x32xf32>,
    return
  }
  func.func @transform_0(%arg0: i32) -> (i32, i32, i32) {
    %c0_i32 = arith.constant 0 : i32
    %c0_i32_0 = arith.constant 0 : i32
    %c0_i32_1 = arith.constant 0 : i32
    %c0_i32_2 = arith.constant 0 : i32
    return %c0_i32, %c0_i32_0, %c0_i32_1 : i32, i32, i32
  }
  func.func @transform_1(%arg0: i32) -> (i32, i32, i32) {
    %c1_i32 = arith.constant 1 : i32
    %c0_i32 = arith.constant 0 : i32
    %c0_i32_0 = arith.constant 0 : i32
    %c0_i32_1 = arith.constant 0 : i32
    return %c1_i32, %c0_i32, %c0_i32_0 : i32, i32, i32
  }
  func.func @transform_2(%arg0: i32) -> (i32, i32) {
    %c0_i32 = arith.constant 0 : i32
    %c0_i32_0 = arith.constant 0 : i32
    %c0_i32_1 = arith.constant 0 : i32
    return %c0_i32, %c0_i32_0 : i32, i32
  }
  func.func @transform_3(%arg0: i32) -> (i32, i32) {
    %c0_i32 = arith.constant 0 : i32
    %c0_i32_0 = arith.constant 0 : i32
    %c0_i32_1 = arith.constant 0 : i32
    return %c0_i32, %c0_i32_0 : i32, i32
  }
  func.func @transform_4(%arg0: i32) -> (i32, i32) {
    %c0_i32 = arith.constant 0 : i32
    %c0_i32_0 = arith.constant 0 : i32
    %c0_i32_1 = arith.constant 0 : i32
    return %c0_i32, %c0_i32_0 : i32, i32
  }
  func.func @transform_5(%arg0: i32) -> (i32, i32) {
    %c0_i32 = arith.constant 0 : i32
    %c0_i32_0 = arith.constant 0 : i32
    %c0_i32_1 = arith.constant 0 : i32
    return %c0_i32, %c0_i32_0 : i32, i32
  }
  func.func @transform_6(%arg0: i32) -> (i32, i32) {
    %c0_i32 = arith.constant 0 : i32
    %c0_i32_0 = arith.constant 0 : i32
    %c0_i32_1 = arith.constant 0 : i32
    return %c0_i32, %c0_i32_0 : i32, i32
  }
  func.func @transform_7(%arg0: i32) -> (i32, i32) {
    %c0_i32 = arith.constant 0 : i32
    %c0_i32_0 = arith.constant 0 : i32
    %c0_i32_1 = arith.constant 0 : i32
    return %c0_i32, %c0_i32_0 : i32, i32
  }
}

module attributes {stable_mosaic.version = 14 : i64} {
  func.func @_post_body(%arg0: i32, %arg1: memref<1x10000x32xf32, #tpu.memory_space<vmem>>, %arg2: memref<1x10000x32xf32, #tpu.memory_space<vmem>>, %arg3: memref<10000x32xf32, #tpu.memory_space<vmem>>, %arg4: memref<10000x64xf32, #tpu.memory_space<vmem>>, %arg5: memref<1x32xf32, #tpu.memory_space<vmem>>, %arg6: memref<10000x32xf32, #tpu.memory_space<vmem>>) attributes {dimension_semantics = [#tpu.dimension_semantics<arbitrary>], iteration_bounds = array<i64: 1>, scalar_prefetch = 0 : i64, scratch_operands = 0 : i64, tpu.core_type = #tpu.core_type<tc>, window_params = [{transform_indices = @transform_0, window_bounds = array<i64: 1, 10000, 32>}, {transform_indices = @transform_1, window_bounds = array<i64: 1, 10000, 32>}, {pipeline_mode = #tpu.pipeline_mode<synchronous>, transform_indices = @transform_2, window_bounds = array<i64: 10000, 32>}, {pipeline_mode = #tpu.pipeline_mode<synchronous>, transform_indices = @transform_3, window_bounds = array<i64: 10000, 64>}, {pipeline_mode = #tpu.pipeline_mode<synchronous>, transform_indices = @transform_4, window_bounds = array<i64: 1, 32>}, {pipeline_mode = #tpu.pipeline_mode<synchronous>, transform_indices = @transform_5, window_bounds = array<i64: 10000, 32>}]} {
    %get3A = arith.constant 0 : index
    %get3A_0 = arith.constant 0 : index
    %get3A_1 = vector.load %arg4[%get3A, %get3A_0] : memref<10000x64xf32, #tpu.memory_space<vmem>>, vector<10000x32xf32>
    %get3A_2 = arith.constant 0 : index
    %get3A_3 = arith.constant 0 : index
    %get3A_4 = arith.constant 0 : index
    %get3A_5 = vector.load %arg1[%get3A_2, %get3A_3, %get3A_4] : memref<1x10000x32xf32, #tpu.memory_space<vmem>>, vector<1x10000x32xf32>
    %get3A_6 = vector.shape_cast %get3A_5 : vector<1x10000x32xf32> to vector<10000x32xf32>
    %get3A_7 = arith.constant 0 : index
    %get3A_8 = arith.constant 0 : index
    %get3A_9 = arith.constant 0 : index
    %get3A_10 = vector.load %arg2[%get3A_7, %get3A_8, %get3A_9] : memref<1x10000x32xf32, #tpu.memory_space<vmem>>, vector<1x10000x32xf32>
    %get3A_11 = vector.shape_cast %get3A_10 : vector<1x10000x32xf32> to vector<10000x32xf32>
    %add3A = arith.addf %get3A_6, %get3A_11 : vector<10000x32xf32>
    %get3A_12 = arith.constant 0 : index
    %get3A_13 = arith.constant 0 : index
    %get3A_14 = vector.load %arg3[%get3A_12, %get3A_13] : memref<10000x32xf32, #tpu.memory_space<vmem>>, vector<10000x32xf32>
    %add3A_15 = arith.addf %add3A, %get3A_14 : vector<10000x32xf32>
    %mul3A = arith.mulf %get3A_1, %add3A_15 : vector<10000x32xf32>
    %get3A_16 = arith.constant 0 : index
    %get3A_17 = arith.constant 0 : index
    %get3A_18 = vector.load %arg5[%get3A_16, %get3A_17] : memref<1x32xf32, #tpu.memory_space<vmem>>, vector<1x32xf32>
    %add3A_19 = vector.broadcast %get3A_18 : vector<1x32xf32> to vector<10000x32xf32>
    %add3A_20 = arith.addf %mul3A, %add3A_19 : vector<10000x32xf32>
    %max3A = arith.constant 0.000000e+00 : f32
    %max3A_21 = vector.broadcast %max3A : f32 to vector<10000x32xf32>
    %max3A_22 = arith.maximumf %add3A_20, %max3A_21 : vector<10000x32xf32>
    %swap3A = arith.constant 0 : index
    %swap3A_23 = arith.constant 0 : index
    %swap3A_24 = vector.load %arg6[%swap3A, %swap3A_23] : memref<10000x32xf32, #tpu.memory_space<vmem>>, vector<10000x32xf32>
    tpu.vector_store %arg6[%swap3A, %swap3A_23], %max3A_22 {strides = array<i32>} : memref<10000x32xf32, #tpu.memory_space<vmem>>, vector<10000x32xf32>,
    return
  }
  func.func @transform_0(%arg0: i32) -> (i32, i32, i32) {
    %c0_i32 = arith.constant 0 : i32
    %c0_i32_0 = arith.constant 0 : i32
    %c0_i32_1 = arith.constant 0 : i32
    %c0_i32_2 = arith.constant 0 : i32
    return %c0_i32, %c0_i32_0, %c0_i32_1 : i32, i32, i32
  }
  func.func @transform_1(%arg0: i32) -> (i32, i32, i32) {
    %c1_i32 = arith.constant 1 : i32
    %c0_i32 = arith.constant 0 : i32
    %c0_i32_0 = arith.constant 0 : i32
    %c0_i32_1 = arith.constant 0 : i32
    return %c1_i32, %c0_i32, %c0_i32_0 : i32, i32, i32
  }
  func.func @transform_2(%arg0: i32) -> (i32, i32) {
    %c0_i32 = arith.constant 0 : i32
    %c0_i32_0 = arith.constant 0 : i32
    %c0_i32_1 = arith.constant 0 : i32
    return %c0_i32, %c0_i32_0 : i32, i32
  }
  func.func @transform_3(%arg0: i32) -> (i32, i32) {
    %c0_i32 = arith.constant 0 : i32
    %c0_i32_0 = arith.constant 0 : i32
    %c0_i32_1 = arith.constant 0 : i32
    return %c0_i32, %c0_i32_0 : i32, i32
  }
  func.func @transform_4(%arg0: i32) -> (i32, i32) {
    %c0_i32 = arith.constant 0 : i32
    %c0_i32_0 = arith.constant 0 : i32
    %c0_i32_1 = arith.constant 0 : i32
    return %c0_i32, %c0_i32_0 : i32, i32
  }
  func.func @transform_5(%arg0: i32) -> (i32, i32) {
    %c0_i32 = arith.constant 0 : i32
    %c0_i32_0 = arith.constant 0 : i32
    %c0_i32_1 = arith.constant 0 : i32
    return %c0_i32, %c0_i32_0 : i32, i32
  }
}

module attributes {stable_mosaic.version = 14 : i64} {
  func.func @_red_body(%arg0: i32, %arg1: memref<409600xf32, #tpu.memory_space<vmem>>, %arg2: memref<128x8xf32, #tpu.memory_space<vmem>>, %arg3: memref<1x2xf32, #tpu.memory_space<vmem>>, %arg4: memref<1x3200x4xf32, #tpu.memory_space<vmem>>) attributes {dimension_semantics = [#tpu.dimension_semantics<arbitrary>], iteration_bounds = array<i64: 25>, scalar_prefetch = 0 : i64, scratch_operands = 0 : i64, tpu.core_type = #tpu.core_type<tc>, window_params = [{transform_indices = @transform_0, window_bounds = array<i64: 409600>}, {pipeline_mode = #tpu.pipeline_mode<synchronous>, transform_indices = @transform_1, window_bounds = array<i64: 128, 8>}, {pipeline_mode = #tpu.pipeline_mode<synchronous>, transform_indices = @transform_2, window_bounds = array<i64: 1, 2>}, {transform_indices = @transform_3, window_bounds = array<i64: 1, 3200, 4>}]} {
    %get3A = arith.constant 0 : index
    %get3A_0 = arith.constant 0 : index
    %get3A_1 = vector.load %arg3[%get3A, %get3A_0] : memref<1x2xf32, #tpu.memory_space<vmem>>, vector<1x2xf32>
    %reduce_sum3A = vector.shape_cast %get3A_1 : vector<1x2xf32> to vector<1x1x2xf32>
    %reduce_sum3A_2 = arith.constant dense<0.000000e+00> : vector<1xf32>
    %reduce_sum3A_3 = vector.multi_reduction <add>, %reduce_sum3A, %reduce_sum3A_2 [1, 2] : vector<1x1x2xf32> to vector<1xf32>
    %reduce_sum3A_4 = vector.shape_cast %reduce_sum3A_3 : vector<1xf32> to vector<1x1x1xf32>
    %reduce_sum3A_5 = vector.extract %reduce_sum3A_4[0, 0, 0] : f32 from vector<1x1x1xf32>
    %get3A_6 = arith.constant 0 : index
    %get3A_7 = vector.load %arg1[%get3A_6] : memref<409600xf32, #tpu.memory_space<vmem>>, vector<409600xf32>
    %reshape3A = vector.shape_cast %get3A_7 : vector<409600xf32> to vector<3200x128xf32>
    %get3A_8 = arith.constant 0 : index
    %get3A_9 = arith.constant 0 : index
    %get3A_10 = vector.load %arg2[%get3A_8, %get3A_9] : memref<128x8xf32, #tpu.memory_space<vmem>>, vector<128x8xf32>
    %dot_general3A = arith.constant dense<0.000000e+00> : vector<3200x8xf32>
    %dot_general3A_11 = tpu.matmul %reshape3A, %get3A_10, %dot_general3A {dimension_numbers = #tpu.dot_dimension_numbers<[1], [0], [0], [1], [0, 0, 1, 1], [], []>, transpose_lhs_hint = false} : vector<3200x128xf32>, vector<128x8xf32>, vector<3200x8xf32> -> vector<3200x8xf32>
    %slice3A = vector.extract_strided_slice %dot_general3A_11 {offsets = [0, 0], sizes = [3200, 1], strides = [1, 1]} : vector<3200x8xf32> to vector<3200x1xf32>
    %slice3A_12 = vector.extract_strided_slice %dot_general3A_11 {offsets = [0, 1], sizes = [3200, 1], strides = [1, 1]} : vector<3200x8xf32> to vector<3200x1xf32>
    %add3A = arith.addf %slice3A, %slice3A_12 : vector<3200x1xf32>
    %slice3A_13 = vector.extract_strided_slice %dot_general3A_11 {offsets = [0, 2], sizes = [3200, 1], strides = [1, 1]} : vector<3200x8xf32> to vector<3200x1xf32>
    %slice3A_14 = vector.extract_strided_slice %dot_general3A_11 {offsets = [0, 3], sizes = [3200, 1], strides = [1, 1]} : vector<3200x8xf32> to vector<3200x1xf32>
    %add3A_15 = arith.addf %slice3A_13, %slice3A_14 : vector<3200x1xf32>
    %slice3A_16 = vector.extract_strided_slice %dot_general3A_11 {offsets = [0, 4], sizes = [3200, 1], strides = [1, 1]} : vector<3200x8xf32> to vector<3200x1xf32>
    %slice3A_17 = vector.extract_strided_slice %dot_general3A_11 {offsets = [0, 5], sizes = [3200, 1], strides = [1, 1]} : vector<3200x8xf32> to vector<3200x1xf32>
    %add3A_18 = arith.addf %slice3A_16, %slice3A_17 : vector<3200x1xf32>
    %slice3A_19 = vector.extract_strided_slice %dot_general3A_11 {offsets = [0, 6], sizes = [3200, 1], strides = [1, 1]} : vector<3200x8xf32> to vector<3200x1xf32>
    %slice3A_20 = vector.extract_strided_slice %dot_general3A_11 {offsets = [0, 7], sizes = [3200, 1], strides = [1, 1]} : vector<3200x8xf32> to vector<3200x1xf32>
    %add3A_21 = arith.addf %slice3A_19, %slice3A_20 : vector<3200x1xf32>
    %concatenate3A = tpu.concatenate %add3A, %add3A_15, %add3A_18, %add3A_21 in 1 : vector<3200x1xf32>, vector<3200x1xf32>, vector<3200x1xf32>, vector<3200x1xf32> -> vector<3200x4xf32>
    %add3A_22 = vector.broadcast %reduce_sum3A_5 : f32 to vector<3200x4xf32>
    %add3A_23 = arith.addf %concatenate3A, %add3A_22 : vector<3200x4xf32>
    %broadcast_in_dim3A = vector.shape_cast %add3A_23 : vector<3200x4xf32> to vector<1x3200x4xf32>
    %swap3A = arith.constant 0 : index
    %swap3A_24 = arith.constant 0 : index
    %swap3A_25 = arith.constant 0 : index
    %swap3A_26 = vector.load %arg4[%swap3A, %swap3A_24, %swap3A_25] : memref<1x3200x4xf32, #tpu.memory_space<vmem>>, vector<1x3200x4xf32>
    tpu.vector_store %arg4[%swap3A, %swap3A_24, %swap3A_25], %broadcast_in_dim3A {strides = array<i32>} : memref<1x3200x4xf32, #tpu.memory_space<vmem>>, vector<1x3200x4xf32>,
    return
  }
  func.func @transform_0(%arg0: i32) -> i32 {
    %c0_i32 = arith.constant 0 : i32
    return %arg0 : i32
  }
  func.func @transform_1(%arg0: i32) -> (i32, i32) {
    %c0_i32 = arith.constant 0 : i32
    %c0_i32_0 = arith.constant 0 : i32
    %c0_i32_1 = arith.constant 0 : i32
    return %c0_i32, %c0_i32_0 : i32, i32
  }
  func.func @transform_2(%arg0: i32) -> (i32, i32) {
    %c0_i32 = arith.constant 0 : i32
    %c0_i32_0 = arith.constant 0 : i32
    %c0_i32_1 = arith.constant 0 : i32
    return %c0_i32, %c0_i32_0 : i32, i32
  }
  func.func @transform_3(%arg0: i32) -> (i32, i32, i32) {
    %c0_i32 = arith.constant 0 : i32
    %c0_i32_0 = arith.constant 0 : i32
    %c0_i32_1 = arith.constant 0 : i32
    return %arg0, %c0_i32, %c0_i32_0 : i32, i32, i32
  }
}

</mosaic_0001>

<sc_bundles>
// kernel: kernel.10.cloned.1.call-start
scs
__scs_entry_jumppad:
0x0: {  	(pc) =	sbr.rel $0x88, $3  }
0x1: {  	(tag) =	ssettag $0x0;
	lr =	simm.s32 $0x1  }
0x2: {  	[smem:$0x3F94] =	sst lr;
	_ =	strace $0xD0000000  }
0x3: {  	_ = 	snop  }
0x4: {  	_ = 	snop  }
0x5: {  	_ = 	snop  }
0x6: {  	_ = 	snop  }
0x7: {  	_ = 	snop  }
__scs_overlays_trampoline_lowered:
0x8: {  	[smem:$0x3FA3] =	sst s0  }
0x9: {  	[smem:$0x3FA4] =	sst s1  }
0xa: {  	[smem:$0x3FA5] =	sst s2  }
0xb: {  	[smem:$0x3FA6] =	sst s3  }
0xc: {  	[smem:$0x3FA7] =	sst s4  }
0xd: {  	[smem:$0x3FA8] =	sst s5  }
0xe: {  	[smem:$0x3FA9] =	sst s6  }
0xf: {  	[smem:$0x3FAA] =	sst s7  }
0x10: {  	[smem:$0x3FAB] =	sst s8  }
0x11: {  	[smem:$0x3FAC] =	sst s9;
	s0 =	simm.s32 @!p0 $0x0  }
0x12: {  	s1 =	sld [smem:$0x3F92];
	s0 =	simm.s32 @p0 $0x1  }
0x13: {  	[smem:$0x3FAD] =	sst s0;
	s0 =	simm.s32 @!p1 $0x0  }
0x14: {  	s2 =	sld [smem:$0x3F91];
	s0 =	simm.s32 @p1 $0x1  }
0x15: {  	[smem:$0x3FAE] =	sst s0;
	s0 =	simm.s32 @!p2 $0x0  }
0x16: {  	s3 =	sld [smem:$0x3FDB];
	s0 =	simm.s32 @p2 $0x1  }
0x17: {  	s4 =	simm.s32 $0x1BF5;
	[smem:$0x3FB0] =	sst s0  }
0x18: {  	s0 =	sld [smem:$0x3F93];
	_ =	swait.ge [sflag:s4], $0x0  }
0x19: {  	s7 =	sld [smem:$0x3F94]  }
0x1a: {  	s8 =	sadd.s32 $0xFFFFE003, lr  }
0x1b: {  	s9 =	sadd.s32 $0xFFFFFEF7, lr;
	s5 =	simm.s32 $0xFFFFFFFF;
	p2 =	slt.u32 s8, $0xFFFFF086  }
0x1c: {  	p1 =	slt.u32 s9, $0xF7A;
	s5 =	simm.s32 @!p2 $0x0  }
0x1d: {  	s5 =	simm.s32 @p1 $0x1;
	p0 =	seq.s32 s7, s2  }
0x1e: {  	s7 =	smul.u32 @!p0 $0xF7A, s2;
	p2 =	seq.s32 @!p0 s5, $0x0  }
0x1f: {  	s9 =	smul.u32 $0xF7A, s1;
	s8 =	simm.s32 @!p0 $0x1BF5;
	p2 =	por !p2, p0  }
0x20: {  	[sflag:s8] =	ssyncset.s32 @!p0 $0xFFFFF086;
	s6 =	sadd.s32 @!p0 s3, s7;
	s7 =	simm.s32 @!p0 $0x108  }
0x21: {  	s3 =	sadd.s32 s3, s9;
	s6 =	sadd.s32 @!p0 $0x88, s6;
	s7 =	simm.s32 @p2 $0x1082  }
0x22: {  	[simem:s7], [sflag:s8] =	dma.local @!p0 [hbm:s6], $0xF7A  }
0x23: {  	s9 =	sor.u32 $0xD0000000, s2;
	s6 =	simm.s32 $0x108;
	_ =	swait.ge @!p0 [sflag:s8], $0x0  }
0x24: {  	s3 =	sadd.s32 $0x88, s3;
	s6 =	simm.s32 @!p1 $0x1082;
	[sflag:s4] =	ssyncset.s32 $0xFFFFF086  }
0x25: {  	[simem:s6], [sflag:s4] =	dma.local [hbm:s3], $0xF7A  }
0x26: {  	[smem:$0x3F94] =	sst s1;
	(tag) =	ssettag s2;
	_ =	strace s9  }
0x27: {  	s1 =	sld [smem:$0x3FA4]  }
0x28: {  	s2 =	sld [smem:$0x3FA5]  }
0x29: {  	s4 =	sld [smem:$0x3FA7]  }
0x2a: {  	p0 =	seq.s32 s5, $0x0;
	s5 =	sld [smem:$0x3FA8]  }
0x2b: {  	s6 =	sld [smem:$0x3FA9]  }
0x2c: {  	s7 =	sld [smem:$0x3FAA]  }
0x2d: {  	s3 =	simm.s32 $0x108;
	s8 =	sld [smem:$0x3FAB]  }
0x2e: {  	s3 =	simm.s32 @!p0 $0x1082;
	s9 =	sld [smem:$0x3FAC]  }
0x2f: {  	lr =	sadd.s32 s0, s3;
	s0 =	sld [smem:$0x3FA3]  }
0x30: {  	s3 =	sld [smem:$0x3FA6]  }
0x31: {  	[smem:$0x3FAF] =	sst s10  }
0x32: {  	s10 =	sld [smem:$0x3FAD];
	_ =	sdelay $0x3  }
0x33: {  	p0 =	seq.s32 s10, $0x1;
	s10 =	sld [smem:$0x3FAF];
	_ =	sdelay $0x3  }
0x34: {  	[smem:$0x3FAF] =	sst s10  }
0x35: {  	s10 =	sld [smem:$0x3FAE];
	_ =	sdelay $0x3  }
0x36: {  	p1 =	seq.s32 s10, $0x1;
	s10 =	sld [smem:$0x3FAF];
	_ =	sdelay $0x3  }
0x37: {  	[smem:$0x3FAF] =	sst s10  }
0x38: {  	s10 =	sld [smem:$0x3FB0]  }
0x39: {  	_ = 	snop;
	(pc) =	sbr.ind lr, $3  }
0x3a: {  	_ = 	snop  }
0x3b: {  	_ = 	snop  }
0x3c: {  	p2 =	seq.s32 s10, $0x1;
	s10 =	sld [smem:$0x3FAF]  }
0x3d: {  	_ =	shalt  }
0x3e: {  	_ =	shalt  }
0x3f: {  	_ =	shalt  }
0x40: {  	_ =	shalt  }
0x41: {  	_ =	shalt  }
0x42: {  	_ =	shalt  }
0x43: {  	_ =	shalt  }
0x44: {  	_ =	shalt  }
0x45: {  	_ =	shalt  }
0x46: {  	_ =	shalt  }
0x47: {  	_ =	shalt  }
0x48: {  	_ =	shalt  }
0x49: {  	_ =	shalt  }
0x4a: {  	_ =	shalt  }
0x4b: {  	_ =	shalt  }
0x4c: {  	_ =	shalt  }
0x4d: {  	_ =	shalt  }
0x4e: {  	_ =	shalt  }
0x4f: {  	_ =	shalt  }
0x50: {  	_ =	shalt  }
0x51: {  	_ =	shalt  }
0x52: {  	_ =	shalt  }
0x53: {  	_ =	shalt  }
0x54: {  	_ =	shalt  }
0x55: {  	_ =	shalt  }
0x56: {  	_ =	shalt  }
0x57: {  	_ =	shalt  }
0x58: {  	_ =	shalt  }
0x59: {  	_ =	shalt  }
0x5a: {  	_ =	shalt  }
0x5b: {  	_ =	shalt  }
0x5c: {  	_ =	shalt  }
0x5d: {  	_ =	shalt  }
0x5e: {  	_ =	shalt  }
0x5f: {  	_ =	shalt  }
0x60: {  	_ =	shalt  }
0x61: {  	_ =	shalt  }
0x62: {  	_ =	shalt  }
0x63: {  	_ =	shalt  }
0x64: {  	_ =	shalt  }
0x65: {  	_ =	shalt  }
0x66: {  	_ =	shalt  }
0x67: {  	_ =	shalt  }
0x68: {  	_ =	shalt  }
0x69: {  	_ =	shalt  }
0x6a: {  	_ =	shalt  }
0x6b: {  	_ =	shalt  }
0x6c: {  	_ =	shalt  }
0x6d: {  	_ =	shalt  }
0x6e: {  	_ =	shalt  }
0x6f: {  	_ =	shalt  }
0x70: {  	_ =	shalt  }
0x71: {  	_ =	shalt  }
0x72: {  	_ =	shalt  }
0x73: {  	_ =	shalt  }
0x74: {  	_ =	shalt  }
0x75: {  	_ =	shalt  }
0x76: {  	_ =	shalt  }
0x77: {  	_ =	shalt  }
0x78: {  	_ =	shalt  }
0x79: {  	_ =	shalt  }
0x7a: {  	_ =	shalt  }
0x7b: {  	_ =	shalt  }
0x7c: {  	_ =	shalt  }
0x7d: {  	_ =	shalt  }
0x7e: {  	_ =	shalt  }
0x7f: {  	_ =	shalt  }
0x80: {  	_ =	shalt  }
0x81: {  	_ =	shalt  }
0x82: {  	_ =	shalt  }
0x83: {  	_ =	shalt  }
0x84: {  	_ =	shalt  }
0x85: {  	_ =	shalt  }
0x86: {  	_ =	shalt  }
0x87: {  	_ =	shalt  }
.Lfunc_end0:
.L_simem_size_0:
called_computation_lowered:
.L_overlay_start_0:
0x88: {  	s2 =	sld [smem:$0x3FD9]  }
0x89: {  	s3 =	sld [smem:$0x3FFE];
	_ =	sdelay $0x1  }
0x8a: {  	s1 =	srdreg.scid  }
0x8b: {  	s0 =	sand.u32 $0x1, s1  }
0x8c: {  	s14 =	sshll.u32 s0, $0xA;
	s2 =	sadd.s32 s3, s2  }
0x8d: {  	s2 =	sadd.s32 s2, s14  }
0x8e: {  	[smem:$0x3FBB] =	sst s2  }
0x8f: {  	_ = 	snop  }
0x90: {  	s2 =	sld [smem:$0x3FD0];
	_ =	sdelay $0x2  }
0x91: {  	s15 =	simm.s32 $0xA;
	s4 =	simm.s32 $0x10  }
0x92: {  	[smem:s4], [sflag:s15] =	dma.local [hbm:s2], $0x1  }
0x93: {  	_ =	swait.eq [sflag:s15], $0x1  }
0x94: {  	s16 =	sld [smem:$0x10];
	[sflag:s15] =	ssyncset.done $0x0  }
0x95: {  	s17 =	sld [smem:$0x11];
	[sflag:s15] =	ssyncadd.s32 $0xFFFFFFFF  }
0x96: {  	s18 =	sld [smem:$0x12];
	(tm) =	ssettm $0x1  }
0x97: {  	s5 =	sld [smem:$0x3FFB];
	_ =	sdelay $0x3  }
0x98: {  	_ =	strace s5  }
0x99: {  	s5 =	sld [smem:$0x3FFC];
	_ =	sdelay $0x3  }
0x9a: {  	_ =	strace s5  }
0x9b: {  	s5 =	sld [smem:$0x3FFD];
	_ =	sdelay $0x3  }
0x9c: {  	_ =	strace s5  }
0x9d: {  	_ =	strace $0x8FFFFFFF  }
0x9e: {  	s19 =	sld [smem:$0x3FDB];
	_ =	sdelay $0x1  }
0x9f: {  	s6 =	simm.s32 $_scs_section_size  }
0xa0: {  	s7 =	simm.s32 $_size__tile_overlayer_lowered;
	s8 =	simm.s32 $_tile_overlayer_lowered  }
0xa1: {  	s22 =	simm.s32 $0x1BFF;
	s21 =	sshll.u32 s8, $0x1;
	s5 =	sadd.s32 s6, s19  }
0xa2: {  	s9 =	simm.s32 $0x0;
	s20 =	sshll.u32 s7, $0x1;
	s7 =	sadd.s32 s21, s5  }
0xa3: {  	[timem:s9], [sflag:s22] =	dma.local [hbm:s7], s20  }
0xa4: {  	_ =	swait.ge [sflag:s22], s20  }
0xa5: {  	s6 =	ssub.s32 $0x0, s20;
	[sflag:s22] =	ssyncset.done $0x0  }
0xa6: {  	[sflag:s22] =	ssyncadd.s32 s6;
	_ =	sdelay $0x1  }
0xa7: {  	s23 =	simm.s32 $0x1B8B  }
0xa8: {  	_ =	swait.ge [sflag:s23], $0x1  }
0xa9: {  	[sflag:s23] =	ssyncset.done $0x0  }
0xaa: {  	s25 =	simm.s32 $0x1B8E;
	s24 =	sld [smem:$0x3FFE];
	[sflag:s23] =	ssyncadd.s32 $0xFFFFFFFF  }
0xab: {  	s26 =	simm.s32 $execute0_lowered;
	[smem:$0x3FD2] =	sst s25  }
0xac: {  	s7 =	sshll.u32 s26, $0x1;
	_ =	strace $0x80000046;
	[dreg:$0x1] =	wrdreg $0xFFFFFFFF  }
0xad: {  	s28 =	simm.s32 $_size_execute0_lowered;
	s5 =	sadd.s32 s5, s7;
	[dreg:$0x0] =	wrdreg $0x0  }
0xae: {  	s7 =	sshll.u32 s28, $0x1;
	[dreg:$0x2] =	wrdreg s5  }
0xaf: {  	[dreg:$0x3] =	wrdreg s7  }
0xb0: {  	[dreg:$0x4] =	wrdreg $0xC0  }
0xb1: {  	_ =	task [dreg:s9], $0x5FFFF  }
0xb2: {  	[dreg:$0x1] =	wrdreg $0xFFFFFFFF  }
0xb3: {  	[dreg:$0x0] =	wrdreg $0x60  }
0xb4: {  	[dreg:$0x2] =	wrdreg s24  }
0xb5: {  	[dreg:$0x3] =	wrdreg s17  }
0xb6: {  	[dreg:$0x4] =	wrdreg s18  }
0xb7: {  	[dreg:$0x5] =	wrdreg s16  }
0xb8: {  	[dreg:$0x6] =	wrdreg $0x2BC00  }
0xb9: {  	[dreg:$0x7] =	wrdreg $0x9  }
0xba: {  	_ =	task.clear_ibuf [dreg:s9], $0x8FFFF;
	_ =	strace $0x90000046  }
0xbb: {  	s29 =	simm.s32 $0x9;
	_ =	strace $0x80000048  }
0xbc: {  	_ =	swait.ge [sflag:s29], $0x1  }
0xbd: {  	[sflag:s29] =	ssyncadd.s32 $0xFFFFFFFF  }
0xbe: {  	_ =	strace $0x90000048  }
0xbf: {  	_ =	sfence  }
0xc0: {  	s30 =	sld [smem:$0x0];
	_ =	sdelay $0x2  }
0xc1: {  	s31 =	sshll.u32 s1, $0xD;
	s1 =	sshrl.u32 s1, $0x2  }
0xc2: {  	s3 =	sand.u32 $0x4000, s31;
	s1 =	sadd.s32 s1, s30  }
0xc3: {  	s0 =	sor.u32 s3, s0;
	s1 =	sshll.u32 s1, $0x11  }
0xc4: {  	s0 =	sor.u32 s1, s0  }
0xc5: {  	s0 =	sadd.s32 $0x8F2B, s0  }
0xc6: {  	[sflag:s0] =	ssyncadd.remote.s32 $0x1  }
0xc7: {  	_ =	sfence.sel $0xFFFF  }
0xc8: {  	[dreg:$0x0] =	wrdreg $0xFFFFFFFF;
	(pc) =	sbr.abs _section_cstart, $3  }
0xc9: {  	[dreg:$0x1] =	wrdreg $0xFFFFFFFF  }
0xca: {  	_ =	task.clear_ibuf [dreg:s9], $0x2FFFF;
	_ =	strace $0x9FFFFFFF  }
0xcb: {  	(tm) =	ssettm $0x7FFFFFFF  }
tec
execute0_lowered:
.L_overlay_start_1:
0x0: {  	(tag) =	ssettag $0x1  }
0x1: {  	s6 =	rddreg [dreg:$0x0]  }
0x2: {  	s1 =	rddreg [dreg:$0x1]  }
0x3: {  	s2 =	rddreg [dreg:$0x2]  }
0x4: {  	s8 =	rddreg [dreg:$0x3]  }
0x5: {  	s0 =	srdreg.scid;
	s4 =	rddreg [dreg:$0x4]  }
0x6: {  	s5 =	simm.s32 $0x0;
	s13 =	simm.s32 $0x1;
	s14 =	simm.s32 $0x0  }
0x7: {  	s16 =	simm.s32 $0x64;
	s7 =	sand.u32 $0x1, s0;
	s0 =	stileid.u32  }
0x8: {  	[smem:$0x7FF] =	sst s5;
	s3 =	sshll.u32 s7, $0x4;
	s10 =	smul.u32 $0x13C0, s0  }
0x9: {  	s11 =	ssub.s32 $0x2, s7;
	s7 =	smul.u32 $0x13C00, s7;
	s3 =	sor.u32 s0, s3  }
0xa: {  	s31 =	sshll.u32 s0, $0x6;
	s12 =	sshrl.u32 s11, $0x1;
	s9 =	smul.u32 $0x28A0, s3  }
0xb: {  	s3 =	rddreg [dreg:$0x5];
	_ =	strace $0x80000047;
	s11 =	ssub.s32 s11, s12  }
0xc: {  	s7 =	sadd.s32 s10, s7;
	s30 =	sadd.s32 s10, s4;
	s10 =	simm.s32 $0x28A0  }
0xd: {  	s7 =	sshrl.u32 s7, $0x3;
	s12 =	sshrl.u32 s30, $0x3;
	s9 =	sshrl.u32 s9, $0x3  }
0xe: {  	s7 =	sadd.s32 s8, s7;
	s8 =	smax.u32 s11, $0x1;
	s6 =	sadd.s32 s6, s9  }
0xf: {  	s11 =	sor.u32 $0x1C02, s31;
	s9 =	simm.s32 $0x2;
	s6 =	sadd.s32 $0xD480, s6  }
.LBB2_1:
0x10: {  	[tilespmem:s5], [sflag:$0x2] =	stream.linear.gather [hbm4b:s6+s5], $0x28A0, $0x38;
	[tilespmem:$0x3F80] =	vst v63  }
0x11: {  	_ =	swait.ge [sflag:s9], $0x28A0  }
0x12: {  	[sflag:s9] =	ssyncset.done $0x0  }
0x13: {  	[sflag:s9] =	ssyncadd.s32 $0xFFFFD760  }
0x14: {  	[tilespmem:s10], [sflag:$0x2] =	stream.linear.gather [hbm4b:s1+s5], $0x320, $0x38;
	[tilespmem:$0x3F80] =	vst v63  }
0x15: {  	_ =	swait.ge [sflag:s9], $0x320  }
0x16: {  	[sflag:s9] =	ssyncset.done $0x0  }
0x17: {  	[sflag:s9] =	ssyncadd.s32 $0xFFFFFCE0  }
0x18: {  	[spmem:s12], [sflag:s11] =	dma.local [hbm:s2], $0x278  }
0x19: {  	_ =	swait.ge [sflag:s9], $0x278  }
0x1a: {  	[sflag:s9] =	ssyncset.done $0x0  }
0x1b: {  	[sflag:s9] =	ssyncadd.s32 $0xFFFFFD88  }
0x1c: {  	s15 =	simm.s32 $0x1A0;
	s17 =	simm.s32 $0x0;
	[bflag:$0x0] =	sbarrier.arrive $0xFFFF  }
.LBB2_2:
0x1d: {  	[spmem:s4] =	stream.indirect.scatter.add.f32 [tilespmem:s10], [sflag:$0x1], $0x8, s17, s16, $0xb8;
	[tilespmem:$0x3F80] =	vst v63  }
0x1e: {  	s17 =	smov.u32 s15;
	p0 =	sne.s32 s15, $0xA0E0  }
.Ltmp0:
0x1f: {  	s15 =	sadd.s32 $0x1A0, s15;
	(pc) =	sbr.rel @p0 .LBB2_2-.Ltmp0, $2  }
0x20: {  	_ =	sdelay $0x2  }
0x21: {  	s17 =	sshra.s32 s17, $0x2  }
0x22: {  	[spmem:s4] =	stream.indirect.scatter.add.f32 [tilespmem:s10], [sflag:$0x1], $0x8, s17, s16, $0xb8;
	[tilespmem:$0x3F80] =	vst v63  }
0x23: {  	_ =	swait.ge [sflag:s13], $0x320  }
0x24: {  	s15 =	simm.s32 $0x63;
	[sflag:s13] =	ssyncset.done $0x0  }
.LBB2_4:
0x25: {  	p0 =	sne.s32 s15, $0x1;
	s15 =	sadd.s32 $0xFFFFFFFF, s15;
	[sflag:s13] =	ssyncadd.s32 $0xFFFFFCE0  }
.Ltmp1:
0x26: {  	(pc) =	sbr.rel @p0 .LBB2_4-.Ltmp1, $3  }
0x27: {  	_ =	sdelay $0x1  }
0x28: {  	_ =	swait.ge [sflag:s13], $0x320  }
0x29: {  	[sflag:s13] =	ssyncset.done $0x0  }
0x2a: {  	s14 =	sadd.s32 $0x1, s14  }
0x2b: {  	[sflag:s13] =	ssyncadd.s32 $0xFFFFFCE0;
	p0 =	sne.s32 s14, s8  }
.Ltmp2:
0x2c: {  	[bflag:$0x0] =	sbarrier.arrive $0xFFFF;
	(pc) =	sbr.rel @p0 .LBB2_1-.Ltmp2, $4  }
0x2d: {  	[hbm:s7], [sflag:s11] =	dma.local [spmem:s12], $0x278  }
0x2e: {  	_ =	swait.ge [sflag:s9], $0x278  }
0x2f: {  	[sflag:s9] =	ssyncset.done $0x0  }
0x30: {  	[sflag:s9] =	ssyncadd.s32 $0xFFFFFD88  }
0x31: {  	_ =	sfence.sel $0x180000  }
0x32: {  	[bflag:$0x0] =	sbarrier.arrive $0xFFFF  }
0x33: {  	p0 =	sne.s32 s0, $0x0;
	_ =	strace $0x90000047  }
0x34: {  	s0 =	sadd.s32 @!p0 $0x100000, s3;
	[bflag:$0x2] =	sbarrier.arrive $0xFFFF  }
0x35: {  	[sflag:s0] =	ssyncadd.tile.s32 @!p0 $0x1;
	_ =	shalt  }
.Lfunc_end2:
_tile_overlayer_lowered:
.L_overlay_start_2:
0x36: {  	(tag) =	ssettag $0x2  }
0x37: {  	s0 =	rddreg [dreg:$0x0];
	s2 =	stileid.u32  }
0x38: {  	s1 =	rddreg [dreg:$0x1];
	p0 =	sne.s32 s2, $0x0  }
0x39: {  	s3 =	rddreg [dreg:$0x2];
	[bflag:$0x3] =	sbarrier.arrive $0xFFFF;
	s2 =	simm.s32 @!p0 $0x1C02  }
0x3a: {  	[timem:s3], [sflag:s2] =	dma.local @!p0 [hbm:s0], s1  }
0x3b: {  	s0 =	simm.s32 @!p0 $0x2  }
0x3c: {  	_ =	swait.ge @!p0 [sflag:s0], s1  }
0x3d: {  	s1 =	ssub.s32 @!p0 $0x0, s1;
	[sflag:s0] =	ssyncset.done @!p0 $0x0  }
0x3e: {  	[sflag:s0] =	ssyncadd.s32 @!p0 s1  }
0x3f: {  	[bflag:$0x3] =	sbarrier.arrive $0xFFFF  }
0x40: {  	_ =	shalt  }

// kernel: kernel.13.cloned.1.call-start
scs
__scs_entry_jumppad:
0x0: {  	(pc) =	sbr.rel $0x88, $3  }
0x1: {  	(tag) =	ssettag $0x0;
	lr =	simm.s32 $0x1  }
0x2: {  	[smem:$0x3F94] =	sst lr;
	_ =	strace $0xD0000000  }
0x3: {  	_ = 	snop  }
0x4: {  	_ = 	snop  }
0x5: {  	_ = 	snop  }
0x6: {  	_ = 	snop  }
0x7: {  	_ = 	snop  }
__scs_overlays_trampoline_lowered:
0x8: {  	[smem:$0x3FA3] =	sst s0  }
0x9: {  	[smem:$0x3FA4] =	sst s1  }
0xa: {  	[smem:$0x3FA5] =	sst s2  }
0xb: {  	[smem:$0x3FA6] =	sst s3  }
0xc: {  	[smem:$0x3FA7] =	sst s4  }
0xd: {  	[smem:$0x3FA8] =	sst s5  }
0xe: {  	[smem:$0x3FA9] =	sst s6  }
0xf: {  	[smem:$0x3FAA] =	sst s7  }
0x10: {  	[smem:$0x3FAB] =	sst s8  }
0x11: {  	[smem:$0x3FAC] =	sst s9;
	s0 =	simm.s32 @!p0 $0x0  }
0x12: {  	s1 =	sld [smem:$0x3F92];
	s0 =	simm.s32 @p0 $0x1  }
0x13: {  	[smem:$0x3FAD] =	sst s0;
	s0 =	simm.s32 @!p1 $0x0  }
0x14: {  	s2 =	sld [smem:$0x3F91];
	s0 =	simm.s32 @p1 $0x1  }
0x15: {  	[smem:$0x3FAE] =	sst s0;
	s0 =	simm.s32 @!p2 $0x0  }
0x16: {  	s3 =	sld [smem:$0x3FDB];
	s0 =	simm.s32 @p2 $0x1  }
0x17: {  	s4 =	simm.s32 $0x1BF5;
	[smem:$0x3FB0] =	sst s0  }
0x18: {  	s0 =	sld [smem:$0x3F93];
	_ =	swait.ge [sflag:s4], $0x0  }
0x19: {  	s7 =	sld [smem:$0x3F94]  }
0x1a: {  	s8 =	sadd.s32 $0xFFFFE003, lr  }
0x1b: {  	s9 =	sadd.s32 $0xFFFFFEF7, lr;
	s5 =	simm.s32 $0xFFFFFFFF;
	p2 =	slt.u32 s8, $0xFFFFF086  }
0x1c: {  	p1 =	slt.u32 s9, $0xF7A;
	s5 =	simm.s32 @!p2 $0x0  }
0x1d: {  	s5 =	simm.s32 @p1 $0x1;
	p0 =	seq.s32 s7, s2  }
0x1e: {  	s7 =	smul.u32 @!p0 $0xF7A, s2;
	p2 =	seq.s32 @!p0 s5, $0x0  }
0x1f: {  	s9 =	smul.u32 $0xF7A, s1;
	s8 =	simm.s32 @!p0 $0x1BF5;
	p2 =	por !p2, p0  }
0x20: {  	[sflag:s8] =	ssyncset.s32 @!p0 $0xFFFFF086;
	s6 =	sadd.s32 @!p0 s3, s7;
	s7 =	simm.s32 @!p0 $0x108  }
0x21: {  	s3 =	sadd.s32 s3, s9;
	s6 =	sadd.s32 @!p0 $0x88, s6;
	s7 =	simm.s32 @p2 $0x1082  }
0x22: {  	[simem:s7], [sflag:s8] =	dma.local @!p0 [hbm:s6], $0xF7A  }
0x23: {  	s9 =	sor.u32 $0xD0000000, s2;
	s6 =	simm.s32 $0x108;
	_ =	swait.ge @!p0 [sflag:s8], $0x0  }
0x24: {  	s3 =	sadd.s32 $0x88, s3;
	s6 =	simm.s32 @!p1 $0x1082;
	[sflag:s4] =	ssyncset.s32 $0xFFFFF086  }
0x25: {  	[simem:s6], [sflag:s4] =	dma.local [hbm:s3], $0xF7A  }
0x26: {  	[smem:$0x3F94] =	sst s1;
	(tag) =	ssettag s2;
	_ =	strace s9  }
0x27: {  	s1 =	sld [smem:$0x3FA4]  }
0x28: {  	s2 =	sld [smem:$0x3FA5]  }
0x29: {  	s4 =	sld [smem:$0x3FA7]  }
0x2a: {  	p0 =	seq.s32 s5, $0x0;
	s5 =	sld [smem:$0x3FA8]  }
0x2b: {  	s6 =	sld [smem:$0x3FA9]  }
0x2c: {  	s7 =	sld [smem:$0x3FAA]  }
0x2d: {  	s3 =	simm.s32 $0x108;
	s8 =	sld [smem:$0x3FAB]  }
0x2e: {  	s3 =	simm.s32 @!p0 $0x1082;
	s9 =	sld [smem:$0x3FAC]  }
0x2f: {  	lr =	sadd.s32 s0, s3;
	s0 =	sld [smem:$0x3FA3]  }
0x30: {  	s3 =	sld [smem:$0x3FA6]  }
0x31: {  	[smem:$0x3FAF] =	sst s10  }
0x32: {  	s10 =	sld [smem:$0x3FAD];
	_ =	sdelay $0x3  }
0x33: {  	p0 =	seq.s32 s10, $0x1;
	s10 =	sld [smem:$0x3FAF];
	_ =	sdelay $0x3  }
0x34: {  	[smem:$0x3FAF] =	sst s10  }
0x35: {  	s10 =	sld [smem:$0x3FAE];
	_ =	sdelay $0x3  }
0x36: {  	p1 =	seq.s32 s10, $0x1;
	s10 =	sld [smem:$0x3FAF];
	_ =	sdelay $0x3  }
0x37: {  	[smem:$0x3FAF] =	sst s10  }
0x38: {  	s10 =	sld [smem:$0x3FB0]  }
0x39: {  	_ = 	snop;
	(pc) =	sbr.ind lr, $3  }
0x3a: {  	_ = 	snop  }
0x3b: {  	_ = 	snop  }
0x3c: {  	p2 =	seq.s32 s10, $0x1;
	s10 =	sld [smem:$0x3FAF]  }
0x3d: {  	_ =	shalt  }
0x3e: {  	_ =	shalt  }
0x3f: {  	_ =	shalt  }
0x40: {  	_ =	shalt  }
0x41: {  	_ =	shalt  }
0x42: {  	_ =	shalt  }
0x43: {  	_ =	shalt  }
0x44: {  	_ =	shalt  }
0x45: {  	_ =	shalt  }
0x46: {  	_ =	shalt  }
0x47: {  	_ =	shalt  }
0x48: {  	_ =	shalt  }
0x49: {  	_ =	shalt  }
0x4a: {  	_ =	shalt  }
0x4b: {  	_ =	shalt  }
0x4c: {  	_ =	shalt  }
0x4d: {  	_ =	shalt  }
0x4e: {  	_ =	shalt  }
0x4f: {  	_ =	shalt  }
0x50: {  	_ =	shalt  }
0x51: {  	_ =	shalt  }
0x52: {  	_ =	shalt  }
0x53: {  	_ =	shalt  }
0x54: {  	_ =	shalt  }
0x55: {  	_ =	shalt  }
0x56: {  	_ =	shalt  }
0x57: {  	_ =	shalt  }
0x58: {  	_ =	shalt  }
0x59: {  	_ =	shalt  }
0x5a: {  	_ =	shalt  }
0x5b: {  	_ =	shalt  }
0x5c: {  	_ =	shalt  }
0x5d: {  	_ =	shalt  }
0x5e: {  	_ =	shalt  }
0x5f: {  	_ =	shalt  }
0x60: {  	_ =	shalt  }
0x61: {  	_ =	shalt  }
0x62: {  	_ =	shalt  }
0x63: {  	_ =	shalt  }
0x64: {  	_ =	shalt  }
0x65: {  	_ =	shalt  }
0x66: {  	_ =	shalt  }
0x67: {  	_ =	shalt  }
0x68: {  	_ =	shalt  }
0x69: {  	_ =	shalt  }
0x6a: {  	_ =	shalt  }
0x6b: {  	_ =	shalt  }
0x6c: {  	_ =	shalt  }
0x6d: {  	_ =	shalt  }
0x6e: {  	_ =	shalt  }
0x6f: {  	_ =	shalt  }
0x70: {  	_ =	shalt  }
0x71: {  	_ =	shalt  }
0x72: {  	_ =	shalt  }
0x73: {  	_ =	shalt  }
0x74: {  	_ =	shalt  }
0x75: {  	_ =	shalt  }
0x76: {  	_ =	shalt  }
0x77: {  	_ =	shalt  }
0x78: {  	_ =	shalt  }
0x79: {  	_ =	shalt  }
0x7a: {  	_ =	shalt  }
0x7b: {  	_ =	shalt  }
0x7c: {  	_ =	shalt  }
0x7d: {  	_ =	shalt  }
0x7e: {  	_ =	shalt  }
0x7f: {  	_ =	shalt  }
0x80: {  	_ =	shalt  }
0x81: {  	_ =	shalt  }
0x82: {  	_ =	shalt  }
0x83: {  	_ =	shalt  }
0x84: {  	_ =	shalt  }
0x85: {  	_ =	shalt  }
0x86: {  	_ =	shalt  }
0x87: {  	_ =	shalt  }
.Lfunc_end0:
.L_simem_size_0:
called_computation.1_lowered:
.L_overlay_start_0:
0x88: {  	s2 =	sld [smem:$0x3FD9]  }
0x89: {  	s3 =	sld [smem:$0x3FFE];
	_ =	sdelay $0x1  }
0x8a: {  	s1 =	srdreg.scid  }
0x8b: {  	s0 =	sand.u32 $0x1, s1  }
0x8c: {  	s14 =	sshll.u32 s0, $0xA;
	s2 =	sadd.s32 s3, s2  }
0x8d: {  	s2 =	sadd.s32 s2, s14  }
0x8e: {  	[smem:$0x3FBB] =	sst s2  }
0x8f: {  	_ = 	snop  }
0x90: {  	s2 =	sld [smem:$0x3FD0];
	_ =	sdelay $0x2  }
0x91: {  	s15 =	simm.s32 $0xA;
	s4 =	simm.s32 $0x10  }
0x92: {  	[smem:s4], [sflag:s15] =	dma.local [hbm:s2], $0x1  }
0x93: {  	_ =	swait.eq [sflag:s15], $0x1  }
0x94: {  	[sflag:s15] =	ssyncset.done $0x0  }
0x95: {  	s16 =	sld [smem:$0x10];
	[sflag:s15] =	ssyncadd.s32 $0xFFFFFFFF  }
0x96: {  	s17 =	sld [smem:$0x11];
	(tm) =	ssettm $0x1  }
0x97: {  	s18 =	sld [smem:$0x3FFB];
	_ =	sdelay $0x3  }
0x98: {  	_ =	strace s18  }
0x99: {  	s4 =	sld [smem:$0x3FFC];
	_ =	sdelay $0x3  }
0x9a: {  	_ =	strace s4  }
0x9b: {  	s4 =	sld [smem:$0x3FFD];
	_ =	sdelay $0x3  }
0x9c: {  	_ =	strace s4  }
0x9d: {  	_ =	strace $0x8FFFFFFF  }
0x9e: {  	s19 =	sld [smem:$0x3FDB];
	_ =	sdelay $0x1  }
0x9f: {  	s5 =	simm.s32 $_scs_section_size  }
0xa0: {  	s6 =	simm.s32 $_size__tile_overlayer_lowered;
	s7 =	simm.s32 $_tile_overlayer_lowered  }
0xa1: {  	s22 =	simm.s32 $0x1BFF;
	s21 =	sshll.u32 s7, $0x1;
	s4 =	sadd.s32 s5, s19  }
0xa2: {  	s8 =	simm.s32 $0x0;
	s20 =	sshll.u32 s6, $0x1;
	s6 =	sadd.s32 s21, s4  }
0xa3: {  	[timem:s8], [sflag:s22] =	dma.local [hbm:s6], s20  }
0xa4: {  	_ =	swait.ge [sflag:s22], s20  }
0xa5: {  	s5 =	ssub.s32 $0x0, s20;
	[sflag:s22] =	ssyncset.done $0x0  }
0xa6: {  	[sflag:s22] =	ssyncadd.s32 s5;
	_ =	sdelay $0x1  }
0xa7: {  	s23 =	simm.s32 $0x1B8B  }
0xa8: {  	_ =	swait.ge [sflag:s23], $0x1  }
0xa9: {  	[sflag:s23] =	ssyncset.done $0x0  }
0xaa: {  	s25 =	simm.s32 $0x1B8E;
	s24 =	sld [smem:$0x3FFE];
	[sflag:s23] =	ssyncadd.s32 $0xFFFFFFFF  }
0xab: {  	s26 =	simm.s32 $execute0_lowered;
	[smem:$0x3FD2] =	sst s25  }
0xac: {  	s6 =	sshll.u32 s26, $0x1;
	_ =	strace $0x80000049;
	[dreg:$0x1] =	wrdreg $0xFFFFFFFF  }
0xad: {  	s28 =	simm.s32 $_size_execute0_lowered;
	s4 =	sadd.s32 s4, s6;
	[dreg:$0x0] =	wrdreg $0x0  }
0xae: {  	s6 =	sshll.u32 s28, $0x1;
	[dreg:$0x2] =	wrdreg s4  }
0xaf: {  	[dreg:$0x3] =	wrdreg s6  }
0xb0: {  	[dreg:$0x4] =	wrdreg $0xC0  }
0xb1: {  	_ =	task [dreg:s8], $0x5FFFF  }
0xb2: {  	[dreg:$0x1] =	wrdreg $0xFFFFFFFF  }
0xb3: {  	[dreg:$0x0] =	wrdreg $0x60  }
0xb4: {  	[dreg:$0x2] =	wrdreg s17  }
0xb5: {  	[dreg:$0x3] =	wrdreg s24  }
0xb6: {  	[dreg:$0x4] =	wrdreg s16  }
0xb7: {  	[dreg:$0x5] =	wrdreg $0xCE400  }
0xb8: {  	[dreg:$0x6] =	wrdreg $0x9  }
0xb9: {  	_ =	task.clear_ibuf [dreg:s8], $0x7FFFF;
	_ =	strace $0x90000049  }
0xba: {  	s29 =	simm.s32 $0x9;
	_ =	strace $0x8000004B  }
0xbb: {  	_ =	swait.ge [sflag:s29], $0x1  }
0xbc: {  	[sflag:s29] =	ssyncadd.s32 $0xFFFFFFFF  }
0xbd: {  	_ =	strace $0x9000004B  }
0xbe: {  	_ =	sfence  }
0xbf: {  	s30 =	sld [smem:$0x0];
	_ =	sdelay $0x2  }
0xc0: {  	s31 =	sshll.u32 s1, $0xD;
	s1 =	sshrl.u32 s1, $0x2  }
0xc1: {  	s3 =	sand.u32 $0x4000, s31;
	s1 =	sadd.s32 s1, s30  }
0xc2: {  	s0 =	sor.u32 s3, s0;
	s1 =	sshll.u32 s1, $0x11  }
0xc3: {  	s0 =	sor.u32 s1, s0  }
0xc4: {  	s0 =	sadd.s32 $0x8F2B, s0  }
0xc5: {  	[sflag:s0] =	ssyncadd.remote.s32 $0x1  }
0xc6: {  	_ =	sfence.sel $0xFFFF  }
0xc7: {  	[dreg:$0x0] =	wrdreg $0xFFFFFFFF;
	(pc) =	sbr.abs _section_cstart, $3  }
0xc8: {  	[dreg:$0x1] =	wrdreg $0xFFFFFFFF  }
0xc9: {  	_ =	task.clear_ibuf [dreg:s8], $0x2FFFF;
	_ =	strace $0x9FFFFFFF  }
0xca: {  	(tm) =	ssettm $0x7FFFFFFF  }
0xcb: {  	_ =	shalt  }
tec
execute0_lowered:
.L_overlay_start_1:
0x0: {  	(tag) =	ssettag $0x1  }
0x1: {  	s0 =	rddreg [dreg:$0x0]  }
0x2: {  	s1 =	rddreg [dreg:$0x1]  }
0x3: {  	s2 =	srdreg.scid;
	s4 =	rddreg [dreg:$0x3]  }
0x4: {  	s10 =	stileid.u32;
	s5 =	simm.s32 $0x0;
	s14 =	simm.s32 $0x64  }
0x5: {  	s15 =	simm.s32 $0x5140;
	s17 =	simm.s32 $0x6A40;
	s19 =	simm.s32 $0x8340  }
0x6: {  	s21 =	simm.s32 $0x9C40;
	s23 =	simm.s32 $0xB540;
	s24 =	simm.s32 $0x1  }
0x7: {  	s28 =	simm.s32 $0x4;
	s29 =	simm.s32 $0x5;
	s30 =	simm.s32 $0x6  }
0x8: {  	s31 =	simm.s32 $0x7;
	s22 =	simm.s32 $0x50D8;
	s11 =	simm.s32 $0x0  }
0x9: {  	s2 =	sand.u32 $0x1, s2;
	s8 =	smul.u32 $0x9E00, s10;
	[smem:$0x7FF] =	sst s5  }
0xa: {  	s26 =	sshll.u32 s10, $0x6;
	s3 =	sshll.u32 s2, $0x4;
	s6 =	smul.u32 $0x9E000, s2  }
0xb: {  	_ =	strace $0x8000004A;
	s2 =	ssub.s32 $0x2, s2;
	s12 =	sor.u32 $0x1C0B, s26  }
0xc: {  	s26 =	simm.s32 $0x3;
	s3 =	sor.u32 s10, s3;
	s7 =	sshrl.u32 s2, $0x1  }
0xd: {  	s25 =	sadd.s32 s8, s4;
	s10 =	simm.s32 $0xB;
	s3 =	smul.u32 $0x28A0, s3  }
0xe: {  	s6 =	sadd.s32 s8, s6;
	s2 =	ssub.s32 s2, s7;
	s13 =	sshrl.u32 s25, $0x3  }
0xf: {  	s25 =	simm.s32 $0x2;
	s6 =	sshrl.u32 s6, $0x3;
	s3 =	sshrl.u32 s3, $0x3  }
0x10: {  	s9 =	smax.u32 s2, $0x1;
	s2 =	simm.s32 $0x9;
	s3 =	sadd.s32 s3, s1  }
0x11: {  	s1 =	sadd.s32 s6, s1;
	s6 =	sadd.s32 $0x3200, s3;
	s7 =	sadd.s32 $0xD480, s3  }
0x12: {  	s8 =	sadd.s32 $0x17800, s1;
	s1 =	simm.s32 $0x8;
	s3 =	simm.s32 $0xA  }
.LBB2_1:
0x13: {  	[tilespmem:s5], [sflag:$0xB] =	stream.linear.gather [hbm4b:s6+s5], $0x28A0, $0x38;
	[tilespmem:$0x16C40] =	vst v63  }
0x14: {  	_ =	swait.ge [sflag:s10], $0x28A0  }
0x15: {  	[sflag:s10] =	ssyncset.done $0x0  }
0x16: {  	s16 =	simm.s32 $0x28A0;
	[sflag:s10] =	ssyncadd.s32 $0xFFFFD760  }
0x17: {  	[tilespmem:s16], [sflag:$0xB] =	stream.linear.gather [hbm4b:s7+s5], $0x28A0, $0x38;
	[tilespmem:$0x16C40] =	vst v63  }
0x18: {  	_ =	swait.ge [sflag:s10], $0x28A0  }
0x19: {  	[sflag:s10] =	ssyncset.done $0x0  }
0x1a: {  	[sflag:s10] =	ssyncadd.s32 $0xFFFFD760  }
0x1b: {  	s18 =	rddreg [dreg:$0x2]  }
0x1c: {  	[spmem:s13], [sflag:s12] =	dma.local [hbm:s18], $0x13C0  }
0x1d: {  	_ =	swait.ge [sflag:s10], $0x13C0  }
0x1e: {  	[sflag:s10] =	ssyncset.done $0x0  }
0x1f: {  	[sflag:s10] =	ssyncadd.s32 $0xFFFFEC40  }
0x20: {  	[bflag:$0x0] =	sbarrier.arrive $0xFFFF  }
0x21: {  	[tilespmem:s15], [sflag:$0x1] =	stream.indirect.gather [hbm4b:s0+s14], $0x40, s5, s14, $0xb8;
	[tilespmem:$0x16C40] =	vst v63  }
0x22: {  	s20 =	simm.s32 $0x68  }
0x23: {  	[tilespmem:s17], [sflag:$0x2] =	stream.indirect.gather [hbm4b:s0+s14], $0x40, s20, s14, $0xb8;
	[tilespmem:$0x16C40] =	vst v63  }
0x24: {  	s18 =	simm.s32 $0xD0  }
0x25: {  	[tilespmem:s19], [sflag:$0x3] =	stream.indirect.gather [hbm4b:s0+s14], $0x40, s18, s14, $0xb8;
	[tilespmem:$0x16C40] =	vst v63  }
0x26: {  	s20 =	simm.s32 $0x138  }
0x27: {  	[tilespmem:s21], [sflag:$0x4] =	stream.indirect.gather [hbm4b:s0+s14], $0x40, s20, s14, $0xb8;
	[tilespmem:$0x16C40] =	vst v63  }
0x28: {  	s18 =	simm.s32 $0x1A0  }
0x29: {  	[tilespmem:s23], [sflag:$0x5] =	stream.indirect.gather [hbm4b:s0+s14], $0x40, s18, s14, $0xb8;
	[tilespmem:$0x16C40] =	vst v63  }
0x2a: {  	_ =	swait.ge [sflag:s24], $0x1900  }
0x2b: {  	[sflag:s24] =	ssyncset.done $0x0  }
0x2c: {  	s20 =	simm.s32 $0x28A0;
	[sflag:s24] =	ssyncadd.s32 $0xFFFFE700  }
0x2d: {  	[spmem:s4] =	stream.indirect.scatter.add.f32 [tilespmem:s15], [sflag:$0x6], $0x40, s20, s14, $0xb8;
	[tilespmem:$0x16C40] =	vst v63  }
0x2e: {  	_ =	swait.ge [sflag:s25], $0x1900  }
0x2f: {  	[sflag:s25] =	ssyncset.done $0x0  }
0x30: {  	s18 =	simm.s32 $0x2908;
	[sflag:s25] =	ssyncadd.s32 $0xFFFFE700  }
0x31: {  	[spmem:s4] =	stream.indirect.scatter.add.f32 [tilespmem:s17], [sflag:$0x7], $0x40, s18, s14, $0xb8;
	[tilespmem:$0x16C40] =	vst v63  }
0x32: {  	_ =	swait.ge [sflag:s26], $0x1900  }
0x33: {  	[sflag:s26] =	ssyncset.done $0x0  }
0x34: {  	s20 =	simm.s32 $0x2970;
	[sflag:s26] =	ssyncadd.s32 $0xFFFFE700  }
0x35: {  	[spmem:s4] =	stream.indirect.scatter.add.f32 [tilespmem:s19], [sflag:$0x8], $0x40, s20, s14, $0xb8;
	[tilespmem:$0x16C40] =	vst v63  }
0x36: {  	_ =	swait.ge [sflag:s28], $0x1900  }
0x37: {  	[sflag:s28] =	ssyncset.done $0x0  }
0x38: {  	s18 =	simm.s32 $0x29D8;
	[sflag:s28] =	ssyncadd.s32 $0xFFFFE700  }
0x39: {  	[spmem:s4] =	stream.indirect.scatter.add.f32 [tilespmem:s21], [sflag:$0x9], $0x40, s18, s14, $0xb8;
	[tilespmem:$0x16C40] =	vst v63  }
0x3a: {  	_ =	swait.ge [sflag:s29], $0x1900  }
0x3b: {  	[sflag:s29] =	ssyncset.done $0x0  }
0x3c: {  	s20 =	simm.s32 $0x2A40;
	[sflag:s29] =	ssyncadd.s32 $0xFFFFE700  }
0x3d: {  	[spmem:s4] =	stream.indirect.scatter.add.f32 [tilespmem:s23], [sflag:$0xA], $0x40, s20, s14, $0xb8;
	[tilespmem:$0x16C40] =	vst v63  }
0x3e: {  	_ =	swait.ge [sflag:s30], $0x1900  }
0x3f: {  	[sflag:s30] =	ssyncset.done $0x0  }
0x40: {  	s18 =	simm.s32 $0x208;
	[sflag:s30] =	ssyncadd.s32 $0xFFFFE700  }
0x41: {  	[tilespmem:s15], [sflag:$0x1] =	stream.indirect.gather [hbm4b:s0+s14], $0x40, s18, s14, $0xb8;
	[tilespmem:$0x16C40] =	vst v63  }
0x42: {  	_ =	swait.ge [sflag:s31], $0x1900  }
0x43: {  	[sflag:s31] =	ssyncset.done $0x0  }
0x44: {  	s20 =	simm.s32 $0x270;
	[sflag:s31] =	ssyncadd.s32 $0xFFFFE700  }
0x45: {  	[tilespmem:s17], [sflag:$0x2] =	stream.indirect.gather [hbm4b:s0+s14], $0x40, s20, s14, $0xb8;
	[tilespmem:$0x16C40] =	vst v63  }
0x46: {  	_ =	swait.ge [sflag:s1], $0x1900  }
0x47: {  	[sflag:s1] =	ssyncset.done $0x0  }
0x48: {  	s18 =	simm.s32 $0x2D8;
	[sflag:s1] =	ssyncadd.s32 $0xFFFFE700  }
0x49: {  	[tilespmem:s19], [sflag:$0x3] =	stream.indirect.gather [hbm4b:s0+s14], $0x40, s18, s14, $0xb8;
	[tilespmem:$0x16C40] =	vst v63  }
0x4a: {  	_ =	swait.ge [sflag:s2], $0x1900  }
0x4b: {  	[sflag:s2] =	ssyncset.done $0x0  }
0x4c: {  	s20 =	simm.s32 $0x340;
	[sflag:s2] =	ssyncadd.s32 $0xFFFFE700  }
0x4d: {  	[tilespmem:s21], [sflag:$0x4] =	stream.indirect.gather [hbm4b:s0+s14], $0x40, s20, s14, $0xb8;
	[tilespmem:$0x16C40] =	vst v63  }
0x4e: {  	_ =	swait.ge [sflag:s3], $0x1900  }
0x4f: {  	[sflag:s3] =	ssyncset.done $0x0  }
0x50: {  	s16 =	simm.s32 $0x820;
	s18 =	simm.s32 $0x3A8;
	[sflag:s3] =	ssyncadd.s32 $0xFFFFE700  }
.LBB2_2:
0x51: {  	[tilespmem:s23], [sflag:$0x5] =	stream.indirect.gather [hbm4b:s0+s14], $0x40, s18, s14, $0xb8;
	[tilespmem:$0x16C40] =	vst v63  }
0x52: {  	s18 =	smov.u32 s16  }
0x53: {  	p0 =	sne.s32 s16, $0x9240;
	s16 =	sadd.s32 $0x820, s16;
	_ =	swait.ge [sflag:s24], $0x1900  }
0x54: {  	s18 =	sshra.s32 s18, $0x2;
	[sflag:s24] =	ssyncset.done $0x0  }
0x55: {  	s20 =	sadd.s32 $0x28A0, s18;
	[sflag:s24] =	ssyncadd.s32 $0xFFFFE700  }
0x56: {  	[spmem:s4] =	stream.indirect.scatter.add.f32 [tilespmem:s15], [sflag:$0x6], $0x40, s20, s14, $0xb8;
	[tilespmem:$0x16C40] =	vst v63  }
0x57: {  	_ =	swait.ge [sflag:s25], $0x1900  }
0x58: {  	[sflag:s25] =	ssyncset.done $0x0  }
0x59: {  	s20 =	sadd.s32 $0x2908, s18;
	[sflag:s25] =	ssyncadd.s32 $0xFFFFE700  }
0x5a: {  	[spmem:s4] =	stream.indirect.scatter.add.f32 [tilespmem:s17], [sflag:$0x7], $0x40, s20, s14, $0xb8;
	[tilespmem:$0x16C40] =	vst v63  }
0x5b: {  	_ =	swait.ge [sflag:s26], $0x1900  }
0x5c: {  	[sflag:s26] =	ssyncset.done $0x0  }
0x5d: {  	s20 =	sadd.s32 $0x2970, s18;
	[sflag:s26] =	ssyncadd.s32 $0xFFFFE700  }
0x5e: {  	[spmem:s4] =	stream.indirect.scatter.add.f32 [tilespmem:s19], [sflag:$0x8], $0x40, s20, s14, $0xb8;
	[tilespmem:$0x16C40] =	vst v63  }
0x5f: {  	_ =	swait.ge [sflag:s28], $0x1900  }
0x60: {  	[sflag:s28] =	ssyncset.done $0x0  }
0x61: {  	s20 =	sadd.s32 $0x29D8, s18;
	[sflag:s28] =	ssyncadd.s32 $0xFFFFE700  }
0x62: {  	[spmem:s4] =	stream.indirect.scatter.add.f32 [tilespmem:s21], [sflag:$0x9], $0x40, s20, s14, $0xb8;
	[tilespmem:$0x16C40] =	vst v63  }
0x63: {  	_ =	swait.ge [sflag:s29], $0x1900  }
0x64: {  	[sflag:s29] =	ssyncset.done $0x0  }
0x65: {  	s20 =	sadd.s32 $0x2A40, s18;
	[sflag:s29] =	ssyncadd.s32 $0xFFFFE700  }
0x66: {  	[spmem:s4] =	stream.indirect.scatter.add.f32 [tilespmem:s23], [sflag:$0xA], $0x40, s20, s14, $0xb8;
	[tilespmem:$0x16C40] =	vst v63  }
0x67: {  	_ =	swait.ge [sflag:s30], $0x1900  }
0x68: {  	[sflag:s30] =	ssyncset.done $0x0  }
0x69: {  	s20 =	sadd.s32 $0x208, s18;
	[sflag:s30] =	ssyncadd.s32 $0xFFFFE700  }
0x6a: {  	[tilespmem:s15], [sflag:$0x1] =	stream.indirect.gather [hbm4b:s0+s14], $0x40, s20, s14, $0xb8;
	[tilespmem:$0x16C40] =	vst v63  }
0x6b: {  	_ =	swait.ge [sflag:s31], $0x1900  }
0x6c: {  	[sflag:s31] =	ssyncset.done $0x0  }
0x6d: {  	s20 =	sadd.s32 $0x270, s18;
	[sflag:s31] =	ssyncadd.s32 $0xFFFFE700  }
0x6e: {  	[tilespmem:s17], [sflag:$0x2] =	stream.indirect.gather [hbm4b:s0+s14], $0x40, s20, s14, $0xb8;
	[tilespmem:$0x16C40] =	vst v63  }
0x6f: {  	_ =	swait.ge [sflag:s1], $0x1900  }
0x70: {  	[sflag:s1] =	ssyncset.done $0x0  }
0x71: {  	s20 =	sadd.s32 $0x2D8, s18;
	[sflag:s1] =	ssyncadd.s32 $0xFFFFE700  }
0x72: {  	[tilespmem:s19], [sflag:$0x3] =	stream.indirect.gather [hbm4b:s0+s14], $0x40, s20, s14, $0xb8;
	[tilespmem:$0x16C40] =	vst v63  }
0x73: {  	_ =	swait.ge [sflag:s2], $0x1900  }
0x74: {  	[sflag:s2] =	ssyncset.done $0x0  }
.Ltmp0:
0x75: {  	s20 =	sadd.s32 $0x340, s18;
	[sflag:s2] =	ssyncadd.s32 $0xFFFFE700;
	(pc) =	sbr.rel @p0 .LBB2_2-.Ltmp0, $4  }
0x76: {  	[tilespmem:s21], [sflag:$0x4] =	stream.indirect.gather [hbm4b:s0+s14], $0x40, s20, s14, $0xb8;
	[tilespmem:$0x16C40] =	vst v63  }
0x77: {  	_ =	swait.ge [sflag:s3], $0x1900  }
0x78: {  	[sflag:s3] =	ssyncset.done $0x0  }
0x79: {  	s18 =	sadd.s32 $0x3A8, s18;
	[sflag:s3] =	ssyncadd.s32 $0xFFFFE700  }
0x7a: {  	[tilespmem:s23], [sflag:$0x5] =	stream.indirect.gather [hbm4b:s0+s14], $0x40, s18, s14, $0xb8;
	[tilespmem:$0x16C40] =	vst v63  }
0x7b: {  	_ =	swait.ge [sflag:s24], $0x1900  }
0x7c: {  	[sflag:s24] =	ssyncset.done $0x0  }
0x7d: {  	s16 =	simm.s32 $0x4F38;
	[sflag:s24] =	ssyncadd.s32 $0xFFFFE700  }
0x7e: {  	[spmem:s4] =	stream.indirect.scatter.add.f32 [tilespmem:s15], [sflag:$0x6], $0x40, s16, s14, $0xb8;
	[tilespmem:$0x16C40] =	vst v63  }
0x7f: {  	_ =	swait.ge [sflag:s25], $0x1900  }
0x80: {  	[sflag:s25] =	ssyncset.done $0x0  }
0x81: {  	s20 =	simm.s32 $0x4FA0;
	[sflag:s25] =	ssyncadd.s32 $0xFFFFE700  }
0x82: {  	[spmem:s4] =	stream.indirect.scatter.add.f32 [tilespmem:s17], [sflag:$0x7], $0x40, s20, s14, $0xb8;
	[tilespmem:$0x16C40] =	vst v63  }
0x83: {  	_ =	swait.ge [sflag:s26], $0x1900  }
0x84: {  	[sflag:s26] =	ssyncset.done $0x0  }
0x85: {  	s18 =	simm.s32 $0x5008;
	[sflag:s26] =	ssyncadd.s32 $0xFFFFE700  }
0x86: {  	[spmem:s4] =	stream.indirect.scatter.add.f32 [tilespmem:s19], [sflag:$0x8], $0x40, s18, s14, $0xb8;
	[tilespmem:$0x16C40] =	vst v63  }
0x87: {  	_ =	swait.ge [sflag:s28], $0x1900  }
0x88: {  	[sflag:s28] =	ssyncset.done $0x0  }
0x89: {  	s20 =	simm.s32 $0x5070;
	[sflag:s28] =	ssyncadd.s32 $0xFFFFE700  }
0x8a: {  	[spmem:s4] =	stream.indirect.scatter.add.f32 [tilespmem:s21], [sflag:$0x9], $0x40, s20, s14, $0xb8;
	[tilespmem:$0x16C40] =	vst v63  }
0x8b: {  	_ =	swait.ge [sflag:s29], $0x1900  }
0x8c: {  	[sflag:s29] =	ssyncset.done $0x0  }
0x8d: {  	[sflag:s29] =	ssyncadd.s32 $0xFFFFE700  }
0x8e: {  	[spmem:s4] =	stream.indirect.scatter.add.f32 [tilespmem:s23], [sflag:$0xA], $0x40, s22, s14, $0xb8;
	[tilespmem:$0x16C40] =	vst v63  }
0x8f: {  	_ =	swait.ge [sflag:s30], $0x1900  }
0x90: {  	[sflag:s30] =	ssyncset.done $0x0  }
0x91: {  	[sflag:s30] =	ssyncadd.s32 $0xFFFFE700  }
0x92: {  	_ =	swait.ge [sflag:s31], $0x1900  }
0x93: {  	[sflag:s31] =	ssyncset.done $0x0  }
0x94: {  	[sflag:s31] =	ssyncadd.s32 $0xFFFFE700  }
0x95: {  	_ =	swait.ge [sflag:s1], $0x1900  }
0x96: {  	[sflag:s1] =	ssyncset.done $0x0  }
0x97: {  	[sflag:s1] =	ssyncadd.s32 $0xFFFFE700  }
0x98: {  	_ =	swait.ge [sflag:s2], $0x1900  }
0x99: {  	[sflag:s2] =	ssyncset.done $0x0  }
0x9a: {  	[sflag:s2] =	ssyncadd.s32 $0xFFFFE700  }
0x9b: {  	_ =	swait.ge [sflag:s3], $0x1900  }
0x9c: {  	s11 =	sadd.s32 $0x1, s11;
	[sflag:s3] =	ssyncset.done $0x0  }
0x9d: {  	p0 =	sne.s32 s11, s9;
	[sflag:s3] =	ssyncadd.s32 $0xFFFFE700  }
.Ltmp1:
0x9e: {  	[bflag:$0x0] =	sbarrier.arrive $0xFFFF;
	(pc) =	sbr.rel @p0 .LBB2_1-.Ltmp1, $4  }
0x9f: {  	[hbm:s8], [sflag:s12] =	dma.local [spmem:s13], $0x13C0  }
0xa0: {  	_ =	swait.ge [sflag:s10], $0x13C0  }
0xa1: {  	[sflag:s10] =	ssyncset.done $0x0  }
0xa2: {  	[sflag:s10] =	ssyncadd.s32 $0xFFFFEC40  }
0xa3: {  	_ =	sfence.sel $0x180000  }
0xa4: {  	[bflag:$0x0] =	sbarrier.arrive $0xFFFF  }
0xa5: {  	_ =	strace $0x9000004A  }
0xa6: {  	s0 =	stileid.u32;
	[bflag:$0x2] =	sbarrier.arrive $0xFFFF  }
0xa7: {  	p0 =	sne.s32 s0, $0x0;
	s0 =	rddreg [dreg:$0x4]  }
0xa8: {  	s0 =	sadd.s32 @!p0 $0x100000, s0  }
0xa9: {  	[sflag:s0] =	ssyncadd.tile.s32 @!p0 $0x1;
	_ =	shalt  }
.Lfunc_end2:
_tile_overlayer_lowered:
.L_overlay_start_2:
0xaa: {  	(tag) =	ssettag $0x2  }
0xab: {  	s0 =	rddreg [dreg:$0x0];
	s2 =	stileid.u32  }
0xac: {  	s1 =	rddreg [dreg:$0x1];
	p0 =	sne.s32 s2, $0x0  }
0xad: {  	s3 =	rddreg [dreg:$0x2];
	[bflag:$0x3] =	sbarrier.arrive $0xFFFF;
	s2 =	simm.s32 @!p0 $0x1C0B  }
0xae: {  	[timem:s3], [sflag:s2] =	dma.local @!p0 [hbm:s0], s1  }
0xaf: {  	s0 =	simm.s32 @!p0 $0xB  }
0xb0: {  	_ =	swait.ge @!p0 [sflag:s0], s1  }
0xb1: {  	s1 =	ssub.s32 @!p0 $0x0, s1;
	[sflag:s0] =	ssyncset.done @!p0 $0x0  }
0xb2: {  	[sflag:s0] =	ssyncadd.s32 @!p0 s1  }
0xb3: {  	[bflag:$0x3] =	sbarrier.arrive $0xFFFF  }
0xb4: {  	_ =	shalt  }

// kernel: kernel.16.cloned.1.call-start
scs
__scs_entry_jumppad:
0x0: {  	(pc) =	sbr.rel $0x88, $3  }
0x1: {  	(tag) =	ssettag $0x0;
	lr =	simm.s32 $0x1  }
0x2: {  	[smem:$0x3F94] =	sst lr;
	_ =	strace $0xD0000000  }
0x3: {  	_ = 	snop  }
0x4: {  	_ = 	snop  }
0x5: {  	_ = 	snop  }
0x6: {  	_ = 	snop  }
0x7: {  	_ = 	snop  }
__scs_overlays_trampoline_lowered:
0x8: {  	[smem:$0x3FA3] =	sst s0  }
0x9: {  	[smem:$0x3FA4] =	sst s1  }
0xa: {  	[smem:$0x3FA5] =	sst s2  }
0xb: {  	[smem:$0x3FA6] =	sst s3  }
0xc: {  	[smem:$0x3FA7] =	sst s4  }
0xd: {  	[smem:$0x3FA8] =	sst s5  }
0xe: {  	[smem:$0x3FA9] =	sst s6  }
0xf: {  	[smem:$0x3FAA] =	sst s7  }
0x10: {  	[smem:$0x3FAB] =	sst s8  }
0x11: {  	[smem:$0x3FAC] =	sst s9;
	s0 =	simm.s32 @!p0 $0x0  }
0x12: {  	s1 =	sld [smem:$0x3F92];
	s0 =	simm.s32 @p0 $0x1  }
0x13: {  	[smem:$0x3FAD] =	sst s0;
	s0 =	simm.s32 @!p1 $0x0  }
0x14: {  	s2 =	sld [smem:$0x3F91];
	s0 =	simm.s32 @p1 $0x1  }
0x15: {  	[smem:$0x3FAE] =	sst s0;
	s0 =	simm.s32 @!p2 $0x0  }
0x16: {  	s3 =	sld [smem:$0x3FDB];
	s0 =	simm.s32 @p2 $0x1  }
0x17: {  	s4 =	simm.s32 $0x1BF5;
	[smem:$0x3FB0] =	sst s0  }
0x18: {  	s0 =	sld [smem:$0x3F93];
	_ =	swait.ge [sflag:s4], $0x0  }
0x19: {  	s7 =	sld [smem:$0x3F94]  }
0x1a: {  	s8 =	sadd.s32 $0xFFFFE003, lr  }
0x1b: {  	s9 =	sadd.s32 $0xFFFFFEF7, lr;
	s5 =	simm.s32 $0xFFFFFFFF;
	p2 =	slt.u32 s8, $0xFFFFF086  }
0x1c: {  	p1 =	slt.u32 s9, $0xF7A;
	s5 =	simm.s32 @!p2 $0x0  }
0x1d: {  	s5 =	simm.s32 @p1 $0x1;
	p0 =	seq.s32 s7, s2  }
0x1e: {  	s7 =	smul.u32 @!p0 $0xF7A, s2;
	p2 =	seq.s32 @!p0 s5, $0x0  }
0x1f: {  	s9 =	smul.u32 $0xF7A, s1;
	s8 =	simm.s32 @!p0 $0x1BF5;
	p2 =	por !p2, p0  }
0x20: {  	[sflag:s8] =	ssyncset.s32 @!p0 $0xFFFFF086;
	s6 =	sadd.s32 @!p0 s3, s7;
	s7 =	simm.s32 @!p0 $0x108  }
0x21: {  	s3 =	sadd.s32 s3, s9;
	s6 =	sadd.s32 @!p0 $0x88, s6;
	s7 =	simm.s32 @p2 $0x1082  }
0x22: {  	[simem:s7], [sflag:s8] =	dma.local @!p0 [hbm:s6], $0xF7A  }
0x23: {  	s9 =	sor.u32 $0xD0000000, s2;
	s6 =	simm.s32 $0x108;
	_ =	swait.ge @!p0 [sflag:s8], $0x0  }
0x24: {  	s3 =	sadd.s32 $0x88, s3;
	s6 =	simm.s32 @!p1 $0x1082;
	[sflag:s4] =	ssyncset.s32 $0xFFFFF086  }
0x25: {  	[simem:s6], [sflag:s4] =	dma.local [hbm:s3], $0xF7A  }
0x26: {  	[smem:$0x3F94] =	sst s1;
	(tag) =	ssettag s2;
	_ =	strace s9  }
0x27: {  	s1 =	sld [smem:$0x3FA4]  }
0x28: {  	s2 =	sld [smem:$0x3FA5]  }
0x29: {  	s4 =	sld [smem:$0x3FA7]  }
0x2a: {  	p0 =	seq.s32 s5, $0x0;
	s5 =	sld [smem:$0x3FA8]  }
0x2b: {  	s6 =	sld [smem:$0x3FA9]  }
0x2c: {  	s7 =	sld [smem:$0x3FAA]  }
0x2d: {  	s3 =	simm.s32 $0x108;
	s8 =	sld [smem:$0x3FAB]  }
0x2e: {  	s3 =	simm.s32 @!p0 $0x1082;
	s9 =	sld [smem:$0x3FAC]  }
0x2f: {  	lr =	sadd.s32 s0, s3;
	s0 =	sld [smem:$0x3FA3]  }
0x30: {  	s3 =	sld [smem:$0x3FA6]  }
0x31: {  	[smem:$0x3FAF] =	sst s10  }
0x32: {  	s10 =	sld [smem:$0x3FAD];
	_ =	sdelay $0x3  }
0x33: {  	p0 =	seq.s32 s10, $0x1;
	s10 =	sld [smem:$0x3FAF];
	_ =	sdelay $0x3  }
0x34: {  	[smem:$0x3FAF] =	sst s10  }
0x35: {  	s10 =	sld [smem:$0x3FAE];
	_ =	sdelay $0x3  }
0x36: {  	p1 =	seq.s32 s10, $0x1;
	s10 =	sld [smem:$0x3FAF];
	_ =	sdelay $0x3  }
0x37: {  	[smem:$0x3FAF] =	sst s10  }
0x38: {  	s10 =	sld [smem:$0x3FB0]  }
0x39: {  	_ = 	snop;
	(pc) =	sbr.ind lr, $3  }
0x3a: {  	_ = 	snop  }
0x3b: {  	_ = 	snop  }
0x3c: {  	p2 =	seq.s32 s10, $0x1;
	s10 =	sld [smem:$0x3FAF]  }
0x3d: {  	_ =	shalt  }
0x3e: {  	_ =	shalt  }
0x3f: {  	_ =	shalt  }
0x40: {  	_ =	shalt  }
0x41: {  	_ =	shalt  }
0x42: {  	_ =	shalt  }
0x43: {  	_ =	shalt  }
0x44: {  	_ =	shalt  }
0x45: {  	_ =	shalt  }
0x46: {  	_ =	shalt  }
0x47: {  	_ =	shalt  }
0x48: {  	_ =	shalt  }
0x49: {  	_ =	shalt  }
0x4a: {  	_ =	shalt  }
0x4b: {  	_ =	shalt  }
0x4c: {  	_ =	shalt  }
0x4d: {  	_ =	shalt  }
0x4e: {  	_ =	shalt  }
0x4f: {  	_ =	shalt  }
0x50: {  	_ =	shalt  }
0x51: {  	_ =	shalt  }
0x52: {  	_ =	shalt  }
0x53: {  	_ =	shalt  }
0x54: {  	_ =	shalt  }
0x55: {  	_ =	shalt  }
0x56: {  	_ =	shalt  }
0x57: {  	_ =	shalt  }
0x58: {  	_ =	shalt  }
0x59: {  	_ =	shalt  }
0x5a: {  	_ =	shalt  }
0x5b: {  	_ =	shalt  }
0x5c: {  	_ =	shalt  }
0x5d: {  	_ =	shalt  }
0x5e: {  	_ =	shalt  }
0x5f: {  	_ =	shalt  }
0x60: {  	_ =	shalt  }
0x61: {  	_ =	shalt  }
0x62: {  	_ =	shalt  }
0x63: {  	_ =	shalt  }
0x64: {  	_ =	shalt  }
0x65: {  	_ =	shalt  }
0x66: {  	_ =	shalt  }
0x67: {  	_ =	shalt  }
0x68: {  	_ =	shalt  }
0x69: {  	_ =	shalt  }
0x6a: {  	_ =	shalt  }
0x6b: {  	_ =	shalt  }
0x6c: {  	_ =	shalt  }
0x6d: {  	_ =	shalt  }
0x6e: {  	_ =	shalt  }
0x6f: {  	_ =	shalt  }
0x70: {  	_ =	shalt  }
0x71: {  	_ =	shalt  }
0x72: {  	_ =	shalt  }
0x73: {  	_ =	shalt  }
0x74: {  	_ =	shalt  }
0x75: {  	_ =	shalt  }
0x76: {  	_ =	shalt  }
0x77: {  	_ =	shalt  }
0x78: {  	_ =	shalt  }
0x79: {  	_ =	shalt  }
0x7a: {  	_ =	shalt  }
0x7b: {  	_ =	shalt  }
0x7c: {  	_ =	shalt  }
0x7d: {  	_ =	shalt  }
0x7e: {  	_ =	shalt  }
0x7f: {  	_ =	shalt  }
0x80: {  	_ =	shalt  }
0x81: {  	_ =	shalt  }
0x82: {  	_ =	shalt  }
0x83: {  	_ =	shalt  }
0x84: {  	_ =	shalt  }
0x85: {  	_ =	shalt  }
0x86: {  	_ =	shalt  }
0x87: {  	_ =	shalt  }
.Lfunc_end0:
.L_simem_size_0:
called_computation.2_lowered:
.L_overlay_start_0:
0x88: {  	s2 =	sld [smem:$0x3FD9]  }
0x89: {  	s3 =	sld [smem:$0x3FFE];
	_ =	sdelay $0x1  }
0x8a: {  	s1 =	srdreg.scid  }
0x8b: {  	s0 =	sand.u32 $0x1, s1  }
0x8c: {  	s14 =	sshll.u32 s0, $0xA;
	s2 =	sadd.s32 s3, s2  }
0x8d: {  	s2 =	sadd.s32 s2, s14  }
0x8e: {  	[smem:$0x3FBB] =	sst s2  }
0x8f: {  	_ = 	snop  }
0x90: {  	s2 =	sld [smem:$0x3FD0];
	_ =	sdelay $0x2  }
0x91: {  	s15 =	simm.s32 $0xA;
	s4 =	simm.s32 $0x10  }
0x92: {  	[smem:s4], [sflag:s15] =	dma.local [hbm:s2], $0x1  }
0x93: {  	_ =	swait.eq [sflag:s15], $0x1  }
0x94: {  	s16 =	sld [smem:$0x10];
	[sflag:s15] =	ssyncset.done $0x0  }
0x95: {  	s17 =	sld [smem:$0x11];
	[sflag:s15] =	ssyncadd.s32 $0xFFFFFFFF  }
0x96: {  	s18 =	sld [smem:$0x12];
	(tm) =	ssettm $0x1  }
0x97: {  	s5 =	sld [smem:$0x3FFB];
	_ =	sdelay $0x3  }
0x98: {  	_ =	strace s5  }
0x99: {  	s5 =	sld [smem:$0x3FFC];
	_ =	sdelay $0x3  }
0x9a: {  	_ =	strace s5  }
0x9b: {  	s5 =	sld [smem:$0x3FFD];
	_ =	sdelay $0x3  }
0x9c: {  	_ =	strace s5  }
0x9d: {  	_ =	strace $0x8FFFFFFF  }
0x9e: {  	s19 =	sld [smem:$0x3FDB];
	_ =	sdelay $0x1  }
0x9f: {  	s6 =	simm.s32 $_scs_section_size  }
0xa0: {  	s7 =	simm.s32 $_size__tile_overlayer_lowered;
	s8 =	simm.s32 $_tile_overlayer_lowered  }
0xa1: {  	s22 =	simm.s32 $0x1BFF;
	s21 =	sshll.u32 s8, $0x1;
	s5 =	sadd.s32 s6, s19  }
0xa2: {  	s9 =	simm.s32 $0x0;
	s20 =	sshll.u32 s7, $0x1;
	s7 =	sadd.s32 s21, s5  }
0xa3: {  	[timem:s9], [sflag:s22] =	dma.local [hbm:s7], s20  }
0xa4: {  	_ =	swait.ge [sflag:s22], s20  }
0xa5: {  	s6 =	ssub.s32 $0x0, s20;
	[sflag:s22] =	ssyncset.done $0x0  }
0xa6: {  	[sflag:s22] =	ssyncadd.s32 s6;
	_ =	sdelay $0x1  }
0xa7: {  	s23 =	simm.s32 $0x1B8B  }
0xa8: {  	_ =	swait.ge [sflag:s23], $0x1  }
0xa9: {  	[sflag:s23] =	ssyncset.done $0x0  }
0xaa: {  	s25 =	simm.s32 $0x1B8E;
	s24 =	sld [smem:$0x3FFE];
	[sflag:s23] =	ssyncadd.s32 $0xFFFFFFFF  }
0xab: {  	s26 =	simm.s32 $execute0_lowered;
	[smem:$0x3FD2] =	sst s25  }
0xac: {  	s7 =	sshll.u32 s26, $0x1;
	_ =	strace $0x8000004C;
	[dreg:$0x1] =	wrdreg $0xFFFFFFFF  }
0xad: {  	s28 =	simm.s32 $_size_execute0_lowered;
	s5 =	sadd.s32 s5, s7;
	[dreg:$0x0] =	wrdreg $0x0  }
0xae: {  	s7 =	sshll.u32 s28, $0x1;
	[dreg:$0x2] =	wrdreg s5  }
0xaf: {  	[dreg:$0x3] =	wrdreg s7  }
0xb0: {  	[dreg:$0x4] =	wrdreg $0xC0  }
0xb1: {  	_ =	task [dreg:s9], $0x5FFFF  }
0xb2: {  	[dreg:$0x1] =	wrdreg $0xFFFFFFFF  }
0xb3: {  	[dreg:$0x0] =	wrdreg $0x60  }
0xb4: {  	[dreg:$0x2] =	wrdreg s16  }
0xb5: {  	[dreg:$0x3] =	wrdreg s24  }
0xb6: {  	[dreg:$0x4] =	wrdreg s18  }
0xb7: {  	[dreg:$0x5] =	wrdreg s17  }
0xb8: {  	[dreg:$0x6] =	wrdreg $0x8FC00  }
0xb9: {  	[dreg:$0x7] =	wrdreg $0x9  }
0xba: {  	_ =	task.clear_ibuf [dreg:s9], $0x8FFFF;
	_ =	strace $0x9000004C  }
0xbb: {  	s29 =	simm.s32 $0x9;
	_ =	strace $0x8000004E  }
0xbc: {  	_ =	swait.ge [sflag:s29], $0x1  }
0xbd: {  	[sflag:s29] =	ssyncadd.s32 $0xFFFFFFFF  }
0xbe: {  	_ =	strace $0x9000004E  }
0xbf: {  	_ =	sfence  }
0xc0: {  	s30 =	sld [smem:$0x0];
	_ =	sdelay $0x2  }
0xc1: {  	s31 =	sshll.u32 s1, $0xD;
	s1 =	sshrl.u32 s1, $0x2  }
0xc2: {  	s3 =	sand.u32 $0x4000, s31;
	s1 =	sadd.s32 s1, s30  }
0xc3: {  	s0 =	sor.u32 s3, s0;
	s1 =	sshll.u32 s1, $0x11  }
0xc4: {  	s0 =	sor.u32 s1, s0  }
0xc5: {  	s0 =	sadd.s32 $0x8F2B, s0  }
0xc6: {  	[sflag:s0] =	ssyncadd.remote.s32 $0x1  }
0xc7: {  	_ =	sfence.sel $0xFFFF  }
0xc8: {  	[dreg:$0x0] =	wrdreg $0xFFFFFFFF;
	(pc) =	sbr.abs _section_cstart, $3  }
0xc9: {  	[dreg:$0x1] =	wrdreg $0xFFFFFFFF  }
0xca: {  	_ =	task.clear_ibuf [dreg:s9], $0x2FFFF;
	_ =	strace $0x9FFFFFFF  }
0xcb: {  	(tm) =	ssettm $0x7FFFFFFF  }
tec
execute0_lowered:
.L_overlay_start_1:
0x0: {  	(tag) =	ssettag $0x1  }
0x1: {  	s0 =	rddreg [dreg:$0x0]  }
0x2: {  	s1 =	rddreg [dreg:$0x1]  }
0x3: {  	s2 =	srdreg.scid;
	s3 =	rddreg [dreg:$0x3]  }
0x4: {  	s10 =	stileid.u32;
	s4 =	rddreg [dreg:$0x4];
	s14 =	simm.s32 $0x64  }
0x5: {  	s15 =	simm.s32 $0x5140;
	s17 =	simm.s32 $0x5DC0;
	s19 =	simm.s32 $0x6A40  }
0x6: {  	s21 =	simm.s32 $0x76C0;
	s23 =	simm.s32 $0x8340;
	s28 =	simm.s32 $0x4  }
0x7: {  	s29 =	simm.s32 $0x5;
	s30 =	simm.s32 $0x6;
	s31 =	simm.s32 $0x7  }
0x8: {  	s22 =	simm.s32 $0x50D8;
	s11 =	simm.s32 $0x0;
	s2 =	sand.u32 $0x1, s2  }
0x9: {  	s8 =	smul.u32 $0x4F00, s10;
	s26 =	sshll.u32 s10, $0x6;
	s5 =	sshll.u32 s2, $0x4  }
0xa: {  	s7 =	ssub.s32 $0x2, s2;
	s2 =	smul.u32 $0x4F000, s2;
	s12 =	sor.u32 $0x1C0B, s26  }
0xb: {  	s26 =	simm.s32 $0x3;
	s6 =	sor.u32 s10, s5;
	s5 =	simm.s32 $0x0  }
0xc: {  	s24 =	sshrl.u32 s7, $0x1;
	s25 =	sadd.s32 s8, s4;
	s10 =	simm.s32 $0xB  }
0xd: {  	s6 =	smul.u32 $0x28A0, s6;
	[smem:$0x7FF] =	sst s5;
	s9 =	ssub.s32 s7, s24  }
0xe: {  	s2 =	sadd.s32 s8, s2;
	s13 =	sshrl.u32 s25, $0x3;
	s24 =	simm.s32 $0x1  }
0xf: {  	s25 =	simm.s32 $0x2;
	_ =	strace $0x8000004D;
	s2 =	sshrl.u32 s2, $0x3  }
0x10: {  	s9 =	smax.u32 s9, $0x1;
	s6 =	sshrl.u32 s6, $0x3;
	s8 =	sadd.s32 s3, s2  }
0x11: {  	s3 =	simm.s32 $0x8;
	s2 =	simm.s32 $0xA;
	s1 =	sadd.s32 s6, s1  }
0x12: {  	s6 =	sadd.s32 $0x3200, s1;
	s7 =	sadd.s32 $0xD480, s1;
	s1 =	simm.s32 $0x9  }
.LBB2_1:
0x13: {  	[tilespmem:s5], [sflag:$0xB] =	stream.linear.gather [hbm4b:s6+s5], $0x28A0, $0x38;
	[tilespmem:$0xDEC0] =	vst v63  }
0x14: {  	_ =	swait.ge [sflag:s10], $0x28A0  }
0x15: {  	[sflag:s10] =	ssyncset.done $0x0  }
0x16: {  	s16 =	simm.s32 $0x28A0;
	[sflag:s10] =	ssyncadd.s32 $0xFFFFD760  }
0x17: {  	[tilespmem:s16], [sflag:$0xB] =	stream.linear.gather [hbm4b:s7+s5], $0x28A0, $0x38;
	[tilespmem:$0xDEC0] =	vst v63  }
0x18: {  	_ =	swait.ge [sflag:s10], $0x28A0  }
0x19: {  	[sflag:s10] =	ssyncset.done $0x0  }
0x1a: {  	[sflag:s10] =	ssyncadd.s32 $0xFFFFD760  }
0x1b: {  	s18 =	rddreg [dreg:$0x2]  }
0x1c: {  	[spmem:s13], [sflag:s12] =	dma.local [hbm:s18], $0x9E0  }
0x1d: {  	_ =	swait.ge [sflag:s10], $0x9E0  }
0x1e: {  	[sflag:s10] =	ssyncset.done $0x0  }
0x1f: {  	[sflag:s10] =	ssyncadd.s32 $0xFFFFF620  }
0x20: {  	[bflag:$0x0] =	sbarrier.arrive $0xFFFF  }
0x21: {  	[tilespmem:s15], [sflag:$0x1] =	stream.indirect.gather [hbm4b:s0+s14], $0x20, s5, s14, $0xb8;
	[tilespmem:$0xDEC0] =	vst v63  }
0x22: {  	s20 =	simm.s32 $0x68  }
0x23: {  	[tilespmem:s17], [sflag:$0x2] =	stream.indirect.gather [hbm4b:s0+s14], $0x20, s20, s14, $0xb8;
	[tilespmem:$0xDEC0] =	vst v63  }
0x24: {  	s18 =	simm.s32 $0xD0  }
0x25: {  	[tilespmem:s19], [sflag:$0x3] =	stream.indirect.gather [hbm4b:s0+s14], $0x20, s18, s14, $0xb8;
	[tilespmem:$0xDEC0] =	vst v63  }
0x26: {  	s20 =	simm.s32 $0x138  }
0x27: {  	[tilespmem:s21], [sflag:$0x4] =	stream.indirect.gather [hbm4b:s0+s14], $0x20, s20, s14, $0xb8;
	[tilespmem:$0xDEC0] =	vst v63  }
0x28: {  	s18 =	simm.s32 $0x1A0  }
0x29: {  	[tilespmem:s23], [sflag:$0x5] =	stream.indirect.gather [hbm4b:s0+s14], $0x20, s18, s14, $0xb8;
	[tilespmem:$0xDEC0] =	vst v63  }
0x2a: {  	_ =	swait.ge [sflag:s24], $0xC80  }
0x2b: {  	[sflag:s24] =	ssyncset.done $0x0  }
0x2c: {  	s20 =	simm.s32 $0x28A0;
	[sflag:s24] =	ssyncadd.s32 $0xFFFFF380  }
0x2d: {  	[spmem:s4] =	stream.indirect.scatter.add.f32 [tilespmem:s15], [sflag:$0x6], $0x20, s20, s14, $0xb8;
	[tilespmem:$0xDEC0] =	vst v63  }
0x2e: {  	_ =	swait.ge [sflag:s25], $0xC80  }
0x2f: {  	[sflag:s25] =	ssyncset.done $0x0  }
0x30: {  	s18 =	simm.s32 $0x2908;
	[sflag:s25] =	ssyncadd.s32 $0xFFFFF380  }
0x31: {  	[spmem:s4] =	stream.indirect.scatter.add.f32 [tilespmem:s17], [sflag:$0x7], $0x20, s18, s14, $0xb8;
	[tilespmem:$0xDEC0] =	vst v63  }
0x32: {  	_ =	swait.ge [sflag:s26], $0xC80  }
0x33: {  	[sflag:s26] =	ssyncset.done $0x0  }
0x34: {  	s20 =	simm.s32 $0x2970;
	[sflag:s26] =	ssyncadd.s32 $0xFFFFF380  }
0x35: {  	[spmem:s4] =	stream.indirect.scatter.add.f32 [tilespmem:s19], [sflag:$0x8], $0x20, s20, s14, $0xb8;
	[tilespmem:$0xDEC0] =	vst v63  }
0x36: {  	_ =	swait.ge [sflag:s28], $0xC80  }
0x37: {  	[sflag:s28] =	ssyncset.done $0x0  }
0x38: {  	s18 =	simm.s32 $0x29D8;
	[sflag:s28] =	ssyncadd.s32 $0xFFFFF380  }
0x39: {  	[spmem:s4] =	stream.indirect.scatter.add.f32 [tilespmem:s21], [sflag:$0x9], $0x20, s18, s14, $0xb8;
	[tilespmem:$0xDEC0] =	vst v63  }
0x3a: {  	_ =	swait.ge [sflag:s29], $0xC80  }
0x3b: {  	[sflag:s29] =	ssyncset.done $0x0  }
0x3c: {  	s20 =	simm.s32 $0x2A40;
	[sflag:s29] =	ssyncadd.s32 $0xFFFFF380  }
0x3d: {  	[spmem:s4] =	stream.indirect.scatter.add.f32 [tilespmem:s23], [sflag:$0xA], $0x20, s20, s14, $0xb8;
	[tilespmem:$0xDEC0] =	vst v63  }
0x3e: {  	_ =	swait.ge [sflag:s30], $0xC80  }
0x3f: {  	[sflag:s30] =	ssyncset.done $0x0  }
0x40: {  	s18 =	simm.s32 $0x208;
	[sflag:s30] =	ssyncadd.s32 $0xFFFFF380  }
0x41: {  	[tilespmem:s15], [sflag:$0x1] =	stream.indirect.gather [hbm4b:s0+s14], $0x20, s18, s14, $0xb8;
	[tilespmem:$0xDEC0] =	vst v63  }
0x42: {  	_ =	swait.ge [sflag:s31], $0xC80  }
0x43: {  	[sflag:s31] =	ssyncset.done $0x0  }
0x44: {  	s20 =	simm.s32 $0x270;
	[sflag:s31] =	ssyncadd.s32 $0xFFFFF380  }
0x45: {  	[tilespmem:s17], [sflag:$0x2] =	stream.indirect.gather [hbm4b:s0+s14], $0x20, s20, s14, $0xb8;
	[tilespmem:$0xDEC0] =	vst v63  }
0x46: {  	_ =	swait.ge [sflag:s3], $0xC80  }
0x47: {  	[sflag:s3] =	ssyncset.done $0x0  }
0x48: {  	s18 =	simm.s32 $0x2D8;
	[sflag:s3] =	ssyncadd.s32 $0xFFFFF380  }
0x49: {  	[tilespmem:s19], [sflag:$0x3] =	stream.indirect.gather [hbm4b:s0+s14], $0x20, s18, s14, $0xb8;
	[tilespmem:$0xDEC0] =	vst v63  }
0x4a: {  	_ =	swait.ge [sflag:s1], $0xC80  }
0x4b: {  	[sflag:s1] =	ssyncset.done $0x0  }
0x4c: {  	s20 =	simm.s32 $0x340;
	[sflag:s1] =	ssyncadd.s32 $0xFFFFF380  }
0x4d: {  	[tilespmem:s21], [sflag:$0x4] =	stream.indirect.gather [hbm4b:s0+s14], $0x20, s20, s14, $0xb8;
	[tilespmem:$0xDEC0] =	vst v63  }
0x4e: {  	_ =	swait.ge [sflag:s2], $0xC80  }
0x4f: {  	[sflag:s2] =	ssyncset.done $0x0  }
0x50: {  	s16 =	simm.s32 $0x820;
	s18 =	simm.s32 $0x3A8;
	[sflag:s2] =	ssyncadd.s32 $0xFFFFF380  }
.LBB2_2:
0x51: {  	[tilespmem:s23], [sflag:$0x5] =	stream.indirect.gather [hbm4b:s0+s14], $0x20, s18, s14, $0xb8;
	[tilespmem:$0xDEC0] =	vst v63  }
0x52: {  	s18 =	smov.u32 s16  }
0x53: {  	p0 =	sne.s32 s16, $0x9240;
	s16 =	sadd.s32 $0x820, s16;
	_ =	swait.ge [sflag:s24], $0xC80  }
0x54: {  	s18 =	sshra.s32 s18, $0x2;
	[sflag:s24] =	ssyncset.done $0x0  }
0x55: {  	s20 =	sadd.s32 $0x28A0, s18;
	[sflag:s24] =	ssyncadd.s32 $0xFFFFF380  }
0x56: {  	[spmem:s4] =	stream.indirect.scatter.add.f32 [tilespmem:s15], [sflag:$0x6], $0x20, s20, s14, $0xb8;
	[tilespmem:$0xDEC0] =	vst v63  }
0x57: {  	_ =	swait.ge [sflag:s25], $0xC80  }
0x58: {  	[sflag:s25] =	ssyncset.done $0x0  }
0x59: {  	s20 =	sadd.s32 $0x2908, s18;
	[sflag:s25] =	ssyncadd.s32 $0xFFFFF380  }
0x5a: {  	[spmem:s4] =	stream.indirect.scatter.add.f32 [tilespmem:s17], [sflag:$0x7], $0x20, s20, s14, $0xb8;
	[tilespmem:$0xDEC0] =	vst v63  }
0x5b: {  	_ =	swait.ge [sflag:s26], $0xC80  }
0x5c: {  	[sflag:s26] =	ssyncset.done $0x0  }
0x5d: {  	s20 =	sadd.s32 $0x2970, s18;
	[sflag:s26] =	ssyncadd.s32 $0xFFFFF380  }
0x5e: {  	[spmem:s4] =	stream.indirect.scatter.add.f32 [tilespmem:s19], [sflag:$0x8], $0x20, s20, s14, $0xb8;
	[tilespmem:$0xDEC0] =	vst v63  }
0x5f: {  	_ =	swait.ge [sflag:s28], $0xC80  }
0x60: {  	[sflag:s28] =	ssyncset.done $0x0  }
0x61: {  	s20 =	sadd.s32 $0x29D8, s18;
	[sflag:s28] =	ssyncadd.s32 $0xFFFFF380  }
0x62: {  	[spmem:s4] =	stream.indirect.scatter.add.f32 [tilespmem:s21], [sflag:$0x9], $0x20, s20, s14, $0xb8;
	[tilespmem:$0xDEC0] =	vst v63  }
0x63: {  	_ =	swait.ge [sflag:s29], $0xC80  }
0x64: {  	[sflag:s29] =	ssyncset.done $0x0  }
0x65: {  	s20 =	sadd.s32 $0x2A40, s18;
	[sflag:s29] =	ssyncadd.s32 $0xFFFFF380  }
0x66: {  	[spmem:s4] =	stream.indirect.scatter.add.f32 [tilespmem:s23], [sflag:$0xA], $0x20, s20, s14, $0xb8;
	[tilespmem:$0xDEC0] =	vst v63  }
0x67: {  	_ =	swait.ge [sflag:s30], $0xC80  }
0x68: {  	[sflag:s30] =	ssyncset.done $0x0  }
0x69: {  	s20 =	sadd.s32 $0x208, s18;
	[sflag:s30] =	ssyncadd.s32 $0xFFFFF380  }
0x6a: {  	[tilespmem:s15], [sflag:$0x1] =	stream.indirect.gather [hbm4b:s0+s14], $0x20, s20, s14, $0xb8;
	[tilespmem:$0xDEC0] =	vst v63  }
0x6b: {  	_ =	swait.ge [sflag:s31], $0xC80  }
0x6c: {  	[sflag:s31] =	ssyncset.done $0x0  }
0x6d: {  	s20 =	sadd.s32 $0x270, s18;
	[sflag:s31] =	ssyncadd.s32 $0xFFFFF380  }
0x6e: {  	[tilespmem:s17], [sflag:$0x2] =	stream.indirect.gather [hbm4b:s0+s14], $0x20, s20, s14, $0xb8;
	[tilespmem:$0xDEC0] =	vst v63  }
0x6f: {  	_ =	swait.ge [sflag:s3], $0xC80  }
0x70: {  	[sflag:s3] =	ssyncset.done $0x0  }
0x71: {  	s20 =	sadd.s32 $0x2D8, s18;
	[sflag:s3] =	ssyncadd.s32 $0xFFFFF380  }
0x72: {  	[tilespmem:s19], [sflag:$0x3] =	stream.indirect.gather [hbm4b:s0+s14], $0x20, s20, s14, $0xb8;
	[tilespmem:$0xDEC0] =	vst v63  }
0x73: {  	_ =	swait.ge [sflag:s1], $0xC80  }
0x74: {  	[sflag:s1] =	ssyncset.done $0x0  }
.Ltmp0:
0x75: {  	s20 =	sadd.s32 $0x340, s18;
	[sflag:s1] =	ssyncadd.s32 $0xFFFFF380;
	(pc) =	sbr.rel @p0 .LBB2_2-.Ltmp0, $4  }
0x76: {  	[tilespmem:s21], [sflag:$0x4] =	stream.indirect.gather [hbm4b:s0+s14], $0x20, s20, s14, $0xb8;
	[tilespmem:$0xDEC0] =	vst v63  }
0x77: {  	_ =	swait.ge [sflag:s2], $0xC80  }
0x78: {  	[sflag:s2] =	ssyncset.done $0x0  }
0x79: {  	s18 =	sadd.s32 $0x3A8, s18;
	[sflag:s2] =	ssyncadd.s32 $0xFFFFF380  }
0x7a: {  	[tilespmem:s23], [sflag:$0x5] =	stream.indirect.gather [hbm4b:s0+s14], $0x20, s18, s14, $0xb8;
	[tilespmem:$0xDEC0] =	vst v63  }
0x7b: {  	_ =	swait.ge [sflag:s24], $0xC80  }
0x7c: {  	[sflag:s24] =	ssyncset.done $0x0  }
0x7d: {  	s16 =	simm.s32 $0x4F38;
	[sflag:s24] =	ssyncadd.s32 $0xFFFFF380  }
0x7e: {  	[spmem:s4] =	stream.indirect.scatter.add.f32 [tilespmem:s15], [sflag:$0x6], $0x20, s16, s14, $0xb8;
	[tilespmem:$0xDEC0] =	vst v63  }
0x7f: {  	_ =	swait.ge [sflag:s25], $0xC80  }
0x80: {  	[sflag:s25] =	ssyncset.done $0x0  }
0x81: {  	s20 =	simm.s32 $0x4FA0;
	[sflag:s25] =	ssyncadd.s32 $0xFFFFF380  }
0x82: {  	[spmem:s4] =	stream.indirect.scatter.add.f32 [tilespmem:s17], [sflag:$0x7], $0x20, s20, s14, $0xb8;
	[tilespmem:$0xDEC0] =	vst v63  }
0x83: {  	_ =	swait.ge [sflag:s26], $0xC80  }
0x84: {  	[sflag:s26] =	ssyncset.done $0x0  }
0x85: {  	s18 =	simm.s32 $0x5008;
	[sflag:s26] =	ssyncadd.s32 $0xFFFFF380  }
0x86: {  	[spmem:s4] =	stream.indirect.scatter.add.f32 [tilespmem:s19], [sflag:$0x8], $0x20, s18, s14, $0xb8;
	[tilespmem:$0xDEC0] =	vst v63  }
0x87: {  	_ =	swait.ge [sflag:s28], $0xC80  }
0x88: {  	[sflag:s28] =	ssyncset.done $0x0  }
0x89: {  	s20 =	simm.s32 $0x5070;
	[sflag:s28] =	ssyncadd.s32 $0xFFFFF380  }
0x8a: {  	[spmem:s4] =	stream.indirect.scatter.add.f32 [tilespmem:s21], [sflag:$0x9], $0x20, s20, s14, $0xb8;
	[tilespmem:$0xDEC0] =	vst v63  }
0x8b: {  	_ =	swait.ge [sflag:s29], $0xC80  }
0x8c: {  	[sflag:s29] =	ssyncset.done $0x0  }
0x8d: {  	[sflag:s29] =	ssyncadd.s32 $0xFFFFF380  }
0x8e: {  	[spmem:s4] =	stream.indirect.scatter.add.f32 [tilespmem:s23], [sflag:$0xA], $0x20, s22, s14, $0xb8;
	[tilespmem:$0xDEC0] =	vst v63  }
0x8f: {  	_ =	swait.ge [sflag:s30], $0xC80  }
0x90: {  	[sflag:s30] =	ssyncset.done $0x0  }
0x91: {  	[sflag:s30] =	ssyncadd.s32 $0xFFFFF380  }
0x92: {  	_ =	swait.ge [sflag:s31], $0xC80  }
0x93: {  	[sflag:s31] =	ssyncset.done $0x0  }
0x94: {  	[sflag:s31] =	ssyncadd.s32 $0xFFFFF380  }
0x95: {  	_ =	swait.ge [sflag:s3], $0xC80  }
0x96: {  	[sflag:s3] =	ssyncset.done $0x0  }
0x97: {  	[sflag:s3] =	ssyncadd.s32 $0xFFFFF380  }
0x98: {  	_ =	swait.ge [sflag:s1], $0xC80  }
0x99: {  	[sflag:s1] =	ssyncset.done $0x0  }
0x9a: {  	[sflag:s1] =	ssyncadd.s32 $0xFFFFF380  }
0x9b: {  	_ =	swait.ge [sflag:s2], $0xC80  }
0x9c: {  	s11 =	sadd.s32 $0x1, s11;
	[sflag:s2] =	ssyncset.done $0x0  }
0x9d: {  	p0 =	sne.s32 s11, s9;
	[sflag:s2] =	ssyncadd.s32 $0xFFFFF380  }
.Ltmp1:
0x9e: {  	[bflag:$0x0] =	sbarrier.arrive $0xFFFF;
	(pc) =	sbr.rel @p0 .LBB2_1-.Ltmp1, $4  }
0x9f: {  	[hbm:s8], [sflag:s12] =	dma.local [spmem:s13], $0x9E0  }
0xa0: {  	_ =	swait.ge [sflag:s10], $0x9E0  }
0xa1: {  	[sflag:s10] =	ssyncset.done $0x0  }
0xa2: {  	[sflag:s10] =	ssyncadd.s32 $0xFFFFF620  }
0xa3: {  	_ =	sfence.sel $0x180000  }
0xa4: {  	[bflag:$0x0] =	sbarrier.arrive $0xFFFF  }
0xa5: {  	_ =	strace $0x9000004D  }
0xa6: {  	s0 =	stileid.u32;
	[bflag:$0x2] =	sbarrier.arrive $0xFFFF  }
0xa7: {  	p0 =	sne.s32 s0, $0x0;
	s0 =	rddreg [dreg:$0x5]  }
0xa8: {  	s0 =	sadd.s32 @!p0 $0x100000, s0  }
0xa9: {  	[sflag:s0] =	ssyncadd.tile.s32 @!p0 $0x1;
	_ =	shalt  }
.Lfunc_end2:
_tile_overlayer_lowered:
.L_overlay_start_2:
0xaa: {  	(tag) =	ssettag $0x2  }
0xab: {  	s0 =	rddreg [dreg:$0x0];
	s2 =	stileid.u32  }
0xac: {  	s1 =	rddreg [dreg:$0x1];
	p0 =	sne.s32 s2, $0x0  }
0xad: {  	s3 =	rddreg [dreg:$0x2];
	[bflag:$0x3] =	sbarrier.arrive $0xFFFF;
	s2 =	simm.s32 @!p0 $0x1C0B  }
0xae: {  	[timem:s3], [sflag:s2] =	dma.local @!p0 [hbm:s0], s1  }
0xaf: {  	s0 =	simm.s32 @!p0 $0xB  }
0xb0: {  	_ =	swait.ge @!p0 [sflag:s0], s1  }
0xb1: {  	s1 =	ssub.s32 @!p0 $0x0, s1;
	[sflag:s0] =	ssyncset.done @!p0 $0x0  }
0xb2: {  	[sflag:s0] =	ssyncadd.s32 @!p0 s1  }
0xb3: {  	[bflag:$0x3] =	sbarrier.arrive $0xFFFF  }
0xb4: {  	_ =	shalt  }

// kernel: kernel.19.cloned.1.call-start
scs
__scs_entry_jumppad:
0x0: {  	(pc) =	sbr.rel $0x88, $3  }
0x1: {  	(tag) =	ssettag $0x0;
	lr =	simm.s32 $0x1  }
0x2: {  	[smem:$0x3F94] =	sst lr;
	_ =	strace $0xD0000000  }
0x3: {  	_ = 	snop  }
0x4: {  	_ = 	snop  }
0x5: {  	_ = 	snop  }
0x6: {  	_ = 	snop  }
0x7: {  	_ = 	snop  }
__scs_overlays_trampoline_lowered:
0x8: {  	[smem:$0x3FA3] =	sst s0  }
0x9: {  	[smem:$0x3FA4] =	sst s1  }
0xa: {  	[smem:$0x3FA5] =	sst s2  }
0xb: {  	[smem:$0x3FA6] =	sst s3  }
0xc: {  	[smem:$0x3FA7] =	sst s4  }
0xd: {  	[smem:$0x3FA8] =	sst s5  }
0xe: {  	[smem:$0x3FA9] =	sst s6  }
0xf: {  	[smem:$0x3FAA] =	sst s7  }
0x10: {  	[smem:$0x3FAB] =	sst s8  }
0x11: {  	[smem:$0x3FAC] =	sst s9;
	s0 =	simm.s32 @!p0 $0x0  }
0x12: {  	s1 =	sld [smem:$0x3F92];
	s0 =	simm.s32 @p0 $0x1  }
0x13: {  	[smem:$0x3FAD] =	sst s0;
	s0 =	simm.s32 @!p1 $0x0  }
0x14: {  	s2 =	sld [smem:$0x3F91];
	s0 =	simm.s32 @p1 $0x1  }
0x15: {  	[smem:$0x3FAE] =	sst s0;
	s0 =	simm.s32 @!p2 $0x0  }
0x16: {  	s3 =	sld [smem:$0x3FDB];
	s0 =	simm.s32 @p2 $0x1  }
0x17: {  	s4 =	simm.s32 $0x1BF5;
	[smem:$0x3FB0] =	sst s0  }
0x18: {  	s0 =	sld [smem:$0x3F93];
	_ =	swait.ge [sflag:s4], $0x0  }
0x19: {  	s7 =	sld [smem:$0x3F94]  }
0x1a: {  	s8 =	sadd.s32 $0xFFFFE003, lr  }
0x1b: {  	s9 =	sadd.s32 $0xFFFFFEF7, lr;
	s5 =	simm.s32 $0xFFFFFFFF;
	p2 =	slt.u32 s8, $0xFFFFF086  }
0x1c: {  	p1 =	slt.u32 s9, $0xF7A;
	s5 =	simm.s32 @!p2 $0x0  }
0x1d: {  	s5 =	simm.s32 @p1 $0x1;
	p0 =	seq.s32 s7, s2  }
0x1e: {  	s7 =	smul.u32 @!p0 $0xF7A, s2;
	p2 =	seq.s32 @!p0 s5, $0x0  }
0x1f: {  	s9 =	smul.u32 $0xF7A, s1;
	s8 =	simm.s32 @!p0 $0x1BF5;
	p2 =	por !p2, p0  }
0x20: {  	[sflag:s8] =	ssyncset.s32 @!p0 $0xFFFFF086;
	s6 =	sadd.s32 @!p0 s3, s7;
	s7 =	simm.s32 @!p0 $0x108  }
0x21: {  	s3 =	sadd.s32 s3, s9;
	s6 =	sadd.s32 @!p0 $0x88, s6;
	s7 =	simm.s32 @p2 $0x1082  }
0x22: {  	[simem:s7], [sflag:s8] =	dma.local @!p0 [hbm:s6], $0xF7A  }
0x23: {  	s9 =	sor.u32 $0xD0000000, s2;
	s6 =	simm.s32 $0x108;
	_ =	swait.ge @!p0 [sflag:s8], $0x0  }
0x24: {  	s3 =	sadd.s32 $0x88, s3;
	s6 =	simm.s32 @!p1 $0x1082;
	[sflag:s4] =	ssyncset.s32 $0xFFFFF086  }
0x25: {  	[simem:s6], [sflag:s4] =	dma.local [hbm:s3], $0xF7A  }
0x26: {  	[smem:$0x3F94] =	sst s1;
	(tag) =	ssettag s2;
	_ =	strace s9  }
0x27: {  	s1 =	sld [smem:$0x3FA4]  }
0x28: {  	s2 =	sld [smem:$0x3FA5]  }
0x29: {  	s4 =	sld [smem:$0x3FA7]  }
0x2a: {  	p0 =	seq.s32 s5, $0x0;
	s5 =	sld [smem:$0x3FA8]  }
0x2b: {  	s6 =	sld [smem:$0x3FA9]  }
0x2c: {  	s7 =	sld [smem:$0x3FAA]  }
0x2d: {  	s3 =	simm.s32 $0x108;
	s8 =	sld [smem:$0x3FAB]  }
0x2e: {  	s3 =	simm.s32 @!p0 $0x1082;
	s9 =	sld [smem:$0x3FAC]  }
0x2f: {  	lr =	sadd.s32 s0, s3;
	s0 =	sld [smem:$0x3FA3]  }
0x30: {  	s3 =	sld [smem:$0x3FA6]  }
0x31: {  	[smem:$0x3FAF] =	sst s10  }
0x32: {  	s10 =	sld [smem:$0x3FAD];
	_ =	sdelay $0x3  }
0x33: {  	p0 =	seq.s32 s10, $0x1;
	s10 =	sld [smem:$0x3FAF];
	_ =	sdelay $0x3  }
0x34: {  	[smem:$0x3FAF] =	sst s10  }
0x35: {  	s10 =	sld [smem:$0x3FAE];
	_ =	sdelay $0x3  }
0x36: {  	p1 =	seq.s32 s10, $0x1;
	s10 =	sld [smem:$0x3FAF];
	_ =	sdelay $0x3  }
0x37: {  	[smem:$0x3FAF] =	sst s10  }
0x38: {  	s10 =	sld [smem:$0x3FB0]  }
0x39: {  	_ = 	snop;
	(pc) =	sbr.ind lr, $3  }
0x3a: {  	_ = 	snop  }
0x3b: {  	_ = 	snop  }
0x3c: {  	p2 =	seq.s32 s10, $0x1;
	s10 =	sld [smem:$0x3FAF]  }
0x3d: {  	_ =	shalt  }
0x3e: {  	_ =	shalt  }
0x3f: {  	_ =	shalt  }
0x40: {  	_ =	shalt  }
0x41: {  	_ =	shalt  }
0x42: {  	_ =	shalt  }
0x43: {  	_ =	shalt  }
0x44: {  	_ =	shalt  }
0x45: {  	_ =	shalt  }
0x46: {  	_ =	shalt  }
0x47: {  	_ =	shalt  }
0x48: {  	_ =	shalt  }
0x49: {  	_ =	shalt  }
0x4a: {  	_ =	shalt  }
0x4b: {  	_ =	shalt  }
0x4c: {  	_ =	shalt  }
0x4d: {  	_ =	shalt  }
0x4e: {  	_ =	shalt  }
0x4f: {  	_ =	shalt  }
0x50: {  	_ =	shalt  }
0x51: {  	_ =	shalt  }
0x52: {  	_ =	shalt  }
0x53: {  	_ =	shalt  }
0x54: {  	_ =	shalt  }
0x55: {  	_ =	shalt  }
0x56: {  	_ =	shalt  }
0x57: {  	_ =	shalt  }
0x58: {  	_ =	shalt  }
0x59: {  	_ =	shalt  }
0x5a: {  	_ =	shalt  }
0x5b: {  	_ =	shalt  }
0x5c: {  	_ =	shalt  }
0x5d: {  	_ =	shalt  }
0x5e: {  	_ =	shalt  }
0x5f: {  	_ =	shalt  }
0x60: {  	_ =	shalt  }
0x61: {  	_ =	shalt  }
0x62: {  	_ =	shalt  }
0x63: {  	_ =	shalt  }
0x64: {  	_ =	shalt  }
0x65: {  	_ =	shalt  }
0x66: {  	_ =	shalt  }
0x67: {  	_ =	shalt  }
0x68: {  	_ =	shalt  }
0x69: {  	_ =	shalt  }
0x6a: {  	_ =	shalt  }
0x6b: {  	_ =	shalt  }
0x6c: {  	_ =	shalt  }
0x6d: {  	_ =	shalt  }
0x6e: {  	_ =	shalt  }
0x6f: {  	_ =	shalt  }
0x70: {  	_ =	shalt  }
0x71: {  	_ =	shalt  }
0x72: {  	_ =	shalt  }
0x73: {  	_ =	shalt  }
0x74: {  	_ =	shalt  }
0x75: {  	_ =	shalt  }
0x76: {  	_ =	shalt  }
0x77: {  	_ =	shalt  }
0x78: {  	_ =	shalt  }
0x79: {  	_ =	shalt  }
0x7a: {  	_ =	shalt  }
0x7b: {  	_ =	shalt  }
0x7c: {  	_ =	shalt  }
0x7d: {  	_ =	shalt  }
0x7e: {  	_ =	shalt  }
0x7f: {  	_ =	shalt  }
0x80: {  	_ =	shalt  }
0x81: {  	_ =	shalt  }
0x82: {  	_ =	shalt  }
0x83: {  	_ =	shalt  }
0x84: {  	_ =	shalt  }
0x85: {  	_ =	shalt  }
0x86: {  	_ =	shalt  }
0x87: {  	_ =	shalt  }
.Lfunc_end0:
.L_simem_size_0:
called_computation.3_lowered:
.L_overlay_start_0:
0x88: {  	s2 =	sld [smem:$0x3FD9]  }
0x89: {  	s3 =	sld [smem:$0x3FFE];
	_ =	sdelay $0x1  }
0x8a: {  	s1 =	srdreg.scid  }
0x8b: {  	s0 =	sand.u32 $0x1, s1  }
0x8c: {  	s14 =	sshll.u32 s0, $0xA;
	s2 =	sadd.s32 s3, s2  }
0x8d: {  	s2 =	sadd.s32 s2, s14  }
0x8e: {  	[smem:$0x3FBB] =	sst s2  }
0x8f: {  	_ = 	snop  }
0x90: {  	s2 =	sld [smem:$0x3FD0];
	_ =	sdelay $0x2  }
0x91: {  	s15 =	simm.s32 $0xA;
	s4 =	simm.s32 $0x10  }
0x92: {  	[smem:s4], [sflag:s15] =	dma.local [hbm:s2], $0x1  }
0x93: {  	_ =	swait.eq [sflag:s15], $0x1  }
0x94: {  	[sflag:s15] =	ssyncset.done $0x0  }
0x95: {  	[sflag:s15] =	ssyncadd.s32 $0xFFFFFFFF  }
0x96: {  	s16 =	sld [smem:$0x10];
	(tm) =	ssettm $0x1  }
0x97: {  	s17 =	sld [smem:$0x3FFB];
	_ =	sdelay $0x3  }
0x98: {  	_ =	strace s17  }
0x99: {  	s3 =	sld [smem:$0x3FFC];
	_ =	sdelay $0x3  }
0x9a: {  	_ =	strace s3  }
0x9b: {  	s3 =	sld [smem:$0x3FFD];
	_ =	sdelay $0x3  }
0x9c: {  	_ =	strace s3  }
0x9d: {  	_ =	strace $0x8FFFFFFF  }
0x9e: {  	s18 =	sld [smem:$0x3FDB];
	_ =	sdelay $0x1  }
0x9f: {  	s19 =	simm.s32 $_scs_section_size  }
0xa0: {  	s5 =	simm.s32 $_size__tile_overlayer_lowered;
	s6 =	simm.s32 $_tile_overlayer_lowered  }
0xa1: {  	s22 =	simm.s32 $0x1BFF;
	s21 =	sshll.u32 s6, $0x1;
	s3 =	sadd.s32 s19, s18  }
0xa2: {  	s7 =	simm.s32 $0x0;
	s20 =	sshll.u32 s5, $0x1;
	s5 =	sadd.s32 s21, s3  }
0xa3: {  	[timem:s7], [sflag:s22] =	dma.local [hbm:s5], s20  }
0xa4: {  	_ =	swait.ge [sflag:s22], s20  }
0xa5: {  	s4 =	ssub.s32 $0x0, s20;
	[sflag:s22] =	ssyncset.done $0x0  }
0xa6: {  	[sflag:s22] =	ssyncadd.s32 s4;
	_ =	sdelay $0x1  }
0xa7: {  	s23 =	simm.s32 $0x1B8B  }
0xa8: {  	_ =	swait.ge [sflag:s23], $0x1  }
0xa9: {  	[sflag:s23] =	ssyncset.done $0x0  }
0xaa: {  	s25 =	simm.s32 $0x1B8E;
	s24 =	sld [smem:$0x3FFE];
	[sflag:s23] =	ssyncadd.s32 $0xFFFFFFFF  }
0xab: {  	s26 =	simm.s32 $execute0_lowered;
	[smem:$0x3FD2] =	sst s25  }
0xac: {  	s5 =	sshll.u32 s26, $0x1;
	_ =	strace $0x8000004F;
	[dreg:$0x1] =	wrdreg $0xFFFFFFFF  }
0xad: {  	s28 =	simm.s32 $_size_execute0_lowered;
	s3 =	sadd.s32 s3, s5;
	[dreg:$0x0] =	wrdreg $0x0  }
0xae: {  	s5 =	sshll.u32 s28, $0x1;
	[dreg:$0x2] =	wrdreg s3  }
0xaf: {  	[dreg:$0x3] =	wrdreg s5  }
0xb0: {  	[dreg:$0x4] =	wrdreg $0xC0  }
0xb1: {  	_ =	task [dreg:s7], $0x5FFFF  }
0xb2: {  	[dreg:$0x1] =	wrdreg $0xFFFFFFFF  }
0xb3: {  	[dreg:$0x0] =	wrdreg $0x60  }
0xb4: {  	[dreg:$0x2] =	wrdreg s16  }
0xb5: {  	[dreg:$0x3] =	wrdreg s24  }
0xb6: {  	[dreg:$0x4] =	wrdreg $0x9  }
0xb7: {  	_ =	task.clear_ibuf [dreg:s7], $0x5FFFF;
	_ =	strace $0x9000004F  }
0xb8: {  	s29 =	simm.s32 $0x9;
	_ =	strace $0x80000051  }
0xb9: {  	_ =	swait.ge [sflag:s29], $0x1  }
0xba: {  	[sflag:s29] =	ssyncadd.s32 $0xFFFFFFFF  }
0xbb: {  	_ =	strace $0x90000051  }
0xbc: {  	_ =	sfence  }
0xbd: {  	s30 =	sld [smem:$0x0];
	_ =	sdelay $0x2  }
0xbe: {  	s31 =	sshll.u32 s1, $0xD;
	s1 =	sshrl.u32 s1, $0x2  }
0xbf: {  	s3 =	sand.u32 $0x4000, s31;
	s1 =	sadd.s32 s1, s30  }
0xc0: {  	s0 =	sor.u32 s3, s0;
	s1 =	sshll.u32 s1, $0x11  }
0xc1: {  	s0 =	sor.u32 s1, s0  }
0xc2: {  	s0 =	sadd.s32 $0x8F2B, s0  }
0xc3: {  	[sflag:s0] =	ssyncadd.remote.s32 $0x1  }
0xc4: {  	_ =	sfence.sel $0xFFFF  }
0xc5: {  	[dreg:$0x0] =	wrdreg $0xFFFFFFFF;
	(pc) =	sbr.abs _section_cstart, $3  }
0xc6: {  	[dreg:$0x1] =	wrdreg $0xFFFFFFFF  }
0xc7: {  	_ =	task.clear_ibuf [dreg:s7], $0x2FFFF;
	_ =	strace $0x9FFFFFFF  }
0xc8: {  	(tm) =	ssettm $0x7FFFFFFF  }
0xc9: {  	_ =	shalt  }
tec
execute0_lowered:
.L_overlay_start_1:
0x0: {  	(tag) =	ssettag $0x1  }
0x1: {  	s0 =	srdreg.scid;
	s2 =	rddreg [dreg:$0x0]  }
0x2: {  	s3 =	stileid.u32;
	s5 =	rddreg [dreg:$0x1]  }
0x3: {  	s10 =	simm.s32 $0x7;
	s11 =	simm.s32 $0x28A0;
	s12 =	simm.s32 $0x64  }
0x4: {  	s16 =	simm.s32 $0x5DC0;
	s17 =	simm.s32 $0x2908;
	s18 =	simm.s32 $0x76C0  }
0x5: {  	s19 =	simm.s32 $0x1;
	s20 =	simm.s32 $0x3;
	s0 =	sand.u32 $0x1, s0  }
0x6: {  	s21 =	simm.s32 $0x8340;
	s22 =	simm.s32 $0x2;
	s1 =	sshll.u32 s0, $0x4  }
0x7: {  	s23 =	simm.s32 $0x4;
	s24 =	simm.s32 $0x8FC0;
	s1 =	sor.u32 s3, s1  }
0x8: {  	s25 =	simm.s32 $0x5;
	s26 =	simm.s32 $0x6;
	s4 =	smul.u32 $0x28A0, s1  }
0x9: {  	s28 =	simm.s32 $0x0;
	s0 =	ssub.s32 $0x2, s0;
	s3 =	simm.s32 $0x0  }
0xa: {  	s6 =	sshrl.u32 s0, $0x1;
	[smem:$0x7FF] =	sst s3;
	s4 =	sshrl.u32 s4, $0x3  }
0xb: {  	s0 =	ssub.s32 s0, s6;
	s7 =	sadd.s32 s4, s5;
	s4 =	smul.u32 $0x2710, s1  }
0xc: {  	_ =	strace $0x80000050;
	s9 =	smax.u32 s0, $0x1;
	s5 =	sadd.s32 $0x2BE00, s5  }
0xd: {  	s6 =	sadd.s32 $0x17800, s7;
	s7 =	sadd.s32 $0x21A80, s7;
	s8 =	sadd.s32 $0x64, s4  }
.LBB2_1:
0xe: {  	[tilespmem:s3], [sflag:$0x7] =	stream.linear.gather [hbm4b:s6+s3], $0x28A0, $0x38;
	[tilespmem:$0x9C40] =	vst v63  }
0xf: {  	_ =	swait.ge [sflag:s10], $0x28A0  }
0x10: {  	[sflag:s10] =	ssyncset.done $0x0  }
0x11: {  	[sflag:s10] =	ssyncadd.s32 $0xFFFFD760  }
0x12: {  	[tilespmem:s11], [sflag:$0x7] =	stream.linear.gather [hbm4b:s7+s3], $0x28A0, $0x38;
	[tilespmem:$0x9C40] =	vst v63  }
0x13: {  	_ =	swait.ge [sflag:s10], $0x28A0  }
0x14: {  	[sflag:s10] =	ssyncset.done $0x0  }
0x15: {  	s0 =	simm.s32 $0x5140;
	[sflag:s10] =	ssyncadd.s32 $0xFFFFD760  }
0x16: {  	[tilespmem:s0], [sflag:$0x1] =	stream.indirect.gather [hbm4b:s2+s12], $0x20, s3, s12, $0xb8;
	[tilespmem:$0x9C40] =	vst v63  }
0x17: {  	s30 =	simm.s32 $0x6A40  }
0x18: {  	[tilespmem:s30], [sflag:$0x3] =	stream.indirect.gather [hbm4b:s2+s12], $0x20, s11, s12, $0xb8;
	[tilespmem:$0x9C40] =	vst v63  }
0x19: {  	s31 =	simm.s32 $0x68  }
0x1a: {  	[tilespmem:s16], [sflag:$0x2] =	stream.indirect.gather [hbm4b:s2+s12], $0x20, s31, s12, $0xb8;
	[tilespmem:$0x9C40] =	vst v63  }
0x1b: {  	s29 =	simm.s32 $0x0  }
0x1c: {  	[tilespmem:s18], [sflag:$0x4] =	stream.indirect.gather [hbm4b:s2+s12], $0x20, s17, s12, $0xb8;
	[tilespmem:$0x9C40] =	vst v63  }
.LBB2_2:
0x1d: {  	_ =	swait.ge [sflag:s19], $0xC80  }
0x1e: {  	[sflag:s19] =	ssyncset.done $0x0  }
0x1f: {  	[sflag:s19] =	ssyncadd.s32 $0xFFFFF380  }
0x20: {  	_ =	swait.ge [sflag:s20], $0xC80  }
0x21: {  	p1 =	seq.s32 s29, $0x0;
	[sflag:s20] =	ssyncset.done $0x0  }
0x22: {  	s0 =	simm.s32 @!p1 $0x5;
	[sflag:s20] =	ssyncadd.s32 $0xFFFFF380  }
0x23: {  	_ =	swait.ge @!p1 [sflag:s0], $0xC80  }
0x24: {  	[sflag:s0] =	ssyncset.done @!p1 $0x0  }
0x25: {  	s13 =	simm.s32 $0x51C0;
	[sflag:s0] =	ssyncadd.s32 @!p1 $0xFFFFF380  }
0x26: {  	s1 =	simm.s32 $0x6AC0;
	v0 =	vld [tilespmem:s13+$0x60]  }
0x27: {  	v1 =	vld [tilespmem:s1+$0x60]  }
0x28: {  	v2 =	vld [tilespmem:s1+$0xFFFFFF80]  }
0x29: {  	v3 =	vld [tilespmem:s13+$0xFFFFFFA0]  }
0x2a: {  	v4 =	vld [tilespmem:s1+$0xFFFFFFA0]  }
0x2b: {  	v5 =	vld [tilespmem:s13+$0xFFFFFFC0]  }
0x2c: {  	v6 =	vld [tilespmem:s1+$0xFFFFFFC0]  }
0x2d: {  	v7 =	vld [tilespmem:s1+$0xFFFFFFE0]  }
0x2e: {  	v9 =	vld [tilespmem:s13+$0x0]  }
0x2f: {  	v10 =	vld [tilespmem:s1+$0x0]  }
0x30: {  	v11 =	vld [tilespmem:s13+$0x20]  }
0x31: {  	v12 =	vld [tilespmem:s1+$0x20]  }
0x32: {  	v13 =	vld [tilespmem:s1+$0x40];
	v0 =	vmul.f32 v1, v0  }
0x33: {  	s0 =	simm.s32 $0x83C0;
	v1 =	vld [tilespmem:s13+$0xFFFFFFE0];
	v3 =	vmul.f32 v4, v3  }
0x34: {  	v4 =	vld [tilespmem:s13+$0x40];
	[tilespmem:s0+$0x60] =	vst v0  }
0x35: {  	[tilespmem:s0+$0xFFFFFFA0] =	vst v3;
	v3 =	vmul.f32 v6, v5;
	v5 =	vld [tilespmem:s13+$0xFFFFFF80]  }
0x36: {  	v0 =	vld [tilespmem:s13+$0x70]  }
0x37: {  	v8 =	vld [tilespmem:s1+$0x70]  }
0x38: {  	v6 =	vld [tilespmem:s13+$0xFFFFFFB0]  }
0x39: {  	[tilespmem:s0+$0xFFFFFFC0] =	vst v3;
	v3 =	vld [tilespmem:s1+$0xFFFFFFB0];
	v1 =	vmul.f32 v7, v1  }
0x3a: {  	v7 =	vld [tilespmem:s13+$0xFFFFFFD0]  }
0x3b: {  	v61 =	vld [tilespmem:s1+$0xFFFFFFD0];
	[tilespmem:s0+$0xFFFFFFE0] =	vst v1;
	v1 =	vmul.f32 v10, v9  }
0x3c: {  	v2 =	vmul.f32 v2, v5;
	v5 =	vld [tilespmem:s13+$0xFFFFFFF0]  }
0x3d: {  	v62 =	vld [tilespmem:s1+$0xFFFFFFF0];
	[tilespmem:s0+$0x0] =	vst v1  }
0x3e: {  	v1 =	vmul.f32 v8, v0;
	[tilespmem:s0+$0xFFFFFF80] =	vst v2;
	v0 =	vld [tilespmem:s13+$0x10]  }
0x3f: {  	v2 =	vmul.f32 v12, v11;
	v8 =	vld [tilespmem:s13+$0xFFFFFF90]  }
0x40: {  	v63 =	vld [tilespmem:s1+$0xFFFFFF90];
	[tilespmem:s0+$0x70] =	vst v1;
	v1 =	vmul.f32 v13, v4  }
0x41: {  	[tilespmem:s0+$0x20] =	vst v2;
	v2 =	vmul.f32 v3, v6;
	v3 =	vld [tilespmem:s1+$0x10]  }
0x42: {  	v6 =	vmul.f32 v61, v7;
	v4 =	vld [tilespmem:s1+$0x30];
	[tilespmem:s0+$0x40] =	vst v1  }
0x43: {  	v1 =	vld [tilespmem:s13+$0x30];
	[tilespmem:s0+$0xFFFFFFB0] =	vst v2;
	v5 =	vmul.f32 v62, v5  }
0x44: {  	[tilespmem:s0+$0xFFFFFFD0] =	vst v6;
	v2 =	vld [tilespmem:s13+$0x50]  }
0x45: {  	s30 =	simm.s32 $0x0;
	s13 =	simm.s32 $0x52C0;
	[tilespmem:s0+$0xFFFFFFF0] =	vst v5;
	v6 =	vmul.f32 v63, v8;
	v5 =	vld [tilespmem:s1+$0x50]  }
.LBB2_3:
0x46: {  	v7 =	vld [tilespmem:s13+$0x60];
	v0 =	vmul.f32 v3, v0;
	s1 =	sadd.s32 $0x100, s1  }
0x47: {  	v3 =	vld [tilespmem:s1+$0x60];
	[tilespmem:s0+$0xFFFFFF90] =	vst v6  }
0x48: {  	s30 =	sadd.s32 $0x8, s30;
	v6 =	vld [tilespmem:s1+$0xFFFFFF80];
	[tilespmem:s0+$0x10] =	vst v0;
	v0 =	vmul.f32 v4, v1  }
0x49: {  	p0 =	slt.u32 s30, $0x58;
	v1 =	vld [tilespmem:s13+$0xFFFFFFA0]  }
0x4a: {  	v4 =	vld [tilespmem:s1+$0xFFFFFFA0];
	[tilespmem:s0+$0x30] =	vst v0;
	v0 =	vmul.f32 v5, v2  }
0x4b: {  	v2 =	vld [tilespmem:s13+$0xFFFFFFC0]  }
0x4c: {  	v5 =	vld [tilespmem:s1+$0xFFFFFFC0];
	v3 =	vmul.f32 v3, v7;
	[tilespmem:s0+$0x50] =	vst v0  }
0x4d: {  	s0 =	sadd.s32 $0x100, s0;
	v0 =	vld [tilespmem:s13+$0xFFFFFFE0]  }
0x4e: {  	v7 =	vld [tilespmem:s1+$0xFFFFFFE0];
	[tilespmem:s0+$0x60] =	vst v3  }
0x4f: {  	v1 =	vmul.f32 v4, v1;
	v3 =	vld [tilespmem:s13+$0x70]  }
0x50: {  	v4 =	vld [tilespmem:s1+$0x70]  }
0x51: {  	[tilespmem:s0+$0xFFFFFFA0] =	vst v1;
	v1 =	vmul.f32 v5, v2;
	v2 =	vld [tilespmem:s13+$0x0]  }
0x52: {  	v5 =	vld [tilespmem:s1+$0x0]  }
0x53: {  	[tilespmem:s0+$0xFFFFFFC0] =	vst v1;
	v0 =	vmul.f32 v7, v0;
	v1 =	vld [tilespmem:s13+$0x20]  }
0x54: {  	v7 =	vld [tilespmem:s1+$0x20]  }
0x55: {  	[tilespmem:s0+$0xFFFFFFE0] =	vst v0;
	v0 =	vld [tilespmem:s13+$0x40];
	v3 =	vmul.f32 v4, v3  }
0x56: {  	v4 =	vld [tilespmem:s1+$0x40]  }
0x57: {  	s14 =	simm.s32 $0x0;
	v8 =	vld [tilespmem:s13+$0xFFFFFF80];
	v2 =	vmul.f32 v5, v2;
	[tilespmem:s0+$0x70] =	vst v3  }
0x58: {  	v3 =	vld [tilespmem:s13+$0xFFFFFFB0]  }
0x59: {  	v5 =	vld [tilespmem:s1+$0xFFFFFFB0];
	[tilespmem:s0+$0x0] =	vst v2;
	v1 =	vmul.f32 v7, v1  }
0x5a: {  	v2 =	vld [tilespmem:s13+$0xFFFFFFD0]  }
0x5b: {  	v7 =	vld [tilespmem:s1+$0xFFFFFFD0];
	[tilespmem:s0+$0x20] =	vst v1;
	v0 =	vmul.f32 v4, v0  }
0x5c: {  	v1 =	vmul.f32 v6, v8;
	v4 =	vld [tilespmem:s13+$0xFFFFFFF0]  }
0x5d: {  	v6 =	vld [tilespmem:s1+$0xFFFFFFF0];
	[tilespmem:s0+$0x40] =	vst v0  }
0x5e: {  	[tilespmem:s0+$0xFFFFFF80] =	vst v1;
	v1 =	vmul.f32 v5, v3;
	v0 =	vld [tilespmem:s13+$0x10]  }
0x5f: {  	v5 =	vld [tilespmem:s13+$0xFFFFFF90]  }
0x60: {  	v8 =	vld [tilespmem:s1+$0xFFFFFF90];
	[tilespmem:s0+$0xFFFFFFB0] =	vst v1;
	v1 =	vmul.f32 v7, v2  }
.Ltmp0:
0x61: {  	v3 =	vld [tilespmem:s1+$0x10];
	(pc) =	sbr.rel @p0 .LBB2_3-.Ltmp0, $4  }
0x62: {  	[tilespmem:s0+$0xFFFFFFD0] =	vst v1;
	v2 =	vmul.f32 v6, v4;
	v1 =	vld [tilespmem:s13+$0x30]  }
0x63: {  	v4 =	vld [tilespmem:s1+$0x30]  }
0x64: {  	[tilespmem:s0+$0xFFFFFFF0] =	vst v2;
	v2 =	vld [tilespmem:s13+$0x50]  }
0x65: {  	s13 =	sadd.s32 $0x100, s13;
	v6 =	vmul.f32 v8, v5;
	v5 =	vld [tilespmem:s1+$0x50]  }
0x66: {  	_ =	sdelay $0x1  }
0x67: {  	v0 =	vmul.f32 v3, v0  }
0x68: {  	[tilespmem:s0+$0xFFFFFF90] =	vst v6;
	v1 =	vmul.f32 v4, v1  }
0x69: {  	[tilespmem:s0+$0x10] =	vst v0;
	v63 =	vmul.f32 v5, v2  }
0x6a: {  	[tilespmem:s0+$0x30] =	vst v1  }
0x6b: {  	[tilespmem:s0+$0x50] =	vst v63  }
.LBB2_5:
0x6c: {  	s0 =	sshra.s32 s14, $0x2  }
0x6d: {  	v0 =	vld [tilespmem:s0+$0x5D40]  }
0x6e: {  	v1 =	vld [tilespmem:s0+$0x7640]  }
0x6f: {  	v2 =	vld [tilespmem:s0+$0x5D50]  }
0x70: {  	v3 =	vld [tilespmem:s0+$0x7650];
	_ =	sdelay $0x1  }
0x71: {  	p0 =	sne.s32 s14, $0x180  }
.Ltmp1:
0x72: {  	_ = 	snop;
	(pc) =	sbr.rel @p0 .LBB2_5-.Ltmp1, $4  }
0x73: {  	v0 =	vmul.f32 v1, v0  }
0x74: {  	v63 =	vmul.f32 v3, v2  }
0x75: {  	[tilespmem:s0+$0x8F40] =	vst v0  }
0x76: {  	s14 =	sadd.s32 $0x80, s14;
	[tilespmem:s0+$0x8F50] =	vst v63  }
0x77: {  	s31 =	smul.u32 $0xC8, s29;
	_ =	sdelay $0x1  }
0x78: {  	s0 =	sadd.s32 s4, s31  }
0x79: {  	p0 =	seq.s32 s29, $0x31;
	s0 =	sshll.u32 s0, $0x2  }
0x7a: {  	s30 =	smul.u32 @!p0 $0xD0, s29;
	s0 =	sadd.s32 s5, s0  }
0x7b: {  	[hbm4b:s0+s3] =	stream.linear.scatter [tilespmem:s21], [sflag:$0x5], $0xC80, $0x38;
	[tilespmem:$0x9C40] =	vst v63  }
0x7c: {  	s1 =	simm.s32 @!p0 $0x64;
	s13 =	simm.s32 @!p0 $0x5140;
	s0 =	sadd.s32 @!p0 $0xD0, s30  }
0x7d: {  	[tilespmem:s13], [sflag:$0x1] =	stream.indirect.gather @!p0 [hbm4b:s2+s1], $0x20, s0, s1, $0xb8;
	[tilespmem:$0x9C40] =	vst v63  }
0x7e: {  	s0 =	sadd.s32 @!p0 $0x2970, s30;
	s13 =	simm.s32 @!p0 $0x6A40  }
0x7f: {  	[tilespmem:s13], [sflag:$0x3] =	stream.indirect.gather @!p0 [hbm4b:s2+s1], $0x20, s0, s1, $0xb8;
	[tilespmem:$0x9C40] =	vst v63  }
0x80: {  	_ =	swait.ge [sflag:s22], $0xC80  }
0x81: {  	[sflag:s22] =	ssyncset.done $0x0  }
0x82: {  	[sflag:s22] =	ssyncadd.s32 $0xFFFFF380  }
0x83: {  	_ =	swait.ge [sflag:s23], $0xC80  }
0x84: {  	[sflag:s23] =	ssyncset.done $0x0  }
0x85: {  	s0 =	simm.s32 @!p1 $0x6;
	[sflag:s23] =	ssyncadd.s32 $0xFFFFF380  }
0x86: {  	_ =	swait.ge @!p1 [sflag:s0], $0xC80  }
0x87: {  	[sflag:s0] =	ssyncset.done @!p1 $0x0  }
0x88: {  	s15 =	simm.s32 $0x5E40;
	[sflag:s0] =	ssyncadd.s32 @!p1 $0xFFFFF380  }
0x89: {  	s1 =	simm.s32 $0x7740;
	v0 =	vld [tilespmem:s15+$0x60]  }
0x8a: {  	v1 =	vld [tilespmem:s1+$0x60]  }
0x8b: {  	v2 =	vld [tilespmem:s1+$0xFFFFFF80]  }
0x8c: {  	v3 =	vld [tilespmem:s15+$0xFFFFFFA0]  }
0x8d: {  	v4 =	vld [tilespmem:s1+$0xFFFFFFA0]  }
0x8e: {  	v5 =	vld [tilespmem:s15+$0xFFFFFFC0]  }
0x8f: {  	v6 =	vld [tilespmem:s1+$0xFFFFFFC0]  }
0x90: {  	v7 =	vld [tilespmem:s1+$0xFFFFFFE0]  }
0x91: {  	v9 =	vld [tilespmem:s15+$0x0]  }
0x92: {  	v10 =	vld [tilespmem:s1+$0x0]  }
0x93: {  	v11 =	vld [tilespmem:s15+$0x20]  }
0x94: {  	v12 =	vld [tilespmem:s1+$0x20]  }
0x95: {  	v13 =	vld [tilespmem:s1+$0x40];
	v0 =	vmul.f32 v1, v0  }
0x96: {  	s0 =	simm.s32 $0x9040;
	v1 =	vld [tilespmem:s15+$0xFFFFFFE0];
	v3 =	vmul.f32 v4, v3  }
0x97: {  	v4 =	vld [tilespmem:s15+$0x40];
	[tilespmem:s0+$0x60] =	vst v0  }
0x98: {  	[tilespmem:s0+$0xFFFFFFA0] =	vst v3;
	v3 =	vmul.f32 v6, v5;
	v5 =	vld [tilespmem:s15+$0xFFFFFF80]  }
0x99: {  	v0 =	vld [tilespmem:s15+$0x70]  }
0x9a: {  	v8 =	vld [tilespmem:s1+$0x70]  }
0x9b: {  	v6 =	vld [tilespmem:s15+$0xFFFFFFB0]  }
0x9c: {  	[tilespmem:s0+$0xFFFFFFC0] =	vst v3;
	v3 =	vld [tilespmem:s1+$0xFFFFFFB0];
	v1 =	vmul.f32 v7, v1  }
0x9d: {  	v7 =	vld [tilespmem:s15+$0xFFFFFFD0]  }
0x9e: {  	v61 =	vld [tilespmem:s1+$0xFFFFFFD0];
	[tilespmem:s0+$0xFFFFFFE0] =	vst v1;
	v1 =	vmul.f32 v10, v9  }
0x9f: {  	v2 =	vmul.f32 v2, v5;
	v5 =	vld [tilespmem:s15+$0xFFFFFFF0]  }
0xa0: {  	v62 =	vld [tilespmem:s1+$0xFFFFFFF0];
	[tilespmem:s0+$0x0] =	vst v1  }
0xa1: {  	v1 =	vmul.f32 v8, v0;
	[tilespmem:s0+$0xFFFFFF80] =	vst v2;
	v0 =	vld [tilespmem:s15+$0x10]  }
0xa2: {  	v2 =	vmul.f32 v12, v11;
	v8 =	vld [tilespmem:s15+$0xFFFFFF90]  }
0xa3: {  	v63 =	vld [tilespmem:s1+$0xFFFFFF90];
	[tilespmem:s0+$0x70] =	vst v1;
	v1 =	vmul.f32 v13, v4  }
0xa4: {  	[tilespmem:s0+$0x20] =	vst v2;
	v2 =	vmul.f32 v3, v6;
	v3 =	vld [tilespmem:s1+$0x10]  }
0xa5: {  	v6 =	vmul.f32 v61, v7;
	v4 =	vld [tilespmem:s1+$0x30];
	[tilespmem:s0+$0x40] =	vst v1  }
0xa6: {  	v1 =	vld [tilespmem:s15+$0x30];
	[tilespmem:s0+$0xFFFFFFB0] =	vst v2;
	v5 =	vmul.f32 v62, v5  }
0xa7: {  	[tilespmem:s0+$0xFFFFFFD0] =	vst v6;
	v2 =	vld [tilespmem:s15+$0x50]  }
0xa8: {  	s14 =	simm.s32 $0x5F40;
	s29 =	sadd.s32 $0x1, s29;
	s13 =	simm.s32 $0x0;
	[tilespmem:s0+$0xFFFFFFF0] =	vst v5;
	v6 =	vmul.f32 v63, v8;
	v5 =	vld [tilespmem:s1+$0x50]  }
.LBB2_7:
0xa9: {  	v7 =	vld [tilespmem:s14+$0x60];
	v0 =	vmul.f32 v3, v0;
	s1 =	sadd.s32 $0x100, s1  }
0xaa: {  	v3 =	vld [tilespmem:s1+$0x60];
	[tilespmem:s0+$0xFFFFFF90] =	vst v6  }
0xab: {  	s13 =	sadd.s32 $0x8, s13;
	v6 =	vld [tilespmem:s1+$0xFFFFFF80];
	[tilespmem:s0+$0x10] =	vst v0;
	v0 =	vmul.f32 v4, v1  }
0xac: {  	p1 =	slt.u32 s13, $0x58;
	v1 =	vld [tilespmem:s14+$0xFFFFFFA0]  }
0xad: {  	v4 =	vld [tilespmem:s1+$0xFFFFFFA0];
	[tilespmem:s0+$0x30] =	vst v0;
	v0 =	vmul.f32 v5, v2  }
0xae: {  	v2 =	vld [tilespmem:s14+$0xFFFFFFC0]  }
0xaf: {  	v5 =	vld [tilespmem:s1+$0xFFFFFFC0];
	v3 =	vmul.f32 v3, v7;
	[tilespmem:s0+$0x50] =	vst v0  }
0xb0: {  	s0 =	sadd.s32 $0x100, s0;
	v0 =	vld [tilespmem:s14+$0xFFFFFFE0]  }
0xb1: {  	v7 =	vld [tilespmem:s1+$0xFFFFFFE0];
	[tilespmem:s0+$0x60] =	vst v3  }
0xb2: {  	v1 =	vmul.f32 v4, v1;
	v3 =	vld [tilespmem:s14+$0x70]  }
0xb3: {  	v4 =	vld [tilespmem:s1+$0x70]  }
0xb4: {  	[tilespmem:s0+$0xFFFFFFA0] =	vst v1;
	v1 =	vmul.f32 v5, v2;
	v2 =	vld [tilespmem:s14+$0x0]  }
0xb5: {  	v5 =	vld [tilespmem:s1+$0x0]  }
0xb6: {  	[tilespmem:s0+$0xFFFFFFC0] =	vst v1;
	v0 =	vmul.f32 v7, v0;
	v1 =	vld [tilespmem:s14+$0x20]  }
0xb7: {  	v7 =	vld [tilespmem:s1+$0x20]  }
0xb8: {  	[tilespmem:s0+$0xFFFFFFE0] =	vst v0;
	v0 =	vld [tilespmem:s14+$0x40];
	v3 =	vmul.f32 v4, v3  }
0xb9: {  	v4 =	vld [tilespmem:s1+$0x40]  }
0xba: {  	s15 =	simm.s32 $0x0;
	v8 =	vld [tilespmem:s14+$0xFFFFFF80];
	v2 =	vmul.f32 v5, v2;
	[tilespmem:s0+$0x70] =	vst v3  }
0xbb: {  	v3 =	vld [tilespmem:s14+$0xFFFFFFB0]  }
0xbc: {  	v5 =	vld [tilespmem:s1+$0xFFFFFFB0];
	[tilespmem:s0+$0x0] =	vst v2;
	v1 =	vmul.f32 v7, v1  }
0xbd: {  	v2 =	vld [tilespmem:s14+$0xFFFFFFD0]  }
0xbe: {  	v7 =	vld [tilespmem:s1+$0xFFFFFFD0];
	[tilespmem:s0+$0x20] =	vst v1;
	v0 =	vmul.f32 v4, v0  }
0xbf: {  	v1 =	vmul.f32 v6, v8;
	v4 =	vld [tilespmem:s14+$0xFFFFFFF0]  }
0xc0: {  	v6 =	vld [tilespmem:s1+$0xFFFFFFF0];
	[tilespmem:s0+$0x40] =	vst v0  }
0xc1: {  	[tilespmem:s0+$0xFFFFFF80] =	vst v1;
	v1 =	vmul.f32 v5, v3;
	v0 =	vld [tilespmem:s14+$0x10]  }
0xc2: {  	v5 =	vld [tilespmem:s14+$0xFFFFFF90]  }
0xc3: {  	v8 =	vld [tilespmem:s1+$0xFFFFFF90];
	[tilespmem:s0+$0xFFFFFFB0] =	vst v1;
	v1 =	vmul.f32 v7, v2  }
.Ltmp2:
0xc4: {  	v3 =	vld [tilespmem:s1+$0x10];
	(pc) =	sbr.rel @p1 .LBB2_7-.Ltmp2, $4  }
0xc5: {  	[tilespmem:s0+$0xFFFFFFD0] =	vst v1;
	v2 =	vmul.f32 v6, v4;
	v1 =	vld [tilespmem:s14+$0x30]  }
0xc6: {  	v4 =	vld [tilespmem:s1+$0x30]  }
0xc7: {  	[tilespmem:s0+$0xFFFFFFF0] =	vst v2;
	v2 =	vld [tilespmem:s14+$0x50]  }
0xc8: {  	s14 =	sadd.s32 $0x100, s14;
	v6 =	vmul.f32 v8, v5;
	v5 =	vld [tilespmem:s1+$0x50]  }
0xc9: {  	_ =	sdelay $0x1  }
0xca: {  	v0 =	vmul.f32 v3, v0  }
0xcb: {  	[tilespmem:s0+$0xFFFFFF90] =	vst v6;
	v1 =	vmul.f32 v4, v1  }
0xcc: {  	[tilespmem:s0+$0x10] =	vst v0;
	v63 =	vmul.f32 v5, v2  }
0xcd: {  	[tilespmem:s0+$0x30] =	vst v1  }
0xce: {  	[tilespmem:s0+$0x50] =	vst v63  }
.LBB2_9:
0xcf: {  	s0 =	sshra.s32 s15, $0x2  }
0xd0: {  	v0 =	vld [tilespmem:s0+$0x69C0]  }
0xd1: {  	v1 =	vld [tilespmem:s0+$0x82C0]  }
0xd2: {  	v2 =	vld [tilespmem:s0+$0x69D0]  }
0xd3: {  	v3 =	vld [tilespmem:s0+$0x82D0];
	_ =	sdelay $0x1  }
0xd4: {  	p1 =	sne.s32 s15, $0x180  }
.Ltmp3:
0xd5: {  	_ = 	snop;
	(pc) =	sbr.rel @p1 .LBB2_9-.Ltmp3, $4  }
0xd6: {  	v0 =	vmul.f32 v1, v0  }
0xd7: {  	v63 =	vmul.f32 v3, v2  }
0xd8: {  	[tilespmem:s0+$0x9BC0] =	vst v0  }
0xd9: {  	s15 =	sadd.s32 $0x80, s15;
	[tilespmem:s0+$0x9BD0] =	vst v63  }
0xda: {  	s0 =	sadd.s32 s31, s8  }
0xdb: {  	s0 =	sshll.u32 s0, $0x2  }
0xdc: {  	s0 =	sand.u32 $0x1FFFFFF0, s0  }
0xdd: {  	s0 =	sadd.s32 s5, s0  }
0xde: {  	[hbm4b:s0+s3] =	stream.linear.scatter [tilespmem:s24], [sflag:$0x6], $0xC80, $0x38;
	[tilespmem:$0x9C40] =	vst v63  }
0xdf: {  	s1 =	simm.s32 @!p0 $0x64;
	s13 =	simm.s32 @!p0 $0x5DC0;
	s0 =	sadd.s32 @!p0 $0x138, s30  }
0xe0: {  	[tilespmem:s13], [sflag:$0x2] =	stream.indirect.gather @!p0 [hbm4b:s2+s1], $0x20, s0, s1, $0xb8;
	[tilespmem:$0x9C40] =	vst v63  }
0xe1: {  	p1 =	sne.s32 @!p0 s29, $0x32;
	s0 =	sadd.s32 @!p0 $0x29D8, s30;
	s13 =	simm.s32 @!p0 $0x76C0  }
0xe2: {  	[tilespmem:s13], [sflag:$0x4] =	stream.indirect.gather @!p0 [hbm4b:s2+s1], $0x20, s0, s1, $0xb8;
	[tilespmem:$0x9C40] =	vst v63  }
0xe3: {  	p0 =	por p0, !p1  }
.Ltmp4:
0xe4: {  	_ = 	snop;
	(pc) =	sbr.rel @!p0 .LBB2_2-.Ltmp4, $1  }
0xe5: {  	_ =	sdelay $0x3  }
0xe6: {  	s28 =	sadd.s32 $0x1, s28  }
0xe7: {  	_ =	swait.ge [sflag:s25], $0xC80;
	p0 =	sne.s32 s28, s9  }
.Ltmp5:
0xe8: {  	[sflag:s25] =	ssyncset.done $0x0;
	(pc) =	sbr.rel @p0 .LBB2_1-.Ltmp5, $4  }
0xe9: {  	[sflag:s25] =	ssyncadd.s32 $0xFFFFF380  }
0xea: {  	_ =	swait.ge [sflag:s26], $0xC80  }
0xeb: {  	[sflag:s26] =	ssyncset.done $0x0  }
0xec: {  	[sflag:s26] =	ssyncadd.s32 $0xFFFFF380  }
0xed: {  	_ =	sfence.sel $0x180000  }
0xee: {  	[bflag:$0x0] =	sbarrier.arrive $0xFFFF  }
0xef: {  	_ =	strace $0x90000050  }
0xf0: {  	s0 =	stileid.u32;
	[bflag:$0x2] =	sbarrier.arrive $0xFFFF  }
0xf1: {  	p0 =	sne.s32 s0, $0x0;
	s0 =	rddreg [dreg:$0x2]  }
0xf2: {  	s0 =	sadd.s32 @!p0 $0x100000, s0  }
0xf3: {  	[sflag:s0] =	ssyncadd.tile.s32 @!p0 $0x1;
	_ =	shalt  }
.Lfunc_end2:
_tile_overlayer_lowered:
.L_overlay_start_2:
0xf4: {  	(tag) =	ssettag $0x2  }
0xf5: {  	s0 =	rddreg [dreg:$0x0];
	s2 =	stileid.u32  }
0xf6: {  	s1 =	rddreg [dreg:$0x1];
	p0 =	sne.s32 s2, $0x0  }
0xf7: {  	s3 =	rddreg [dreg:$0x2];
	[bflag:$0x3] =	sbarrier.arrive $0xFFFF;
	s2 =	simm.s32 @!p0 $0x1C07  }
0xf8: {  	[timem:s3], [sflag:s2] =	dma.local @!p0 [hbm:s0], s1  }
0xf9: {  	s0 =	simm.s32 @!p0 $0x7  }
0xfa: {  	_ =	swait.ge @!p0 [sflag:s0], s1  }
0xfb: {  	s1 =	ssub.s32 @!p0 $0x0, s1;
	[sflag:s0] =	ssyncset.done @!p0 $0x0  }
0xfc: {  	[sflag:s0] =	ssyncadd.s32 @!p0 s1  }
0xfd: {  	[bflag:$0x3] =	sbarrier.arrive $0xFFFF  }
0xfe: {  	_ =	shalt  }

</sc_bundles>
